<compile_context>
chip_gen: v7x
topology: tpu7x:2x2x1
jax: 0.10.2.dev20260603
libtpu: 0.0.44.dev20260713+nightly
codegen_flags: <defaults>
</compile_context>

<pallas_src>
import functools
import jax
import jax.numpy as jnp
from jax import lax
from jax.experimental import pallas as pl
from jax.experimental.pallas import tpu as pltpu
from jax.experimental.pallas import tpu_sc as plsc

N = 10000
D = 128
H2 = 64
E = 320000
NC, NS = 2, 16
NP = 10240
CH = 128
EPW = 20480
EPAD = NS * EPW - E
NCHUNK = EPW // CH
RPW = NP // NS
SUP = 40
NSUP = NCHUNK // SUP


def _seg_body(with_counts, *refs):
    if with_counts:
        (feat, src_c, dst_c, zrows, ones_h, sums_out, cnt_out,
         src_idx, dst_idx, rows0, rows1, acc, sem0, sem1) = refs
    else:
        (feat, src_c, dst_c, zrows, sums_out,
         src_idx, dst_idx, rows0, rows1, acc, sem0, sem1) = refs
    c = lax.axis_index("c")
    s = lax.axis_index("s")
    wid = c * NS + s
    row0 = c * NP + s * RPW

    def zero_acc():
        pltpu.sync_copy(zrows, acc.at[pl.ds(s * RPW, RPW)])
        plsc.subcore_barrier()

    def write_acc(out):
        pltpu.sync_copy(acc.at[pl.ds(s * RPW, RPW)], out.at[pl.ds(row0, RPW)])
        plsc.subcore_barrier()

    zero_acc()

    def sup_main(t, carry):
        pltpu.sync_copy(src_c.at[wid, t], src_idx)
        pltpu.sync_copy(dst_c.at[wid, t], dst_idx)
        pltpu.async_copy(feat.at[src_idx.at[0, 0]], rows0, sem0)
        pltpu.async_copy(feat.at[src_idx.at[1, 0]], rows1, sem1)

        def mstep(i2, carry2):
            c0 = 2 * i2
            pltpu.make_async_copy(
                feat.at[src_idx.at[c0, 0]], rows0, sem0).wait()
            pltpu.sync_copy(rows0, acc.at[dst_idx.at[c0, 0]], add=True)

            @pl.when(i2 < SUP // 2 - 1)
            def _():
                pltpu.async_copy(feat.at[src_idx.at[c0 + 2, 0]], rows0, sem0)

            pltpu.make_async_copy(
                feat.at[src_idx.at[c0 + 1, 0]], rows1, sem1).wait()
            pltpu.sync_copy(rows1, acc.at[dst_idx.at[c0 + 1, 0]], add=True)

            @pl.when(i2 < SUP // 2 - 1)
            def _():
                pltpu.async_copy(feat.at[src_idx.at[c0 + 3, 0]], rows1, sem1)

            return carry2

        lax.fori_loop(0, SUP // 2, mstep, 0)
        return carry

    lax.fori_loop(0, NSUP, sup_main, 0)
    plsc.subcore_barrier()
    write_acc(sums_out)

    if with_counts:
        zero_acc()
        pltpu.sync_copy(ones_h, rows0)

        def sup_cnt(t, carry):
            pltpu.sync_copy(dst_c.at[wid, t], dst_idx)
            descs = [
                pltpu.async_copy(rows0, acc.at[dst_idx.at[j, 0]],
                                 sem0, add=True)
                for j in range(SUP)
            ]
            for d in descs:
                d.wait()
            return carry

        lax.fori_loop(0, NSUP, sup_cnt, 0)
        plsc.subcore_barrier()
        write_acc(cnt_out)


@functools.cache
def _seg_kernels():
    mesh = plsc.VectorSubcoreMesh(core_axis_name="c", subcore_axis_name="s",
                                  num_cores=NC, num_subcores=NS)
    base_scratch = (
        pltpu.VMEM((SUP, 1, CH), jnp.int32),
        pltpu.VMEM((SUP, 1, CH), jnp.int32),
        pltpu.VMEM((CH, D), jnp.float32),
        pltpu.VMEM((CH, D), jnp.float32),
        pltpu.VMEM_SHARED((NP, D), jnp.float32),
        pltpu.SemaphoreType.DMA,
        pltpu.SemaphoreType.DMA,
    )
    with_counts = pl.kernel(
        functools.partial(_seg_body, True),
        out_type=(jax.ShapeDtypeStruct((2 * NP, D), jnp.float32),
                  jax.ShapeDtypeStruct((2 * NP, D), jnp.float32)),
        mesh=mesh,
        scratch_types=base_scratch,
    )
    plain = pl.kernel(
        functools.partial(_seg_body, False),
        out_type=jax.ShapeDtypeStruct((2 * NP, D), jnp.float32),
        mesh=mesh,
        scratch_types=base_scratch,
    )
    return with_counts, plain

BLK = 1024


def _inv_counts(cnt_blk):
    return 1.0 / jnp.clip(cnt_blk[:, 0:1], 1.0, None)


def _tc1_body(sums, cnt, x, w1p, w1n, b1p, b1n, z_out):
    f32 = jnp.float32
    ap = sums[0] * _inv_counts(cnt[0])
    an = sums[1] * _inv_counts(cnt[1])
    xb = x[...]
    outp = (jnp.dot(ap, w1p[0:D, :], preferred_element_type=f32)
            + jnp.dot(xb, w1p[D:2 * D, :], preferred_element_type=f32)
            + b1p[...])
    outn = (jnp.dot(an, w1n[0:D, :], preferred_element_type=f32)
            + jnp.dot(xb, w1n[D:2 * D, :], preferred_element_type=f32)
            + b1n[...])
    z_out[...] = jnp.maximum(jnp.concatenate([outp, outn], axis=1), 0.0)


def _tc2_body(sums, cnt, z, w2p, w2n, b2p, b2n, out):
    f32 = jnp.float32
    mp = sums[0] * _inv_counts(cnt[0])
    mn = sums[1] * _inv_counts(cnt[1])
    zb = z[...]
    outp = (jnp.dot(mp[:, :H2], w2p[0:H2, :], preferred_element_type=f32)
            + jnp.dot(mn[:, H2:], w2p[H2:2 * H2, :], preferred_element_type=f32)
            + jnp.dot(zb[:, :H2], w2p[2 * H2:, :], preferred_element_type=f32)
            + b2p[...])
    outn = (jnp.dot(mp[:, H2:], w2n[0:H2, :], preferred_element_type=f32)
            + jnp.dot(mn[:, :H2], w2n[H2:2 * H2, :], preferred_element_type=f32)
            + jnp.dot(zb[:, H2:], w2n[2 * H2:, :], preferred_element_type=f32)
            + b2n[...])
    out[...] = jnp.maximum(jnp.concatenate([outp, outn], axis=1), 0.0)


def _row_spec(w):
    return pl.BlockSpec((BLK, w), lambda i: (i, 0))


def _pair_spec(w):
    return pl.BlockSpec((2, BLK, w), lambda i: (0, i, 0))


def _full_spec(r, c):
    return pl.BlockSpec((r, c), lambda i: (0, 0))


def _make_tc(body, wrows):
    return pl.pallas_call(
        body,
        grid=(NP // BLK,),
        in_specs=[
            _pair_spec(D), _pair_spec(D), _row_spec(D),
            _full_spec(wrows, H2), _full_spec(wrows, H2),
            _full_spec(1, H2), _full_spec(1, H2),
        ],
        out_specs=_row_spec(D),
        out_shape=jax.ShapeDtypeStruct((NP, D), jnp.float32),
    )


_tc1 = _make_tc(_tc1_body, 2 * D)
_tc2 = _make_tc(_tc2_body, 3 * H2)


def kernel(x, pos_edge_index, neg_edge_index, W1p, b1p, W1n, b1n,
           W2p, b2p, W2n, b2n):
    pad = (jnp.arange(EPAD, dtype=jnp.int32) % (NP - N)) + N

    def edges(row):
        return jnp.concatenate(
            [pos_edge_index[row], pad, neg_edge_index[row], pad]).reshape(
                NC * NS, NSUP, SUP, 1, CH)

    src = edges(0)
    dst = edges(1)
    xp = jnp.pad(x, ((0, NP - N), (0, 0)))

    seg_counts, seg_plain = _seg_kernels()
    zrows = jnp.zeros((RPW, D), jnp.float32)
    ones_h = jnp.ones((CH, D), jnp.float32)
    sums1, cnts = seg_counts(xp, src, dst, zrows, ones_h)
    sums1 = sums1.reshape(2, NP, D)
    cnts = cnts.reshape(2, NP, D)
    z = _tc1(sums1, cnts, xp, W1p, W1n,
             b1p.reshape(1, H2), b1n.reshape(1, H2))
    sums2 = seg_plain(z, src, dst, zrows).reshape(2, NP, D)
    out = _tc2(sums2, cnts, z, W2p, W2n,
               b2p.reshape(1, H2), b2n.reshape(1, H2))
    return out[:N]

# --- scband reference (transcript-rebuilt; emitter-appended) ---
"""Pipeline reference for scband-signed-gcn-17437567222139 (READ-ONLY COPY).

The authoritative reference and input builder live on the scoring server;
editing this copy changes nothing except your own understanding.
"""

import jax, jax.numpy as jnp
import numpy as np

N_NODES = 10000
D_IN = 128
HIDDEN = 128
H2 = HIDDEN // 2  # 64 per-sign channels
E_POS = 320000
E_NEG = 320000


def _glorot(key, shape):
    fan_in, fan_out = shape
    lim = (6.0 / (fan_in + fan_out)) ** 0.5
    return jax.random.uniform(key, shape, minval=-lim, maxval=lim, dtype=jnp.float32)


def segment_mean(vals, seg, num):
    s = jax.ops.segment_sum(vals, seg, num_segments=num)
    c = jax.ops.segment_sum(jnp.ones((vals.shape[0],), vals.dtype), seg, num_segments=num)
    return s / jnp.clip(c, 1.0, None)[:, None]


def setup_inputs(seed: int = 0) -> dict:
    key = jax.random.key(seed)
    ks = jax.random.split(key, 12)
    x = jax.random.normal(ks[0], (N_NODES, D_IN), dtype=jnp.float32)
    pos_edge_index = jax.random.randint(ks[1], (2, E_POS), 0, N_NODES, dtype=jnp.int32)
    neg_edge_index = jax.random.randint(ks[2], (2, E_NEG), 0, N_NODES, dtype=jnp.int32)
    # conv1 (first_aggr=True): Linear(2*D_IN -> H2) for pos and neg
    W1p = _glorot(ks[3], (2 * D_IN, H2)); b1p = jnp.zeros((H2,), jnp.float32)
    W1n = _glorot(ks[4], (2 * D_IN, H2)); b1n = jnp.zeros((H2,), jnp.float32)
    # conv2 (first_aggr=False): Linear(3*H2 -> H2) for pos and neg
    W2p = _glorot(ks[5], (3 * H2, H2)); b2p = jnp.zeros((H2,), jnp.float32)
    W2n = _glorot(ks[6], (3 * H2, H2)); b2n = jnp.zeros((H2,), jnp.float32)
    return {
        'x': x,
        'pos_edge_index': pos_edge_index,
        'neg_edge_index': neg_edge_index,
        'W1p': W1p, 'b1p': b1p, 'W1n': W1n, 'b1n': b1n,
        'W2p': W2p, 'b2p': b2p, 'W2n': W2n, 'b2n': b2n,
    }


def reference(x, pos_edge_index, neg_edge_index, W1p, b1p, W1n, b1n, W2p, b2p, W2n, b2n):
    N = x.shape[0]
    # ---- conv1: SignedConv(first_aggr=True) ----
    # aggregate source features at destination via mean over pos / neg edges
    ap = segment_mean(x[pos_edge_index[0]], pos_edge_index[1], N)
    an = segment_mean(x[neg_edge_index[0]], neg_edge_index[1], N)
    out_p = jnp.concatenate([ap, x], axis=1) @ W1p + b1p
    out_n = jnp.concatenate([an, x], axis=1) @ W1n + b1n
    z = jax.nn.relu(jnp.concatenate([out_p, out_n], axis=1))
    # ---- conv2: SignedConv(first_aggr=False) ----
    zp, zn = z[:, :H2], z[:, H2:]
    app = segment_mean(zp[pos_edge_index[0]], pos_edge_index[1], N)  # pos part over pos edges
    apn = segment_mean(zn[neg_edge_index[0]], neg_edge_index[1], N)  # neg part over neg edges
    anp = segment_mean(zn[pos_edge_index[0]], pos_edge_index[1], N)  # neg part over pos edges
    ann = segment_mean(zp[neg_edge_index[0]], neg_edge_index[1], N)  # pos part over neg edges
    out_p = jnp.concatenate([app, apn, zp], axis=1) @ W2p + b2p
    out_n = jnp.concatenate([anp, ann, zn], axis=1) @ W2n + b2n
    z = jax.nn.relu(jnp.concatenate([out_p, out_n], axis=1))
    return z

if __name__ == "__main__":
    import jax
    _d = setup_inputs()
    print(jax.jit(kernel)(*tuple(_d.values())))

</pallas_src>

<mosaic_0001>
#map = affine_map<(d0, d1) -> (0, 0)>
#map1 = affine_map<(d0, d1) -> (0, 0, 0, 0, 0)>
module attributes {stable_mosaic.version = 14 : i64} {
  func.func @_seg_body(%arg0: i32, %arg1: i32, %arg2: memref<10240x128xf32, #tpu.memory_space<hbm>>, %arg3: memref<32x4x40x1x128xi32, #tpu.memory_space<hbm>>, %arg4: memref<32x4x40x1x128xi32, #tpu.memory_space<hbm>>, %arg5: memref<640x128xf32, #tpu.memory_space<hbm>>, %arg6: memref<20480x128xf32, #tpu.memory_space<hbm>>, %arg7: memref<40x1x128xi32, #tpu.memory_space<vmem>>, %arg8: memref<40x1x128xi32, #tpu.memory_space<vmem>>, %arg9: memref<128x128xf32, #tpu.memory_space<vmem>>, %arg10: memref<128x128xf32, #tpu.memory_space<vmem>>, %arg11: memref<10240x128xf32, #tpu.memory_space<vmem_shared>>, %arg12: memref<!tpu.dma_semaphore, #tpu.memory_space<semaphore_mem>>, %arg13: memref<!tpu.dma_semaphore, #tpu.memory_space<semaphore_mem>>) attributes {dimension_semantics = [#tpu.dimension_semantics<core_parallel>, #tpu.dimension_semantics<subcore_parallel>], iteration_bounds = array<i64: 2, 16>, scalar_prefetch = 0 : i64, scratch_operands = 7 : i64, tpu.core_type = #tpu.core_type<sc_vector_subcore>, window_params = [{transform_indices = #map}, {transform_indices = #map1}, {transform_indices = #map1}, {transform_indices = #map}, {transform_indices = #map}]} {
    %mul3A = arith.constant 16 : i32
    %mul3A_0 = arith.muli %arg0, %mul3A : i32
    %add3A = arith.addi %mul3A_0, %arg1 : i32
    %mul3A_1 = arith.constant 10240 : i32
    %mul3A_2 = arith.muli %arg0, %mul3A_1 : i32
    %mul3A_3 = arith.constant 640 : i32
    %mul3A_4 = arith.muli %arg1, %mul3A_3 : i32
    %add3A_5 = arith.addi %mul3A_2, %mul3A_4 : i32
    %mul3A_6 = arith.constant 640 : i32
    %mul3A_7 = arith.muli %arg1, %mul3A_6 : i32
    "tpu.region"() ({
      %run_scoped3A = tpu.sem_alloc : memref<!tpu.dma_semaphore, #tpu.memory_space<semaphore_mem>>
      %dma_start3A = arith.constant 0 : i32
      %dma_start3A_17 = tpu.memref_slice %arg11[%mul3A_7, %dma_start3A] : memref<10240x128xf32, #tpu.memory_space<vmem_shared>> -> memref<640x128xf32, #tpu.memory_space<vmem_shared>>
      tpu.enqueue_dma source(%arg5 : memref<640x128xf32, #tpu.memory_space<hbm>>) target(%dma_start3A_17 : memref<640x128xf32, #tpu.memory_space<vmem_shared>>) target_semaphore(%run_scoped3A : memref<!tpu.dma_semaphore, #tpu.memory_space<semaphore_mem>>)
      %dma_wait3A = arith.constant 0 : i32
      %dma_wait3A_18 = tpu.memref_slice %arg11[%mul3A_7, %dma_wait3A] : memref<10240x128xf32, #tpu.memory_space<vmem_shared>> -> memref<640x128xf32, #tpu.memory_space<vmem_shared>>
      tpu.wait_dma2 semaphore(%run_scoped3A : memref<!tpu.dma_semaphore, #tpu.memory_space<semaphore_mem>>) src(%arg5 : memref<640x128xf32, #tpu.memory_space<hbm>>) dst(%dma_wait3A_18 : memref<640x128xf32, #tpu.memory_space<vmem_shared>>)
      tpu.yield
    }) : () -> ()
    %barrier3A = arith.constant 0 : index
    tpu.barrier barrier_id(%barrier3A)
    %scan3A = arith.constant 0 : i32
    %scan3A_8 = arith.constant 0 : i32
    %scan3A_9 = arith.constant 4 : i32
    %scan3A_10 = arith.addi %scan3A_8, %scan3A_9 : i32
    %scan3A_11 = arith.constant 1 : i32
    scf.for %scan3A_17 = %scan3A_8 to %scan3A_10 step %scan3A_11  : i32 {
      "tpu.region"() ({
        %run_scoped3A = tpu.sem_alloc : memref<!tpu.dma_semaphore, #tpu.memory_space<semaphore_mem>>
        %dma_start3A_39 = arith.constant 0 : i32
        %dma_start3A_40 = arith.constant 0 : i32
        %dma_start3A_41 = arith.constant 0 : i32
        %dma_start3A_42 = tpu.memref_slice %arg3[%add3A, %scan3A_17, %dma_start3A_39, %dma_start3A_40, %dma_start3A_41] : memref<32x4x40x1x128xi32, #tpu.memory_space<hbm>> -> memref<1x1x40x1x128xi32, #tpu.memory_space<hbm>>
        %dma_start3A_43 = tpu.memref_squeeze %dma_start3A_42 : memref<1x1x40x1x128xi32, #tpu.memory_space<hbm>> -> memref<40x1x128xi32, #tpu.memory_space<hbm>>
        %dma_start3A_44 = arith.constant 0 : i32
        %dma_start3A_45 = arith.constant 0 : i32
        %dma_start3A_46 = arith.constant 0 : i32
        %dma_start3A_47 = tpu.memref_slice %arg3[%add3A, %scan3A_17, %dma_start3A_44, %dma_start3A_45, %dma_start3A_46] : memref<32x4x40x1x128xi32, #tpu.memory_space<hbm>> -> memref<1x1x40x1x128xi32, #tpu.memory_space<hbm>>
        %dma_start3A_48 = tpu.memref_squeeze %dma_start3A_47 : memref<1x1x40x1x128xi32, #tpu.memory_space<hbm>> -> memref<40x1x128xi32, #tpu.memory_space<hbm>>
        tpu.enqueue_dma source(%dma_start3A_48 : memref<40x1x128xi32, #tpu.memory_space<hbm>>) target(%arg7 : memref<40x1x128xi32, #tpu.memory_space<vmem>>) target_semaphore(%run_scoped3A : memref<!tpu.dma_semaphore, #tpu.memory_space<semaphore_mem>>)
        %dma_wait3A = arith.constant 0 : i32
        %dma_wait3A_49 = arith.constant 0 : i32
        %dma_wait3A_50 = arith.constant 0 : i32
        %dma_wait3A_51 = tpu.memref_slice %arg3[%add3A, %scan3A_17, %dma_wait3A, %dma_wait3A_49, %dma_wait3A_50] : memref<32x4x40x1x128xi32, #tpu.memory_space<hbm>> -> memref<1x1x40x1x128xi32, #tpu.memory_space<hbm>>
        %dma_wait3A_52 = tpu.memref_squeeze %dma_wait3A_51 : memref<1x1x40x1x128xi32, #tpu.memory_space<hbm>> -> memref<40x1x128xi32, #tpu.memory_space<hbm>>
        %dma_wait3A_53 = arith.constant 0 : i32
        %dma_wait3A_54 = arith.constant 0 : i32
        %dma_wait3A_55 = arith.constant 0 : i32
        %dma_wait3A_56 = tpu.memref_slice %arg3[%add3A, %scan3A_17, %dma_wait3A_53, %dma_wait3A_54, %dma_wait3A_55] : memref<32x4x40x1x128xi32, #tpu.memory_space<hbm>> -> memref<1x1x40x1x128xi32, #tpu.memory_space<hbm>>
        %dma_wait3A_57 = tpu.memref_squeeze %dma_wait3A_56 : memref<1x1x40x1x128xi32, #tpu.memory_space<hbm>> -> memref<40x1x128xi32, #tpu.memory_space<hbm>>
        tpu.wait_dma2 semaphore(%run_scoped3A : memref<!tpu.dma_semaphore, #tpu.memory_space<semaphore_mem>>) src(%dma_wait3A_57 : memref<40x1x128xi32, #tpu.memory_space<hbm>>) dst(%arg7 : memref<40x1x128xi32, #tpu.memory_space<vmem>>)
        tpu.yield
      }) : () -> ()
      "tpu.region"() ({
        %run_scoped3A = tpu.sem_alloc : memref<!tpu.dma_semaphore, #tpu.memory_space<semaphore_mem>>
        %dma_start3A_39 = arith.constant 0 : i32
        %dma_start3A_40 = arith.constant 0 : i32
        %dma_start3A_41 = arith.constant 0 : i32
        %dma_start3A_42 = tpu.memref_slice %arg4[%add3A, %scan3A_17, %dma_start3A_39, %dma_start3A_40, %dma_start3A_41] : memref<32x4x40x1x128xi32, #tpu.memory_space<hbm>> -> memref<1x1x40x1x128xi32, #tpu.memory_space<hbm>>
        %dma_start3A_43 = tpu.memref_squeeze %dma_start3A_42 : memref<1x1x40x1x128xi32, #tpu.memory_space<hbm>> -> memref<40x1x128xi32, #tpu.memory_space<hbm>>
        %dma_start3A_44 = arith.constant 0 : i32
        %dma_start3A_45 = arith.constant 0 : i32
        %dma_start3A_46 = arith.constant 0 : i32
        %dma_start3A_47 = tpu.memref_slice %arg4[%add3A, %scan3A_17, %dma_start3A_44, %dma_start3A_45, %dma_start3A_46] : memref<32x4x40x1x128xi32, #tpu.memory_space<hbm>> -> memref<1x1x40x1x128xi32, #tpu.memory_space<hbm>>
        %dma_start3A_48 = tpu.memref_squeeze %dma_start3A_47 : memref<1x1x40x1x128xi32, #tpu.memory_space<hbm>> -> memref<40x1x128xi32, #tpu.memory_space<hbm>>
        tpu.enqueue_dma source(%dma_start3A_48 : memref<40x1x128xi32, #tpu.memory_space<hbm>>) target(%arg8 : memref<40x1x128xi32, #tpu.memory_space<vmem>>) target_semaphore(%run_scoped3A : memref<!tpu.dma_semaphore, #tpu.memory_space<semaphore_mem>>)
        %dma_wait3A = arith.constant 0 : i32
        %dma_wait3A_49 = arith.constant 0 : i32
        %dma_wait3A_50 = arith.constant 0 : i32
        %dma_wait3A_51 = tpu.memref_slice %arg4[%add3A, %scan3A_17, %dma_wait3A, %dma_wait3A_49, %dma_wait3A_50] : memref<32x4x40x1x128xi32, #tpu.memory_space<hbm>> -> memref<1x1x40x1x128xi32, #tpu.memory_space<hbm>>
        %dma_wait3A_52 = tpu.memref_squeeze %dma_wait3A_51 : memref<1x1x40x1x128xi32, #tpu.memory_space<hbm>> -> memref<40x1x128xi32, #tpu.memory_space<hbm>>
        %dma_wait3A_53 = arith.constant 0 : i32
        %dma_wait3A_54 = arith.constant 0 : i32
        %dma_wait3A_55 = arith.constant 0 : i32
        %dma_wait3A_56 = tpu.memref_slice %arg4[%add3A, %scan3A_17, %dma_wait3A_53, %dma_wait3A_54, %dma_wait3A_55] : memref<32x4x40x1x128xi32, #tpu.memory_space<hbm>> -> memref<1x1x40x1x128xi32, #tpu.memory_space<hbm>>
        %dma_wait3A_57 = tpu.memref_squeeze %dma_wait3A_56 : memref<1x1x40x1x128xi32, #tpu.memory_space<hbm>> -> memref<40x1x128xi32, #tpu.memory_space<hbm>>
        tpu.wait_dma2 semaphore(%run_scoped3A : memref<!tpu.dma_semaphore, #tpu.memory_space<semaphore_mem>>) src(%dma_wait3A_57 : memref<40x1x128xi32, #tpu.memory_space<hbm>>) dst(%arg8 : memref<40x1x128xi32, #tpu.memory_space<vmem>>)
        tpu.yield
      }) : () -> ()
      %dma_start3A = arith.constant 0 : i32
      %dma_start3A_18 = arith.constant 0 : i32
      %dma_start3A_19 = arith.constant 0 : i32
      %dma_start3A_20 = tpu.memref_slice %arg7[%dma_start3A, %dma_start3A_18, %dma_start3A_19] : memref<40x1x128xi32, #tpu.memory_space<vmem>> -> memref<1x1x128xi32, #tpu.memory_space<vmem>>
      %dma_start3A_21 = tpu.memref_squeeze %dma_start3A_20 : memref<1x1x128xi32, #tpu.memory_space<vmem>> -> memref<128xi32, #tpu.memory_space<vmem>>
      %dma_start3A_22 = arith.constant 0 : i32
      %dma_start3A_23 = arith.constant 0 : i32
      %dma_start3A_24 = tpu.memref_slice %arg2[%dma_start3A_22, %dma_start3A_23] : memref<10240x128xf32, #tpu.memory_space<hbm>> -> memref<10240x128xf32, #tpu.memory_space<hbm>>
      tpu.enqueue_indirect_dma source(%dma_start3A_24 : memref<10240x128xf32, #tpu.memory_space<hbm>>) target(%arg9 : memref<128x128xf32, #tpu.memory_space<vmem>>) offsets(%dma_start3A_21 : memref<128xi32, #tpu.memory_space<vmem>>) semaphore(%arg12 : memref<!tpu.dma_semaphore, #tpu.memory_space<semaphore_mem>>)
      %dma_start3A_25 = arith.constant 1 : i32
      %dma_start3A_26 = arith.constant 0 : i32
      %dma_start3A_27 = arith.constant 0 : i32
      %dma_start3A_28 = tpu.memref_slice %arg7[%dma_start3A_25, %dma_start3A_26, %dma_start3A_27] : memref<40x1x128xi32, #tpu.memory_space<vmem>> -> memref<1x1x128xi32, #tpu.memory_space<vmem>>
      %dma_start3A_29 = tpu.memref_squeeze %dma_start3A_28 : memref<1x1x128xi32, #tpu.memory_space<vmem>> -> memref<128xi32, #tpu.memory_space<vmem>>
      %dma_start3A_30 = arith.constant 0 : i32
      %dma_start3A_31 = arith.constant 0 : i32
      %dma_start3A_32 = tpu.memref_slice %arg2[%dma_start3A_30, %dma_start3A_31] : memref<10240x128xf32, #tpu.memory_space<hbm>> -> memref<10240x128xf32, #tpu.memory_space<hbm>>
      tpu.enqueue_indirect_dma source(%dma_start3A_32 : memref<10240x128xf32, #tpu.memory_space<hbm>>) target(%arg10 : memref<128x128xf32, #tpu.memory_space<vmem>>) offsets(%dma_start3A_29 : memref<128xi32, #tpu.memory_space<vmem>>) semaphore(%arg13 : memref<!tpu.dma_semaphore, #tpu.memory_space<semaphore_mem>>)
      %scan3A_33 = arith.constant 0 : i32
      %scan3A_34 = arith.constant 0 : i32
      %scan3A_35 = arith.constant 20 : i32
      %scan3A_36 = arith.addi %scan3A_34, %scan3A_35 : i32
      %scan3A_37 = arith.constant 1 : i32
      scf.for %scan3A_39 = %scan3A_34 to %scan3A_36 step %scan3A_37  : i32 {
        %mul3A_40 = arith.constant 2 : i32
        %mul3A_41 = arith.muli %mul3A_40, %scan3A_39 : i32
        %dma_wait3A = arith.constant 0 : i32
        %dma_wait3A_42 = arith.constant 0 : i32
        %dma_wait3A_43 = tpu.memref_slice %arg7[%mul3A_41, %dma_wait3A, %dma_wait3A_42] : memref<40x1x128xi32, #tpu.memory_space<vmem>> -> memref<1x1x128xi32, #tpu.memory_space<vmem>>
        %dma_wait3A_44 = tpu.memref_squeeze %dma_wait3A_43 : memref<1x1x128xi32, #tpu.memory_space<vmem>> -> memref<128xi32, #tpu.memory_space<vmem>>
        %dma_wait3A_45 = arith.constant 0 : i32
        %dma_wait3A_46 = arith.constant 0 : i32
        %dma_wait3A_47 = tpu.memref_slice %arg2[%dma_wait3A_45, %dma_wait3A_46] : memref<10240x128xf32, #tpu.memory_space<hbm>> -> memref<10240x128xf32, #tpu.memory_space<hbm>>
        tpu.wait_indirect_dma semaphore(%arg12 : memref<!tpu.dma_semaphore, #tpu.memory_space<semaphore_mem>>) src(%dma_wait3A_47 : memref<10240x128xf32, #tpu.memory_space<hbm>>) dst(%arg9 : memref<128x128xf32, #tpu.memory_space<vmem>>)
        %run_scoped3A = arith.constant 0 : i32
        "tpu.region"() ({
          %run_scoped3A_67 = tpu.sem_alloc : memref<!tpu.dma_semaphore, #tpu.memory_space<semaphore_mem>>
          %dma_start3A_68 = arith.constant 0 : i32
          %dma_start3A_69 = tpu.memref_slice %arg8[%mul3A_41, %run_scoped3A, %dma_start3A_68] : memref<40x1x128xi32, #tpu.memory_space<vmem>> -> memref<1x1x128xi32, #tpu.memory_space<vmem>>
          %dma_start3A_70 = tpu.memref_squeeze %dma_start3A_69 : memref<1x1x128xi32, #tpu.memory_space<vmem>> -> memref<128xi32, #tpu.memory_space<vmem>>
          %dma_start3A_71 = arith.constant 0 : i32
          %dma_start3A_72 = arith.constant 0 : i32
          %dma_start3A_73 = tpu.memref_slice %arg11[%dma_start3A_71, %dma_start3A_72] : memref<10240x128xf32, #tpu.memory_space<vmem_shared>> -> memref<10240x128xf32, #tpu.memory_space<vmem_shared>>
          tpu.enqueue_indirect_dma source(%arg9 : memref<128x128xf32, #tpu.memory_space<vmem>>) target(%dma_start3A_73 : memref<10240x128xf32, #tpu.memory_space<vmem_shared>>) offsets(%dma_start3A_70 : memref<128xi32, #tpu.memory_space<vmem>>) semaphore(%run_scoped3A_67 : memref<!tpu.dma_semaphore, #tpu.memory_space<semaphore_mem>>) {add = true}
          %dma_wait3A_74 = arith.constant 0 : i32
          %dma_wait3A_75 = tpu.memref_slice %arg8[%mul3A_41, %run_scoped3A, %dma_wait3A_74] : memref<40x1x128xi32, #tpu.memory_space<vmem>> -> memref<1x1x128xi32, #tpu.memory_space<vmem>>
          %dma_wait3A_76 = tpu.memref_squeeze %dma_wait3A_75 : memref<1x1x128xi32, #tpu.memory_space<vmem>> -> memref<128xi32, #tpu.memory_space<vmem>>
          %dma_wait3A_77 = arith.constant 0 : i32
          %dma_wait3A_78 = arith.constant 0 : i32
          %dma_wait3A_79 = tpu.memref_slice %arg11[%dma_wait3A_77, %dma_wait3A_78] : memref<10240x128xf32, #tpu.memory_space<vmem_shared>> -> memref<10240x128xf32, #tpu.memory_space<vmem_shared>>
          tpu.wait_indirect_dma semaphore(%run_scoped3A_67 : memref<!tpu.dma_semaphore, #tpu.memory_space<semaphore_mem>>) src(%arg9 : memref<128x128xf32, #tpu.memory_space<vmem>>) dst(%dma_wait3A_79 : memref<10240x128xf32, #tpu.memory_space<vmem_shared>>)
          tpu.yield
        }) : () -> ()
        %lt3A = arith.constant 19 : i32
        %lt3A_48 = arith.cmpi slt, %scan3A_39, %lt3A : i32
        %convert_element_type3A = arith.extui %lt3A_48 : i1 to i32
        %cond3A = arith.constant 0 : i32
        %cond3A_49 = arith.cmpi ne, %convert_element_type3A, %cond3A : i32
        scf.if %cond3A_49 {
          %add3A_67 = arith.constant 2 : i32
          %add3A_68 = arith.addi %mul3A_41, %add3A_67 : i32
          %dma_start3A_69 = arith.constant 0 : i32
          %dma_start3A_70 = arith.constant 0 : i32
          %dma_start3A_71 = tpu.memref_slice %arg7[%add3A_68, %dma_start3A_69, %dma_start3A_70] : memref<40x1x128xi32, #tpu.memory_space<vmem>> -> memref<1x1x128xi32, #tpu.memory_space<vmem>>
          %dma_start3A_72 = tpu.memref_squeeze %dma_start3A_71 : memref<1x1x128xi32, #tpu.memory_space<vmem>> -> memref<128xi32, #tpu.memory_space<vmem>>
          %dma_start3A_73 = arith.constant 0 : i32
          %dma_start3A_74 = arith.constant 0 : i32
          %dma_start3A_75 = tpu.memref_slice %arg2[%dma_start3A_73, %dma_start3A_74] : memref<10240x128xf32, #tpu.memory_space<hbm>> -> memref<10240x128xf32, #tpu.memory_space<hbm>>
          tpu.enqueue_indirect_dma source(%dma_start3A_75 : memref<10240x128xf32, #tpu.memory_space<hbm>>) target(%arg9 : memref<128x128xf32, #tpu.memory_space<vmem>>) offsets(%dma_start3A_72 : memref<128xi32, #tpu.memory_space<vmem>>) semaphore(%arg12 : memref<!tpu.dma_semaphore, #tpu.memory_space<semaphore_mem>>)
        } else {
        }
        %add3A_50 = arith.constant 1 : i32
        %add3A_51 = arith.addi %mul3A_41, %add3A_50 : i32
        %dma_wait3A_52 = arith.constant 0 : i32
        %dma_wait3A_53 = arith.constant 0 : i32
        %dma_wait3A_54 = tpu.memref_slice %arg7[%add3A_51, %dma_wait3A_52, %dma_wait3A_53] : memref<40x1x128xi32, #tpu.memory_space<vmem>> -> memref<1x1x128xi32, #tpu.memory_space<vmem>>
        %dma_wait3A_55 = tpu.memref_squeeze %dma_wait3A_54 : memref<1x1x128xi32, #tpu.memory_space<vmem>> -> memref<128xi32, #tpu.memory_space<vmem>>
        %dma_wait3A_56 = arith.constant 0 : i32
        %dma_wait3A_57 = arith.constant 0 : i32
        %dma_wait3A_58 = tpu.memref_slice %arg2[%dma_wait3A_56, %dma_wait3A_57] : memref<10240x128xf32, #tpu.memory_space<hbm>> -> memref<10240x128xf32, #tpu.memory_space<hbm>>
        tpu.wait_indirect_dma semaphore(%arg13 : memref<!tpu.dma_semaphore, #tpu.memory_space<semaphore_mem>>) src(%dma_wait3A_58 : memref<10240x128xf32, #tpu.memory_space<hbm>>) dst(%arg10 : memref<128x128xf32, #tpu.memory_space<vmem>>)
        %add3A_59 = arith.constant 1 : i32
        %add3A_60 = arith.addi %mul3A_41, %add3A_59 : i32
        %run_scoped3A_61 = arith.constant 0 : i32
        "tpu.region"() ({
          %run_scoped3A_67 = tpu.sem_alloc : memref<!tpu.dma_semaphore, #tpu.memory_space<semaphore_mem>>
          %dma_start3A_68 = arith.constant 0 : i32
          %dma_start3A_69 = tpu.memref_slice %arg8[%add3A_60, %run_scoped3A_61, %dma_start3A_68] : memref<40x1x128xi32, #tpu.memory_space<vmem>> -> memref<1x1x128xi32, #tpu.memory_space<vmem>>
          %dma_start3A_70 = tpu.memref_squeeze %dma_start3A_69 : memref<1x1x128xi32, #tpu.memory_space<vmem>> -> memref<128xi32, #tpu.memory_space<vmem>>
          %dma_start3A_71 = arith.constant 0 : i32
          %dma_start3A_72 = arith.constant 0 : i32
          %dma_start3A_73 = tpu.memref_slice %arg11[%dma_start3A_71, %dma_start3A_72] : memref<10240x128xf32, #tpu.memory_space<vmem_shared>> -> memref<10240x128xf32, #tpu.memory_space<vmem_shared>>
          tpu.enqueue_indirect_dma source(%arg10 : memref<128x128xf32, #tpu.memory_space<vmem>>) target(%dma_start3A_73 : memref<10240x128xf32, #tpu.memory_space<vmem_shared>>) offsets(%dma_start3A_70 : memref<128xi32, #tpu.memory_space<vmem>>) semaphore(%run_scoped3A_67 : memref<!tpu.dma_semaphore, #tpu.memory_space<semaphore_mem>>) {add = true}
          %dma_wait3A_74 = arith.constant 0 : i32
          %dma_wait3A_75 = tpu.memref_slice %arg8[%add3A_60, %run_scoped3A_61, %dma_wait3A_74] : memref<40x1x128xi32, #tpu.memory_space<vmem>> -> memref<1x1x128xi32, #tpu.memory_space<vmem>>
          %dma_wait3A_76 = tpu.memref_squeeze %dma_wait3A_75 : memref<1x1x128xi32, #tpu.memory_space<vmem>> -> memref<128xi32, #tpu.memory_space<vmem>>
          %dma_wait3A_77 = arith.constant 0 : i32
          %dma_wait3A_78 = arith.constant 0 : i32
          %dma_wait3A_79 = tpu.memref_slice %arg11[%dma_wait3A_77, %dma_wait3A_78] : memref<10240x128xf32, #tpu.memory_space<vmem_shared>> -> memref<10240x128xf32, #tpu.memory_space<vmem_shared>>
          tpu.wait_indirect_dma semaphore(%run_scoped3A_67 : memref<!tpu.dma_semaphore, #tpu.memory_space<semaphore_mem>>) src(%arg10 : memref<128x128xf32, #tpu.memory_space<vmem>>) dst(%dma_wait3A_79 : memref<10240x128xf32, #tpu.memory_space<vmem_shared>>)
          tpu.yield
        }) : () -> ()
        %lt3A_62 = arith.constant 19 : i32
        %lt3A_63 = arith.cmpi slt, %scan3A_39, %lt3A_62 : i32
        %convert_element_type3A_64 = arith.extui %lt3A_63 : i1 to i32
        %cond3A_65 = arith.constant 0 : i32
        %cond3A_66 = arith.cmpi ne, %convert_element_type3A_64, %cond3A_65 : i32
        scf.if %cond3A_66 {
          %add3A_67 = arith.constant 3 : i32
          %add3A_68 = arith.addi %mul3A_41, %add3A_67 : i32
          %dma_start3A_69 = arith.constant 0 : i32
          %dma_start3A_70 = arith.constant 0 : i32
          %dma_start3A_71 = tpu.memref_slice %arg7[%add3A_68, %dma_start3A_69, %dma_start3A_70] : memref<40x1x128xi32, #tpu.memory_space<vmem>> -> memref<1x1x128xi32, #tpu.memory_space<vmem>>
          %dma_start3A_72 = tpu.memref_squeeze %dma_start3A_71 : memref<1x1x128xi32, #tpu.memory_space<vmem>> -> memref<128xi32, #tpu.memory_space<vmem>>
          %dma_start3A_73 = arith.constant 0 : i32
          %dma_start3A_74 = arith.constant 0 : i32
          %dma_start3A_75 = tpu.memref_slice %arg2[%dma_start3A_73, %dma_start3A_74] : memref<10240x128xf32, #tpu.memory_space<hbm>> -> memref<10240x128xf32, #tpu.memory_space<hbm>>
          tpu.enqueue_indirect_dma source(%dma_start3A_75 : memref<10240x128xf32, #tpu.memory_space<hbm>>) target(%arg10 : memref<128x128xf32, #tpu.memory_space<vmem>>) offsets(%dma_start3A_72 : memref<128xi32, #tpu.memory_space<vmem>>) semaphore(%arg13 : memref<!tpu.dma_semaphore, #tpu.memory_space<semaphore_mem>>)
        } else {
        }
      }
      %scan3A_38 = arith.constant 20 : i32
    }
    %scan3A_12 = arith.constant 4 : i32
    %barrier3A_13 = arith.constant 0 : index
    tpu.barrier barrier_id(%barrier3A_13)
    %mul3A_14 = arith.constant 640 : i32
    %mul3A_15 = arith.muli %arg1, %mul3A_14 : i32
    "tpu.region"() ({
      %run_scoped3A = tpu.sem_alloc : memref<!tpu.dma_semaphore, #tpu.memory_space<semaphore_mem>>
      %dma_start3A = arith.constant 0 : i32
      %dma_start3A_17 = tpu.memref_slice %arg6[%add3A_5, %dma_start3A] : memref<20480x128xf32, #tpu.memory_space<hbm>> -> memref<640x128xf32, #tpu.memory_space<hbm>>
      %dma_start3A_18 = arith.constant 0 : i32
      %dma_start3A_19 = tpu.memref_slice %arg11[%mul3A_15, %dma_start3A_18] : memref<10240x128xf32, #tpu.memory_space<vmem_shared>> -> memref<640x128xf32, #tpu.memory_space<vmem_shared>>
      tpu.enqueue_dma source(%dma_start3A_19 : memref<640x128xf32, #tpu.memory_space<vmem_shared>>) target(%dma_start3A_17 : memref<640x128xf32, #tpu.memory_space<hbm>>) target_semaphore(%run_scoped3A : memref<!tpu.dma_semaphore, #tpu.memory_space<semaphore_mem>>)
      %dma_wait3A = arith.constant 0 : i32
      %dma_wait3A_20 = tpu.memref_slice %arg6[%add3A_5, %dma_wait3A] : memref<20480x128xf32, #tpu.memory_space<hbm>> -> memref<640x128xf32, #tpu.memory_space<hbm>>
      %dma_wait3A_21 = arith.constant 0 : i32
      %dma_wait3A_22 = tpu.memref_slice %arg11[%mul3A_15, %dma_wait3A_21] : memref<10240x128xf32, #tpu.memory_space<vmem_shared>> -> memref<640x128xf32, #tpu.memory_space<vmem_shared>>
      tpu.wait_dma2 semaphore(%run_scoped3A : memref<!tpu.dma_semaphore, #tpu.memory_space<semaphore_mem>>) src(%dma_wait3A_22 : memref<640x128xf32, #tpu.memory_space<vmem_shared>>) dst(%dma_wait3A_20 : memref<640x128xf32, #tpu.memory_space<hbm>>)
      tpu.yield
    }) : () -> ()
    %barrier3A_16 = arith.constant 0 : index
    tpu.barrier barrier_id(%barrier3A_16)
    return
  }
}

#map = affine_map<(d0, d1) -> (0, 0)>
#map1 = affine_map<(d0, d1) -> (0, 0, 0, 0, 0)>
module attributes {stable_mosaic.version = 14 : i64} {
  func.func @_seg_body(%arg0: i32, %arg1: i32, %arg2: memref<10240x128xf32, #tpu.memory_space<hbm>>, %arg3: memref<32x4x40x1x128xi32, #tpu.memory_space<hbm>>, %arg4: memref<32x4x40x1x128xi32, #tpu.memory_space<hbm>>, %arg5: memref<640x128xf32, #tpu.memory_space<hbm>>, %arg6: memref<128x128xf32, #tpu.memory_space<hbm>>, %arg7: memref<20480x128xf32, #tpu.memory_space<hbm>>, %arg8: memref<20480x128xf32, #tpu.memory_space<hbm>>, %arg9: memref<40x1x128xi32, #tpu.memory_space<vmem>>, %arg10: memref<40x1x128xi32, #tpu.memory_space<vmem>>, %arg11: memref<128x128xf32, #tpu.memory_space<vmem>>, %arg12: memref<128x128xf32, #tpu.memory_space<vmem>>, %arg13: memref<10240x128xf32, #tpu.memory_space<vmem_shared>>, %arg14: memref<!tpu.dma_semaphore, #tpu.memory_space<semaphore_mem>>, %arg15: memref<!tpu.dma_semaphore, #tpu.memory_space<semaphore_mem>>) attributes {dimension_semantics = [#tpu.dimension_semantics<core_parallel>, #tpu.dimension_semantics<subcore_parallel>], iteration_bounds = array<i64: 2, 16>, scalar_prefetch = 0 : i64, scratch_operands = 7 : i64, tpu.core_type = #tpu.core_type<sc_vector_subcore>, window_params = [{transform_indices = #map}, {transform_indices = #map1}, {transform_indices = #map1}, {transform_indices = #map}, {transform_indices = #map}, {transform_indices = #map}, {transform_indices = #map}]} {
    %mul3A = arith.constant 16 : i32
    %mul3A_0 = arith.muli %arg0, %mul3A : i32
    %add3A = arith.addi %mul3A_0, %arg1 : i32
    %mul3A_1 = arith.constant 10240 : i32
    %mul3A_2 = arith.muli %arg0, %mul3A_1 : i32
    %mul3A_3 = arith.constant 640 : i32
    %mul3A_4 = arith.muli %arg1, %mul3A_3 : i32
    %add3A_5 = arith.addi %mul3A_2, %mul3A_4 : i32
    %mul3A_6 = arith.constant 640 : i32
    %mul3A_7 = arith.muli %arg1, %mul3A_6 : i32
    "tpu.region"() ({
      %run_scoped3A = tpu.sem_alloc : memref<!tpu.dma_semaphore, #tpu.memory_space<semaphore_mem>>
      %dma_start3A = arith.constant 0 : i32
      %dma_start3A_30 = tpu.memref_slice %arg13[%mul3A_7, %dma_start3A] : memref<10240x128xf32, #tpu.memory_space<vmem_shared>> -> memref<640x128xf32, #tpu.memory_space<vmem_shared>>
      tpu.enqueue_dma source(%arg5 : memref<640x128xf32, #tpu.memory_space<hbm>>) target(%dma_start3A_30 : memref<640x128xf32, #tpu.memory_space<vmem_shared>>) target_semaphore(%run_scoped3A : memref<!tpu.dma_semaphore, #tpu.memory_space<semaphore_mem>>)
      %dma_wait3A = arith.constant 0 : i32
      %dma_wait3A_31 = tpu.memref_slice %arg13[%mul3A_7, %dma_wait3A] : memref<10240x128xf32, #tpu.memory_space<vmem_shared>> -> memref<640x128xf32, #tpu.memory_space<vmem_shared>>
      tpu.wait_dma2 semaphore(%run_scoped3A : memref<!tpu.dma_semaphore, #tpu.memory_space<semaphore_mem>>) src(%arg5 : memref<640x128xf32, #tpu.memory_space<hbm>>) dst(%dma_wait3A_31 : memref<640x128xf32, #tpu.memory_space<vmem_shared>>)
      tpu.yield
    }) : () -> ()
    %barrier3A = arith.constant 0 : index
    tpu.barrier barrier_id(%barrier3A)
    %scan3A = arith.constant 0 : i32
    %scan3A_8 = arith.constant 0 : i32
    %scan3A_9 = arith.constant 4 : i32
    %scan3A_10 = arith.addi %scan3A_8, %scan3A_9 : i32
    %scan3A_11 = arith.constant 1 : i32
    scf.for %scan3A_30 = %scan3A_8 to %scan3A_10 step %scan3A_11  : i32 {
      "tpu.region"() ({
        %run_scoped3A = tpu.sem_alloc : memref<!tpu.dma_semaphore, #tpu.memory_space<semaphore_mem>>
        %dma_start3A_52 = arith.constant 0 : i32
        %dma_start3A_53 = arith.constant 0 : i32
        %dma_start3A_54 = arith.constant 0 : i32
        %dma_start3A_55 = tpu.memref_slice %arg3[%add3A, %scan3A_30, %dma_start3A_52, %dma_start3A_53, %dma_start3A_54] : memref<32x4x40x1x128xi32, #tpu.memory_space<hbm>> -> memref<1x1x40x1x128xi32, #tpu.memory_space<hbm>>
        %dma_start3A_56 = tpu.memref_squeeze %dma_start3A_55 : memref<1x1x40x1x128xi32, #tpu.memory_space<hbm>> -> memref<40x1x128xi32, #tpu.memory_space<hbm>>
        %dma_start3A_57 = arith.constant 0 : i32
        %dma_start3A_58 = arith.constant 0 : i32
        %dma_start3A_59 = arith.constant 0 : i32
        %dma_start3A_60 = tpu.memref_slice %arg3[%add3A, %scan3A_30, %dma_start3A_57, %dma_start3A_58, %dma_start3A_59] : memref<32x4x40x1x128xi32, #tpu.memory_space<hbm>> -> memref<1x1x40x1x128xi32, #tpu.memory_space<hbm>>
        %dma_start3A_61 = tpu.memref_squeeze %dma_start3A_60 : memref<1x1x40x1x128xi32, #tpu.memory_space<hbm>> -> memref<40x1x128xi32, #tpu.memory_space<hbm>>
        tpu.enqueue_dma source(%dma_start3A_61 : memref<40x1x128xi32, #tpu.memory_space<hbm>>) target(%arg9 : memref<40x1x128xi32, #tpu.memory_space<vmem>>) target_semaphore(%run_scoped3A : memref<!tpu.dma_semaphore, #tpu.memory_space<semaphore_mem>>)
        %dma_wait3A = arith.constant 0 : i32
        %dma_wait3A_62 = arith.constant 0 : i32
        %dma_wait3A_63 = arith.constant 0 : i32
        %dma_wait3A_64 = tpu.memref_slice %arg3[%add3A, %scan3A_30, %dma_wait3A, %dma_wait3A_62, %dma_wait3A_63] : memref<32x4x40x1x128xi32, #tpu.memory_space<hbm>> -> memref<1x1x40x1x128xi32, #tpu.memory_space<hbm>>
        %dma_wait3A_65 = tpu.memref_squeeze %dma_wait3A_64 : memref<1x1x40x1x128xi32, #tpu.memory_space<hbm>> -> memref<40x1x128xi32, #tpu.memory_space<hbm>>
        %dma_wait3A_66 = arith.constant 0 : i32
        %dma_wait3A_67 = arith.constant 0 : i32
        %dma_wait3A_68 = arith.constant 0 : i32
        %dma_wait3A_69 = tpu.memref_slice %arg3[%add3A, %scan3A_30, %dma_wait3A_66, %dma_wait3A_67, %dma_wait3A_68] : memref<32x4x40x1x128xi32, #tpu.memory_space<hbm>> -> memref<1x1x40x1x128xi32, #tpu.memory_space<hbm>>
        %dma_wait3A_70 = tpu.memref_squeeze %dma_wait3A_69 : memref<1x1x40x1x128xi32, #tpu.memory_space<hbm>> -> memref<40x1x128xi32, #tpu.memory_space<hbm>>
        tpu.wait_dma2 semaphore(%run_scoped3A : memref<!tpu.dma_semaphore, #tpu.memory_space<semaphore_mem>>) src(%dma_wait3A_70 : memref<40x1x128xi32, #tpu.memory_space<hbm>>) dst(%arg9 : memref<40x1x128xi32, #tpu.memory_space<vmem>>)
        tpu.yield
      }) : () -> ()
      "tpu.region"() ({
        %run_scoped3A = tpu.sem_alloc : memref<!tpu.dma_semaphore, #tpu.memory_space<semaphore_mem>>
        %dma_start3A_52 = arith.constant 0 : i32
        %dma_start3A_53 = arith.constant 0 : i32
        %dma_start3A_54 = arith.constant 0 : i32
        %dma_start3A_55 = tpu.memref_slice %arg4[%add3A, %scan3A_30, %dma_start3A_52, %dma_start3A_53, %dma_start3A_54] : memref<32x4x40x1x128xi32, #tpu.memory_space<hbm>> -> memref<1x1x40x1x128xi32, #tpu.memory_space<hbm>>
        %dma_start3A_56 = tpu.memref_squeeze %dma_start3A_55 : memref<1x1x40x1x128xi32, #tpu.memory_space<hbm>> -> memref<40x1x128xi32, #tpu.memory_space<hbm>>
        %dma_start3A_57 = arith.constant 0 : i32
        %dma_start3A_58 = arith.constant 0 : i32
        %dma_start3A_59 = arith.constant 0 : i32
        %dma_start3A_60 = tpu.memref_slice %arg4[%add3A, %scan3A_30, %dma_start3A_57, %dma_start3A_58, %dma_start3A_59] : memref<32x4x40x1x128xi32, #tpu.memory_space<hbm>> -> memref<1x1x40x1x128xi32, #tpu.memory_space<hbm>>
        %dma_start3A_61 = tpu.memref_squeeze %dma_start3A_60 : memref<1x1x40x1x128xi32, #tpu.memory_space<hbm>> -> memref<40x1x128xi32, #tpu.memory_space<hbm>>
        tpu.enqueue_dma source(%dma_start3A_61 : memref<40x1x128xi32, #tpu.memory_space<hbm>>) target(%arg10 : memref<40x1x128xi32, #tpu.memory_space<vmem>>) target_semaphore(%run_scoped3A : memref<!tpu.dma_semaphore, #tpu.memory_space<semaphore_mem>>)
        %dma_wait3A = arith.constant 0 : i32
        %dma_wait3A_62 = arith.constant 0 : i32
        %dma_wait3A_63 = arith.constant 0 : i32
        %dma_wait3A_64 = tpu.memref_slice %arg4[%add3A, %scan3A_30, %dma_wait3A, %dma_wait3A_62, %dma_wait3A_63] : memref<32x4x40x1x128xi32, #tpu.memory_space<hbm>> -> memref<1x1x40x1x128xi32, #tpu.memory_space<hbm>>
        %dma_wait3A_65 = tpu.memref_squeeze %dma_wait3A_64 : memref<1x1x40x1x128xi32, #tpu.memory_space<hbm>> -> memref<40x1x128xi32, #tpu.memory_space<hbm>>
        %dma_wait3A_66 = arith.constant 0 : i32
        %dma_wait3A_67 = arith.constant 0 : i32
        %dma_wait3A_68 = arith.constant 0 : i32
        %dma_wait3A_69 = tpu.memref_slice %arg4[%add3A, %scan3A_30, %dma_wait3A_66, %dma_wait3A_67, %dma_wait3A_68] : memref<32x4x40x1x128xi32, #tpu.memory_space<hbm>> -> memref<1x1x40x1x128xi32, #tpu.memory_space<hbm>>
        %dma_wait3A_70 = tpu.memref_squeeze %dma_wait3A_69 : memref<1x1x40x1x128xi32, #tpu.memory_space<hbm>> -> memref<40x1x128xi32, #tpu.memory_space<hbm>>
        tpu.wait_dma2 semaphore(%run_scoped3A : memref<!tpu.dma_semaphore, #tpu.memory_space<semaphore_mem>>) src(%dma_wait3A_70 : memref<40x1x128xi32, #tpu.memory_space<hbm>>) dst(%arg10 : memref<40x1x128xi32, #tpu.memory_space<vmem>>)
        tpu.yield
      }) : () -> ()
      %dma_start3A = arith.constant 0 : i32
      %dma_start3A_31 = arith.constant 0 : i32
      %dma_start3A_32 = arith.constant 0 : i32
      %dma_start3A_33 = tpu.memref_slice %arg9[%dma_start3A, %dma_start3A_31, %dma_start3A_32] : memref<40x1x128xi32, #tpu.memory_space<vmem>> -> memref<1x1x128xi32, #tpu.memory_space<vmem>>
      %dma_start3A_34 = tpu.memref_squeeze %dma_start3A_33 : memref<1x1x128xi32, #tpu.memory_space<vmem>> -> memref<128xi32, #tpu.memory_space<vmem>>
      %dma_start3A_35 = arith.constant 0 : i32
      %dma_start3A_36 = arith.constant 0 : i32
      %dma_start3A_37 = tpu.memref_slice %arg2[%dma_start3A_35, %dma_start3A_36] : memref<10240x128xf32, #tpu.memory_space<hbm>> -> memref<10240x128xf32, #tpu.memory_space<hbm>>
      tpu.enqueue_indirect_dma source(%dma_start3A_37 : memref<10240x128xf32, #tpu.memory_space<hbm>>) target(%arg11 : memref<128x128xf32, #tpu.memory_space<vmem>>) offsets(%dma_start3A_34 : memref<128xi32, #tpu.memory_space<vmem>>) semaphore(%arg14 : memref<!tpu.dma_semaphore, #tpu.memory_space<semaphore_mem>>)
      %dma_start3A_38 = arith.constant 1 : i32
      %dma_start3A_39 = arith.constant 0 : i32
      %dma_start3A_40 = arith.constant 0 : i32
      %dma_start3A_41 = tpu.memref_slice %arg9[%dma_start3A_38, %dma_start3A_39, %dma_start3A_40] : memref<40x1x128xi32, #tpu.memory_space<vmem>> -> memref<1x1x128xi32, #tpu.memory_space<vmem>>
      %dma_start3A_42 = tpu.memref_squeeze %dma_start3A_41 : memref<1x1x128xi32, #tpu.memory_space<vmem>> -> memref<128xi32, #tpu.memory_space<vmem>>
      %dma_start3A_43 = arith.constant 0 : i32
      %dma_start3A_44 = arith.constant 0 : i32
      %dma_start3A_45 = tpu.memref_slice %arg2[%dma_start3A_43, %dma_start3A_44] : memref<10240x128xf32, #tpu.memory_space<hbm>> -> memref<10240x128xf32, #tpu.memory_space<hbm>>
      tpu.enqueue_indirect_dma source(%dma_start3A_45 : memref<10240x128xf32, #tpu.memory_space<hbm>>) target(%arg12 : memref<128x128xf32, #tpu.memory_space<vmem>>) offsets(%dma_start3A_42 : memref<128xi32, #tpu.memory_space<vmem>>) semaphore(%arg15 : memref<!tpu.dma_semaphore, #tpu.memory_space<semaphore_mem>>)
      %scan3A_46 = arith.constant 0 : i32
      %scan3A_47 = arith.constant 0 : i32
      %scan3A_48 = arith.constant 20 : i32
      %scan3A_49 = arith.addi %scan3A_47, %scan3A_48 : i32
      %scan3A_50 = arith.constant 1 : i32
      scf.for %scan3A_52 = %scan3A_47 to %scan3A_49 step %scan3A_50  : i32 {
        %mul3A_53 = arith.constant 2 : i32
        %mul3A_54 = arith.muli %mul3A_53, %scan3A_52 : i32
        %dma_wait3A = arith.constant 0 : i32
        %dma_wait3A_55 = arith.constant 0 : i32
        %dma_wait3A_56 = tpu.memref_slice %arg9[%mul3A_54, %dma_wait3A, %dma_wait3A_55] : memref<40x1x128xi32, #tpu.memory_space<vmem>> -> memref<1x1x128xi32, #tpu.memory_space<vmem>>
        %dma_wait3A_57 = tpu.memref_squeeze %dma_wait3A_56 : memref<1x1x128xi32, #tpu.memory_space<vmem>> -> memref<128xi32, #tpu.memory_space<vmem>>
        %dma_wait3A_58 = arith.constant 0 : i32
        %dma_wait3A_59 = arith.constant 0 : i32
        %dma_wait3A_60 = tpu.memref_slice %arg2[%dma_wait3A_58, %dma_wait3A_59] : memref<10240x128xf32, #tpu.memory_space<hbm>> -> memref<10240x128xf32, #tpu.memory_space<hbm>>
        tpu.wait_indirect_dma semaphore(%arg14 : memref<!tpu.dma_semaphore, #tpu.memory_space<semaphore_mem>>) src(%dma_wait3A_60 : memref<10240x128xf32, #tpu.memory_space<hbm>>) dst(%arg11 : memref<128x128xf32, #tpu.memory_space<vmem>>)
        %run_scoped3A = arith.constant 0 : i32
        "tpu.region"() ({
          %run_scoped3A_80 = tpu.sem_alloc : memref<!tpu.dma_semaphore, #tpu.memory_space<semaphore_mem>>
          %dma_start3A_81 = arith.constant 0 : i32
          %dma_start3A_82 = tpu.memref_slice %arg10[%mul3A_54, %run_scoped3A, %dma_start3A_81] : memref<40x1x128xi32, #tpu.memory_space<vmem>> -> memref<1x1x128xi32, #tpu.memory_space<vmem>>
          %dma_start3A_83 = tpu.memref_squeeze %dma_start3A_82 : memref<1x1x128xi32, #tpu.memory_space<vmem>> -> memref<128xi32, #tpu.memory_space<vmem>>
          %dma_start3A_84 = arith.constant 0 : i32
          %dma_start3A_85 = arith.constant 0 : i32
          %dma_start3A_86 = tpu.memref_slice %arg13[%dma_start3A_84, %dma_start3A_85] : memref<10240x128xf32, #tpu.memory_space<vmem_shared>> -> memref<10240x128xf32, #tpu.memory_space<vmem_shared>>
          tpu.enqueue_indirect_dma source(%arg11 : memref<128x128xf32, #tpu.memory_space<vmem>>) target(%dma_start3A_86 : memref<10240x128xf32, #tpu.memory_space<vmem_shared>>) offsets(%dma_start3A_83 : memref<128xi32, #tpu.memory_space<vmem>>) semaphore(%run_scoped3A_80 : memref<!tpu.dma_semaphore, #tpu.memory_space<semaphore_mem>>) {add = true}
          %dma_wait3A_87 = arith.constant 0 : i32
          %dma_wait3A_88 = tpu.memref_slice %arg10[%mul3A_54, %run_scoped3A, %dma_wait3A_87] : memref<40x1x128xi32, #tpu.memory_space<vmem>> -> memref<1x1x128xi32, #tpu.memory_space<vmem>>
          %dma_wait3A_89 = tpu.memref_squeeze %dma_wait3A_88 : memref<1x1x128xi32, #tpu.memory_space<vmem>> -> memref<128xi32, #tpu.memory_space<vmem>>
          %dma_wait3A_90 = arith.constant 0 : i32
          %dma_wait3A_91 = arith.constant 0 : i32
          %dma_wait3A_92 = tpu.memref_slice %arg13[%dma_wait3A_90, %dma_wait3A_91] : memref<10240x128xf32, #tpu.memory_space<vmem_shared>> -> memref<10240x128xf32, #tpu.memory_space<vmem_shared>>
          tpu.wait_indirect_dma semaphore(%run_scoped3A_80 : memref<!tpu.dma_semaphore, #tpu.memory_space<semaphore_mem>>) src(%arg11 : memref<128x128xf32, #tpu.memory_space<vmem>>) dst(%dma_wait3A_92 : memref<10240x128xf32, #tpu.memory_space<vmem_shared>>)
          tpu.yield
        }) : () -> ()
        %lt3A = arith.constant 19 : i32
        %lt3A_61 = arith.cmpi slt, %scan3A_52, %lt3A : i32
        %convert_element_type3A = arith.extui %lt3A_61 : i1 to i32
        %cond3A = arith.constant 0 : i32
        %cond3A_62 = arith.cmpi ne, %convert_element_type3A, %cond3A : i32
        scf.if %cond3A_62 {
          %add3A_80 = arith.constant 2 : i32
          %add3A_81 = arith.addi %mul3A_54, %add3A_80 : i32
          %dma_start3A_82 = arith.constant 0 : i32
          %dma_start3A_83 = arith.constant 0 : i32
          %dma_start3A_84 = tpu.memref_slice %arg9[%add3A_81, %dma_start3A_82, %dma_start3A_83] : memref<40x1x128xi32, #tpu.memory_space<vmem>> -> memref<1x1x128xi32, #tpu.memory_space<vmem>>
          %dma_start3A_85 = tpu.memref_squeeze %dma_start3A_84 : memref<1x1x128xi32, #tpu.memory_space<vmem>> -> memref<128xi32, #tpu.memory_space<vmem>>
          %dma_start3A_86 = arith.constant 0 : i32
          %dma_start3A_87 = arith.constant 0 : i32
          %dma_start3A_88 = tpu.memref_slice %arg2[%dma_start3A_86, %dma_start3A_87] : memref<10240x128xf32, #tpu.memory_space<hbm>> -> memref<10240x128xf32, #tpu.memory_space<hbm>>
          tpu.enqueue_indirect_dma source(%dma_start3A_88 : memref<10240x128xf32, #tpu.memory_space<hbm>>) target(%arg11 : memref<128x128xf32, #tpu.memory_space<vmem>>) offsets(%dma_start3A_85 : memref<128xi32, #tpu.memory_space<vmem>>) semaphore(%arg14 : memref<!tpu.dma_semaphore, #tpu.memory_space<semaphore_mem>>)
        } else {
        }
        %add3A_63 = arith.constant 1 : i32
        %add3A_64 = arith.addi %mul3A_54, %add3A_63 : i32
        %dma_wait3A_65 = arith.constant 0 : i32
        %dma_wait3A_66 = arith.constant 0 : i32
        %dma_wait3A_67 = tpu.memref_slice %arg9[%add3A_64, %dma_wait3A_65, %dma_wait3A_66] : memref<40x1x128xi32, #tpu.memory_space<vmem>> -> memref<1x1x128xi32, #tpu.memory_space<vmem>>
        %dma_wait3A_68 = tpu.memref_squeeze %dma_wait3A_67 : memref<1x1x128xi32, #tpu.memory_space<vmem>> -> memref<128xi32, #tpu.memory_space<vmem>>
        %dma_wait3A_69 = arith.constant 0 : i32
        %dma_wait3A_70 = arith.constant 0 : i32
        %dma_wait3A_71 = tpu.memref_slice %arg2[%dma_wait3A_69, %dma_wait3A_70] : memref<10240x128xf32, #tpu.memory_space<hbm>> -> memref<10240x128xf32, #tpu.memory_space<hbm>>
        tpu.wait_indirect_dma semaphore(%arg15 : memref<!tpu.dma_semaphore, #tpu.memory_space<semaphore_mem>>) src(%dma_wait3A_71 : memref<10240x128xf32, #tpu.memory_space<hbm>>) dst(%arg12 : memref<128x128xf32, #tpu.memory_space<vmem>>)
        %add3A_72 = arith.constant 1 : i32
        %add3A_73 = arith.addi %mul3A_54, %add3A_72 : i32
        %run_scoped3A_74 = arith.constant 0 : i32
        "tpu.region"() ({
          %run_scoped3A_80 = tpu.sem_alloc : memref<!tpu.dma_semaphore, #tpu.memory_space<semaphore_mem>>
          %dma_start3A_81 = arith.constant 0 : i32
          %dma_start3A_82 = tpu.memref_slice %arg10[%add3A_73, %run_scoped3A_74, %dma_start3A_81] : memref<40x1x128xi32, #tpu.memory_space<vmem>> -> memref<1x1x128xi32, #tpu.memory_space<vmem>>
          %dma_start3A_83 = tpu.memref_squeeze %dma_start3A_82 : memref<1x1x128xi32, #tpu.memory_space<vmem>> -> memref<128xi32, #tpu.memory_space<vmem>>
          %dma_start3A_84 = arith.constant 0 : i32
          %dma_start3A_85 = arith.constant 0 : i32
          %dma_start3A_86 = tpu.memref_slice %arg13[%dma_start3A_84, %dma_start3A_85] : memref<10240x128xf32, #tpu.memory_space<vmem_shared>> -> memref<10240x128xf32, #tpu.memory_space<vmem_shared>>
          tpu.enqueue_indirect_dma source(%arg12 : memref<128x128xf32, #tpu.memory_space<vmem>>) target(%dma_start3A_86 : memref<10240x128xf32, #tpu.memory_space<vmem_shared>>) offsets(%dma_start3A_83 : memref<128xi32, #tpu.memory_space<vmem>>) semaphore(%run_scoped3A_80 : memref<!tpu.dma_semaphore, #tpu.memory_space<semaphore_mem>>) {add = true}
          %dma_wait3A_87 = arith.constant 0 : i32
          %dma_wait3A_88 = tpu.memref_slice %arg10[%add3A_73, %run_scoped3A_74, %dma_wait3A_87] : memref<40x1x128xi32, #tpu.memory_space<vmem>> -> memref<1x1x128xi32, #tpu.memory_space<vmem>>
          %dma_wait3A_89 = tpu.memref_squeeze %dma_wait3A_88 : memref<1x1x128xi32, #tpu.memory_space<vmem>> -> memref<128xi32, #tpu.memory_space<vmem>>
          %dma_wait3A_90 = arith.constant 0 : i32
          %dma_wait3A_91 = arith.constant 0 : i32
          %dma_wait3A_92 = tpu.memref_slice %arg13[%dma_wait3A_90, %dma_wait3A_91] : memref<10240x128xf32, #tpu.memory_space<vmem_shared>> -> memref<10240x128xf32, #tpu.memory_space<vmem_shared>>
          tpu.wait_indirect_dma semaphore(%run_scoped3A_80 : memref<!tpu.dma_semaphore, #tpu.memory_space<semaphore_mem>>) src(%arg12 : memref<128x128xf32, #tpu.memory_space<vmem>>) dst(%dma_wait3A_92 : memref<10240x128xf32, #tpu.memory_space<vmem_shared>>)
          tpu.yield
        }) : () -> ()
        %lt3A_75 = arith.constant 19 : i32
        %lt3A_76 = arith.cmpi slt, %scan3A_52, %lt3A_75 : i32
        %convert_element_type3A_77 = arith.extui %lt3A_76 : i1 to i32
        %cond3A_78 = arith.constant 0 : i32
        %cond3A_79 = arith.cmpi ne, %convert_element_type3A_77, %cond3A_78 : i32
        scf.if %cond3A_79 {
          %add3A_80 = arith.constant 3 : i32
          %add3A_81 = arith.addi %mul3A_54, %add3A_80 : i32
          %dma_start3A_82 = arith.constant 0 : i32
          %dma_start3A_83 = arith.constant 0 : i32
          %dma_start3A_84 = tpu.memref_slice %arg9[%add3A_81, %dma_start3A_82, %dma_start3A_83] : memref<40x1x128xi32, #tpu.memory_space<vmem>> -> memref<1x1x128xi32, #tpu.memory_space<vmem>>
          %dma_start3A_85 = tpu.memref_squeeze %dma_start3A_84 : memref<1x1x128xi32, #tpu.memory_space<vmem>> -> memref<128xi32, #tpu.memory_space<vmem>>
          %dma_start3A_86 = arith.constant 0 : i32
          %dma_start3A_87 = arith.constant 0 : i32
          %dma_start3A_88 = tpu.memref_slice %arg2[%dma_start3A_86, %dma_start3A_87] : memref<10240x128xf32, #tpu.memory_space<hbm>> -> memref<10240x128xf32, #tpu.memory_space<hbm>>
          tpu.enqueue_indirect_dma source(%dma_start3A_88 : memref<10240x128xf32, #tpu.memory_space<hbm>>) target(%arg12 : memref<128x128xf32, #tpu.memory_space<vmem>>) offsets(%dma_start3A_85 : memref<128xi32, #tpu.memory_space<vmem>>) semaphore(%arg15 : memref<!tpu.dma_semaphore, #tpu.memory_space<semaphore_mem>>)
        } else {
        }
      }
      %scan3A_51 = arith.constant 20 : i32
    }
    %scan3A_12 = arith.constant 4 : i32
    %barrier3A_13 = arith.constant 0 : index
    tpu.barrier barrier_id(%barrier3A_13)
    %mul3A_14 = arith.constant 640 : i32
    %mul3A_15 = arith.muli %arg1, %mul3A_14 : i32
    "tpu.region"() ({
      %run_scoped3A = tpu.sem_alloc : memref<!tpu.dma_semaphore, #tpu.memory_space<semaphore_mem>>
      %dma_start3A = arith.constant 0 : i32
      %dma_start3A_30 = tpu.memref_slice %arg7[%add3A_5, %dma_start3A] : memref<20480x128xf32, #tpu.memory_space<hbm>> -> memref<640x128xf32, #tpu.memory_space<hbm>>
      %dma_start3A_31 = arith.constant 0 : i32
      %dma_start3A_32 = tpu.memref_slice %arg13[%mul3A_15, %dma_start3A_31] : memref<10240x128xf32, #tpu.memory_space<vmem_shared>> -> memref<640x128xf32, #tpu.memory_space<vmem_shared>>
      tpu.enqueue_dma source(%dma_start3A_32 : memref<640x128xf32, #tpu.memory_space<vmem_shared>>) target(%dma_start3A_30 : memref<640x128xf32, #tpu.memory_space<hbm>>) target_semaphore(%run_scoped3A : memref<!tpu.dma_semaphore, #tpu.memory_space<semaphore_mem>>)
      %dma_wait3A = arith.constant 0 : i32
      %dma_wait3A_33 = tpu.memref_slice %arg7[%add3A_5, %dma_wait3A] : memref<20480x128xf32, #tpu.memory_space<hbm>> -> memref<640x128xf32, #tpu.memory_space<hbm>>
      %dma_wait3A_34 = arith.constant 0 : i32
      %dma_wait3A_35 = tpu.memref_slice %arg13[%mul3A_15, %dma_wait3A_34] : memref<10240x128xf32, #tpu.memory_space<vmem_shared>> -> memref<640x128xf32, #tpu.memory_space<vmem_shared>>
      tpu.wait_dma2 semaphore(%run_scoped3A : memref<!tpu.dma_semaphore, #tpu.memory_space<semaphore_mem>>) src(%dma_wait3A_35 : memref<640x128xf32, #tpu.memory_space<vmem_shared>>) dst(%dma_wait3A_33 : memref<640x128xf32, #tpu.memory_space<hbm>>)
      tpu.yield
    }) : () -> ()
    %barrier3A_16 = arith.constant 0 : index
    tpu.barrier barrier_id(%barrier3A_16)
    %mul3A_17 = arith.constant 640 : i32
    %mul3A_18 = arith.muli %arg1, %mul3A_17 : i32
    "tpu.region"() ({
      %run_scoped3A = tpu.sem_alloc : memref<!tpu.dma_semaphore, #tpu.memory_space<semaphore_mem>>
      %dma_start3A = arith.constant 0 : i32
      %dma_start3A_30 = tpu.memref_slice %arg13[%mul3A_18, %dma_start3A] : memref<10240x128xf32, #tpu.memory_space<vmem_shared>> -> memref<640x128xf32, #tpu.memory_space<vmem_shared>>
      tpu.enqueue_dma source(%arg5 : memref<640x128xf32, #tpu.memory_space<hbm>>) target(%dma_start3A_30 : memref<640x128xf32, #tpu.memory_space<vmem_shared>>) target_semaphore(%run_scoped3A : memref<!tpu.dma_semaphore, #tpu.memory_space<semaphore_mem>>)
      %dma_wait3A = arith.constant 0 : i32
      %dma_wait3A_31 = tpu.memref_slice %arg13[%mul3A_18, %dma_wait3A] : memref<10240x128xf32, #tpu.memory_space<vmem_shared>> -> memref<640x128xf32, #tpu.memory_space<vmem_shared>>
      tpu.wait_dma2 semaphore(%run_scoped3A : memref<!tpu.dma_semaphore, #tpu.memory_space<semaphore_mem>>) src(%arg5 : memref<640x128xf32, #tpu.memory_space<hbm>>) dst(%dma_wait3A_31 : memref<640x128xf32, #tpu.memory_space<vmem_shared>>)
      tpu.yield
    }) : () -> ()
    %barrier3A_19 = arith.constant 0 : index
    tpu.barrier barrier_id(%barrier3A_19)
    "tpu.region"() ({
      %run_scoped3A = tpu.sem_alloc : memref<!tpu.dma_semaphore, #tpu.memory_space<semaphore_mem>>
      tpu.enqueue_dma source(%arg6 : memref<128x128xf32, #tpu.memory_space<hbm>>) target(%arg11 : memref<128x128xf32, #tpu.memory_space<vmem>>) target_semaphore(%run_scoped3A : memref<!tpu.dma_semaphore, #tpu.memory_space<semaphore_mem>>)
      tpu.wait_dma2 semaphore(%run_scoped3A : memref<!tpu.dma_semaphore, #tpu.memory_space<semaphore_mem>>) src(%arg6 : memref<128x128xf32, #tpu.memory_space<hbm>>) dst(%arg11 : memref<128x128xf32, #tpu.memory_space<vmem>>)
      tpu.yield
    }) : () -> ()
    %scan3A_20 = arith.constant 0 : i32
    %scan3A_21 = arith.constant 0 : i32
    %scan3A_22 = arith.constant 4 : i32
    %scan3A_23 = arith.addi %scan3A_21, %scan3A_22 : i32
    %scan3A_24 = arith.constant 1 : i32
    scf.for %scan3A_30 = %scan3A_21 to %scan3A_23 step %scan3A_24  : i32 {
      "tpu.region"() ({
        %run_scoped3A = tpu.sem_alloc : memref<!tpu.dma_semaphore, #tpu.memory_space<semaphore_mem>>
        %dma_start3A_669 = arith.constant 0 : i32
        %dma_start3A_670 = arith.constant 0 : i32
        %dma_start3A_671 = arith.constant 0 : i32
        %dma_start3A_672 = tpu.memref_slice %arg4[%add3A, %scan3A_30, %dma_start3A_669, %dma_start3A_670, %dma_start3A_671] : memref<32x4x40x1x128xi32, #tpu.memory_space<hbm>> -> memref<1x1x40x1x128xi32, #tpu.memory_space<hbm>>
        %dma_start3A_673 = tpu.memref_squeeze %dma_start3A_672 : memref<1x1x40x1x128xi32, #tpu.memory_space<hbm>> -> memref<40x1x128xi32, #tpu.memory_space<hbm>>
        %dma_start3A_674 = arith.constant 0 : i32
        %dma_start3A_675 = arith.constant 0 : i32
        %dma_start3A_676 = arith.constant 0 : i32
        %dma_start3A_677 = tpu.memref_slice %arg4[%add3A, %scan3A_30, %dma_start3A_674, %dma_start3A_675, %dma_start3A_676] : memref<32x4x40x1x128xi32, #tpu.memory_space<hbm>> -> memref<1x1x40x1x128xi32, #tpu.memory_space<hbm>>
        %dma_start3A_678 = tpu.memref_squeeze %dma_start3A_677 : memref<1x1x40x1x128xi32, #tpu.memory_space<hbm>> -> memref<40x1x128xi32, #tpu.memory_space<hbm>>
        tpu.enqueue_dma source(%dma_start3A_678 : memref<40x1x128xi32, #tpu.memory_space<hbm>>) target(%arg10 : memref<40x1x128xi32, #tpu.memory_space<vmem>>) target_semaphore(%run_scoped3A : memref<!tpu.dma_semaphore, #tpu.memory_space<semaphore_mem>>)
        %dma_wait3A_679 = arith.constant 0 : i32
        %dma_wait3A_680 = arith.constant 0 : i32
        %dma_wait3A_681 = arith.constant 0 : i32
        %dma_wait3A_682 = tpu.memref_slice %arg4[%add3A, %scan3A_30, %dma_wait3A_679, %dma_wait3A_680, %dma_wait3A_681] : memref<32x4x40x1x128xi32, #tpu.memory_space<hbm>> -> memref<1x1x40x1x128xi32, #tpu.memory_space<hbm>>
        %dma_wait3A_683 = tpu.memref_squeeze %dma_wait3A_682 : memref<1x1x40x1x128xi32, #tpu.memory_space<hbm>> -> memref<40x1x128xi32, #tpu.memory_space<hbm>>
        %dma_wait3A_684 = arith.constant 0 : i32
        %dma_wait3A_685 = arith.constant 0 : i32
        %dma_wait3A_686 = arith.constant 0 : i32
        %dma_wait3A_687 = tpu.memref_slice %arg4[%add3A, %scan3A_30, %dma_wait3A_684, %dma_wait3A_685, %dma_wait3A_686] : memref<32x4x40x1x128xi32, #tpu.memory_space<hbm>> -> memref<1x1x40x1x128xi32, #tpu.memory_space<hbm>>
        %dma_wait3A_688 = tpu.memref_squeeze %dma_wait3A_687 : memref<1x1x40x1x128xi32, #tpu.memory_space<hbm>> -> memref<40x1x128xi32, #tpu.memory_space<hbm>>
        tpu.wait_dma2 semaphore(%run_scoped3A : memref<!tpu.dma_semaphore, #tpu.memory_space<semaphore_mem>>) src(%dma_wait3A_688 : memref<40x1x128xi32, #tpu.memory_space<hbm>>) dst(%arg10 : memref<40x1x128xi32, #tpu.memory_space<vmem>>)
        tpu.yield
      }) : () -> ()
      %dma_start3A = arith.constant 0 : i32
      %dma_start3A_31 = arith.constant 0 : i32
      %dma_start3A_32 = arith.constant 0 : i32
      %dma_start3A_33 = tpu.memref_slice %arg10[%dma_start3A, %dma_start3A_31, %dma_start3A_32] : memref<40x1x128xi32, #tpu.memory_space<vmem>> -> memref<1x1x128xi32, #tpu.memory_space<vmem>>
      %dma_start3A_34 = tpu.memref_squeeze %dma_start3A_33 : memref<1x1x128xi32, #tpu.memory_space<vmem>> -> memref<128xi32, #tpu.memory_space<vmem>>
      %dma_start3A_35 = arith.constant 0 : i32
      %dma_start3A_36 = arith.constant 0 : i32
      %dma_start3A_37 = tpu.memref_slice %arg13[%dma_start3A_35, %dma_start3A_36] : memref<10240x128xf32, #tpu.memory_space<vmem_shared>> -> memref<10240x128xf32, #tpu.memory_space<vmem_shared>>
      tpu.enqueue_indirect_dma source(%arg11 : memref<128x128xf32, #tpu.memory_space<vmem>>) target(%dma_start3A_37 : memref<10240x128xf32, #tpu.memory_space<vmem_shared>>) offsets(%dma_start3A_34 : memref<128xi32, #tpu.memory_space<vmem>>) semaphore(%arg14 : memref<!tpu.dma_semaphore, #tpu.memory_space<semaphore_mem>>) {add = true}
      %dma_start3A_38 = arith.constant 1 : i32
      %dma_start3A_39 = arith.constant 0 : i32
      %dma_start3A_40 = arith.constant 0 : i32
      %dma_start3A_41 = tpu.memref_slice %arg10[%dma_start3A_38, %dma_start3A_39, %dma_start3A_40] : memref<40x1x128xi32, #tpu.memory_space<vmem>> -> memref<1x1x128xi32, #tpu.memory_space<vmem>>
      %dma_start3A_42 = tpu.memref_squeeze %dma_start3A_41 : memref<1x1x128xi32, #tpu.memory_space<vmem>> -> memref<128xi32, #tpu.memory_space<vmem>>
      %dma_start3A_43 = arith.constant 0 : i32
      %dma_start3A_44 = arith.constant 0 : i32
      %dma_start3A_45 = tpu.memref_slice %arg13[%dma_start3A_43, %dma_start3A_44] : memref<10240x128xf32, #tpu.memory_space<vmem_shared>> -> memref<10240x128xf32, #tpu.memory_space<vmem_shared>>
      tpu.enqueue_indirect_dma source(%arg11 : memref<128x128xf32, #tpu.memory_space<vmem>>) target(%dma_start3A_45 : memref<10240x128xf32, #tpu.memory_space<vmem_shared>>) offsets(%dma_start3A_42 : memref<128xi32, #tpu.memory_space<vmem>>) semaphore(%arg14 : memref<!tpu.dma_semaphore, #tpu.memory_space<semaphore_mem>>) {add = true}
      %dma_start3A_46 = arith.constant 2 : i32
      %dma_start3A_47 = arith.constant 0 : i32
      %dma_start3A_48 = arith.constant 0 : i32
      %dma_start3A_49 = tpu.memref_slice %arg10[%dma_start3A_46, %dma_start3A_47, %dma_start3A_48] : memref<40x1x128xi32, #tpu.memory_space<vmem>> -> memref<1x1x128xi32, #tpu.memory_space<vmem>>
      %dma_start3A_50 = tpu.memref_squeeze %dma_start3A_49 : memref<1x1x128xi32, #tpu.memory_space<vmem>> -> memref<128xi32, #tpu.memory_space<vmem>>
      %dma_start3A_51 = arith.constant 0 : i32
      %dma_start3A_52 = arith.constant 0 : i32
      %dma_start3A_53 = tpu.memref_slice %arg13[%dma_start3A_51, %dma_start3A_52] : memref<10240x128xf32, #tpu.memory_space<vmem_shared>> -> memref<10240x128xf32, #tpu.memory_space<vmem_shared>>
      tpu.enqueue_indirect_dma source(%arg11 : memref<128x128xf32, #tpu.memory_space<vmem>>) target(%dma_start3A_53 : memref<10240x128xf32, #tpu.memory_space<vmem_shared>>) offsets(%dma_start3A_50 : memref<128xi32, #tpu.memory_space<vmem>>) semaphore(%arg14 : memref<!tpu.dma_semaphore, #tpu.memory_space<semaphore_mem>>) {add = true}
      %dma_start3A_54 = arith.constant 3 : i32
      %dma_start3A_55 = arith.constant 0 : i32
      %dma_start3A_56 = arith.constant 0 : i32
      %dma_start3A_57 = tpu.memref_slice %arg10[%dma_start3A_54, %dma_start3A_55, %dma_start3A_56] : memref<40x1x128xi32, #tpu.memory_space<vmem>> -> memref<1x1x128xi32, #tpu.memory_space<vmem>>
      %dma_start3A_58 = tpu.memref_squeeze %dma_start3A_57 : memref<1x1x128xi32, #tpu.memory_space<vmem>> -> memref<128xi32, #tpu.memory_space<vmem>>
      %dma_start3A_59 = arith.constant 0 : i32
      %dma_start3A_60 = arith.constant 0 : i32
      %dma_start3A_61 = tpu.memref_slice %arg13[%dma_start3A_59, %dma_start3A_60] : memref<10240x128xf32, #tpu.memory_space<vmem_shared>> -> memref<10240x128xf32, #tpu.memory_space<vmem_shared>>
      tpu.enqueue_indirect_dma source(%arg11 : memref<128x128xf32, #tpu.memory_space<vmem>>) target(%dma_start3A_61 : memref<10240x128xf32, #tpu.memory_space<vmem_shared>>) offsets(%dma_start3A_58 : memref<128xi32, #tpu.memory_space<vmem>>) semaphore(%arg14 : memref<!tpu.dma_semaphore, #tpu.memory_space<semaphore_mem>>) {add = true}
      %dma_start3A_62 = arith.constant 4 : i32
      %dma_start3A_63 = arith.constant 0 : i32
      %dma_start3A_64 = arith.constant 0 : i32
      %dma_start3A_65 = tpu.memref_slice %arg10[%dma_start3A_62, %dma_start3A_63, %dma_start3A_64] : memref<40x1x128xi32, #tpu.memory_space<vmem>> -> memref<1x1x128xi32, #tpu.memory_space<vmem>>
      %dma_start3A_66 = tpu.memref_squeeze %dma_start3A_65 : memref<1x1x128xi32, #tpu.memory_space<vmem>> -> memref<128xi32, #tpu.memory_space<vmem>>
      %dma_start3A_67 = arith.constant 0 : i32
      %dma_start3A_68 = arith.constant 0 : i32
      %dma_start3A_69 = tpu.memref_slice %arg13[%dma_start3A_67, %dma_start3A_68] : memref<10240x128xf32, #tpu.memory_space<vmem_shared>> -> memref<10240x128xf32, #tpu.memory_space<vmem_shared>>
      tpu.enqueue_indirect_dma source(%arg11 : memref<128x128xf32, #tpu.memory_space<vmem>>) target(%dma_start3A_69 : memref<10240x128xf32, #tpu.memory_space<vmem_shared>>) offsets(%dma_start3A_66 : memref<128xi32, #tpu.memory_space<vmem>>) semaphore(%arg14 : memref<!tpu.dma_semaphore, #tpu.memory_space<semaphore_mem>>) {add = true}
      %dma_start3A_70 = arith.constant 5 : i32
      %dma_start3A_71 = arith.constant 0 : i32
      %dma_start3A_72 = arith.constant 0 : i32
      %dma_start3A_73 = tpu.memref_slice %arg10[%dma_start3A_70, %dma_start3A_71, %dma_start3A_72] : memref<40x1x128xi32, #tpu.memory_space<vmem>> -> memref<1x1x128xi32, #tpu.memory_space<vmem>>
      %dma_start3A_74 = tpu.memref_squeeze %dma_start3A_73 : memref<1x1x128xi32, #tpu.memory_space<vmem>> -> memref<128xi32, #tpu.memory_space<vmem>>
      %dma_start3A_75 = arith.constant 0 : i32
      %dma_start3A_76 = arith.constant 0 : i32
      %dma_start3A_77 = tpu.memref_slice %arg13[%dma_start3A_75, %dma_start3A_76] : memref<10240x128xf32, #tpu.memory_space<vmem_shared>> -> memref<10240x128xf32, #tpu.memory_space<vmem_shared>>
      tpu.enqueue_indirect_dma source(%arg11 : memref<128x128xf32, #tpu.memory_space<vmem>>) target(%dma_start3A_77 : memref<10240x128xf32, #tpu.memory_space<vmem_shared>>) offsets(%dma_start3A_74 : memref<128xi32, #tpu.memory_space<vmem>>) semaphore(%arg14 : memref<!tpu.dma_semaphore, #tpu.memory_space<semaphore_mem>>) {add = true}
      %dma_start3A_78 = arith.constant 6 : i32
      %dma_start3A_79 = arith.constant 0 : i32
      %dma_start3A_80 = arith.constant 0 : i32
      %dma_start3A_81 = tpu.memref_slice %arg10[%dma_start3A_78, %dma_start3A_79, %dma_start3A_80] : memref<40x1x128xi32, #tpu.memory_space<vmem>> -> memref<1x1x128xi32, #tpu.memory_space<vmem>>
      %dma_start3A_82 = tpu.memref_squeeze %dma_start3A_81 : memref<1x1x128xi32, #tpu.memory_space<vmem>> -> memref<128xi32, #tpu.memory_space<vmem>>
      %dma_start3A_83 = arith.constant 0 : i32
      %dma_start3A_84 = arith.constant 0 : i32
      %dma_start3A_85 = tpu.memref_slice %arg13[%dma_start3A_83, %dma_start3A_84] : memref<10240x128xf32, #tpu.memory_space<vmem_shared>> -> memref<10240x128xf32, #tpu.memory_space<vmem_shared>>
      tpu.enqueue_indirect_dma source(%arg11 : memref<128x128xf32, #tpu.memory_space<vmem>>) target(%dma_start3A_85 : memref<10240x128xf32, #tpu.memory_space<vmem_shared>>) offsets(%dma_start3A_82 : memref<128xi32, #tpu.memory_space<vmem>>) semaphore(%arg14 : memref<!tpu.dma_semaphore, #tpu.memory_space<semaphore_mem>>) {add = true}
      %dma_start3A_86 = arith.constant 7 : i32
      %dma_start3A_87 = arith.constant 0 : i32
      %dma_start3A_88 = arith.constant 0 : i32
      %dma_start3A_89 = tpu.memref_slice %arg10[%dma_start3A_86, %dma_start3A_87, %dma_start3A_88] : memref<40x1x128xi32, #tpu.memory_space<vmem>> -> memref<1x1x128xi32, #tpu.memory_space<vmem>>
      %dma_start3A_90 = tpu.memref_squeeze %dma_start3A_89 : memref<1x1x128xi32, #tpu.memory_space<vmem>> -> memref<128xi32, #tpu.memory_space<vmem>>
      %dma_start3A_91 = arith.constant 0 : i32
      %dma_start3A_92 = arith.constant 0 : i32
      %dma_start3A_93 = tpu.memref_slice %arg13[%dma_start3A_91, %dma_start3A_92] : memref<10240x128xf32, #tpu.memory_space<vmem_shared>> -> memref<10240x128xf32, #tpu.memory_space<vmem_shared>>
      tpu.enqueue_indirect_dma source(%arg11 : memref<128x128xf32, #tpu.memory_space<vmem>>) target(%dma_start3A_93 : memref<10240x128xf32, #tpu.memory_space<vmem_shared>>) offsets(%dma_start3A_90 : memref<128xi32, #tpu.memory_space<vmem>>) semaphore(%arg14 : memref<!tpu.dma_semaphore, #tpu.memory_space<semaphore_mem>>) {add = true}
      %dma_start3A_94 = arith.constant 8 : i32
      %dma_start3A_95 = arith.constant 0 : i32
      %dma_start3A_96 = arith.constant 0 : i32
      %dma_start3A_97 = tpu.memref_slice %arg10[%dma_start3A_94, %dma_start3A_95, %dma_start3A_96] : memref<40x1x128xi32, #tpu.memory_space<vmem>> -> memref<1x1x128xi32, #tpu.memory_space<vmem>>
      %dma_start3A_98 = tpu.memref_squeeze %dma_start3A_97 : memref<1x1x128xi32, #tpu.memory_space<vmem>> -> memref<128xi32, #tpu.memory_space<vmem>>
      %dma_start3A_99 = arith.constant 0 : i32
      %dma_start3A_100 = arith.constant 0 : i32
      %dma_start3A_101 = tpu.memref_slice %arg13[%dma_start3A_99, %dma_start3A_100] : memref<10240x128xf32, #tpu.memory_space<vmem_shared>> -> memref<10240x128xf32, #tpu.memory_space<vmem_shared>>
      tpu.enqueue_indirect_dma source(%arg11 : memref<128x128xf32, #tpu.memory_space<vmem>>) target(%dma_start3A_101 : memref<10240x128xf32, #tpu.memory_space<vmem_shared>>) offsets(%dma_start3A_98 : memref<128xi32, #tpu.memory_space<vmem>>) semaphore(%arg14 : memref<!tpu.dma_semaphore, #tpu.memory_space<semaphore_mem>>) {add = true}
      %dma_start3A_102 = arith.constant 9 : i32
      %dma_start3A_103 = arith.constant 0 : i32
      %dma_start3A_104 = arith.constant 0 : i32
      %dma_start3A_105 = tpu.memref_slice %arg10[%dma_start3A_102, %dma_start3A_103, %dma_start3A_104] : memref<40x1x128xi32, #tpu.memory_space<vmem>> -> memref<1x1x128xi32, #tpu.memory_space<vmem>>
      %dma_start3A_106 = tpu.memref_squeeze %dma_start3A_105 : memref<1x1x128xi32, #tpu.memory_space<vmem>> -> memref<128xi32, #tpu.memory_space<vmem>>
      %dma_start3A_107 = arith.constant 0 : i32
      %dma_start3A_108 = arith.constant 0 : i32
      %dma_start3A_109 = tpu.memref_slice %arg13[%dma_start3A_107, %dma_start3A_108] : memref<10240x128xf32, #tpu.memory_space<vmem_shared>> -> memref<10240x128xf32, #tpu.memory_space<vmem_shared>>
      tpu.enqueue_indirect_dma source(%arg11 : memref<128x128xf32, #tpu.memory_space<vmem>>) target(%dma_start3A_109 : memref<10240x128xf32, #tpu.memory_space<vmem_shared>>) offsets(%dma_start3A_106 : memref<128xi32, #tpu.memory_space<vmem>>) semaphore(%arg14 : memref<!tpu.dma_semaphore, #tpu.memory_space<semaphore_mem>>) {add = true}
      %dma_start3A_110 = arith.constant 10 : i32
      %dma_start3A_111 = arith.constant 0 : i32
      %dma_start3A_112 = arith.constant 0 : i32
      %dma_start3A_113 = tpu.memref_slice %arg10[%dma_start3A_110, %dma_start3A_111, %dma_start3A_112] : memref<40x1x128xi32, #tpu.memory_space<vmem>> -> memref<1x1x128xi32, #tpu.memory_space<vmem>>
      %dma_start3A_114 = tpu.memref_squeeze %dma_start3A_113 : memref<1x1x128xi32, #tpu.memory_space<vmem>> -> memref<128xi32, #tpu.memory_space<vmem>>
      %dma_start3A_115 = arith.constant 0 : i32
      %dma_start3A_116 = arith.constant 0 : i32
      %dma_start3A_117 = tpu.memref_slice %arg13[%dma_start3A_115, %dma_start3A_116] : memref<10240x128xf32, #tpu.memory_space<vmem_shared>> -> memref<10240x128xf32, #tpu.memory_space<vmem_shared>>
      tpu.enqueue_indirect_dma source(%arg11 : memref<128x128xf32, #tpu.memory_space<vmem>>) target(%dma_start3A_117 : memref<10240x128xf32, #tpu.memory_space<vmem_shared>>) offsets(%dma_start3A_114 : memref<128xi32, #tpu.memory_space<vmem>>) semaphore(%arg14 : memref<!tpu.dma_semaphore, #tpu.memory_space<semaphore_mem>>) {add = true}
      %dma_start3A_118 = arith.constant 11 : i32
      %dma_start3A_119 = arith.constant 0 : i32
      %dma_start3A_120 = arith.constant 0 : i32
      %dma_start3A_121 = tpu.memref_slice %arg10[%dma_start3A_118, %dma_start3A_119, %dma_start3A_120] : memref<40x1x128xi32, #tpu.memory_space<vmem>> -> memref<1x1x128xi32, #tpu.memory_space<vmem>>
      %dma_start3A_122 = tpu.memref_squeeze %dma_start3A_121 : memref<1x1x128xi32, #tpu.memory_space<vmem>> -> memref<128xi32, #tpu.memory_space<vmem>>
      %dma_start3A_123 = arith.constant 0 : i32
      %dma_start3A_124 = arith.constant 0 : i32
      %dma_start3A_125 = tpu.memref_slice %arg13[%dma_start3A_123, %dma_start3A_124] : memref<10240x128xf32, #tpu.memory_space<vmem_shared>> -> memref<10240x128xf32, #tpu.memory_space<vmem_shared>>
      tpu.enqueue_indirect_dma source(%arg11 : memref<128x128xf32, #tpu.memory_space<vmem>>) target(%dma_start3A_125 : memref<10240x128xf32, #tpu.memory_space<vmem_shared>>) offsets(%dma_start3A_122 : memref<128xi32, #tpu.memory_space<vmem>>) semaphore(%arg14 : memref<!tpu.dma_semaphore, #tpu.memory_space<semaphore_mem>>) {add = true}
      %dma_start3A_126 = arith.constant 12 : i32
      %dma_start3A_127 = arith.constant 0 : i32
      %dma_start3A_128 = arith.constant 0 : i32
      %dma_start3A_129 = tpu.memref_slice %arg10[%dma_start3A_126, %dma_start3A_127, %dma_start3A_128] : memref<40x1x128xi32, #tpu.memory_space<vmem>> -> memref<1x1x128xi32, #tpu.memory_space<vmem>>
      %dma_start3A_130 = tpu.memref_squeeze %dma_start3A_129 : memref<1x1x128xi32, #tpu.memory_space<vmem>> -> memref<128xi32, #tpu.memory_space<vmem>>
      %dma_start3A_131 = arith.constant 0 : i32
      %dma_start3A_132 = arith.constant 0 : i32
      %dma_start3A_133 = tpu.memref_slice %arg13[%dma_start3A_131, %dma_start3A_132] : memref<10240x128xf32, #tpu.memory_space<vmem_shared>> -> memref<10240x128xf32, #tpu.memory_space<vmem_shared>>
      tpu.enqueue_indirect_dma source(%arg11 : memref<128x128xf32, #tpu.memory_space<vmem>>) target(%dma_start3A_133 : memref<10240x128xf32, #tpu.memory_space<vmem_shared>>) offsets(%dma_start3A_130 : memref<128xi32, #tpu.memory_space<vmem>>) semaphore(%arg14 : memref<!tpu.dma_semaphore, #tpu.memory_space<semaphore_mem>>) {add = true}
      %dma_start3A_134 = arith.constant 13 : i32
      %dma_start3A_135 = arith.constant 0 : i32
      %dma_start3A_136 = arith.constant 0 : i32
      %dma_start3A_137 = tpu.memref_slice %arg10[%dma_start3A_134, %dma_start3A_135, %dma_start3A_136] : memref<40x1x128xi32, #tpu.memory_space<vmem>> -> memref<1x1x128xi32, #tpu.memory_space<vmem>>
      %dma_start3A_138 = tpu.memref_squeeze %dma_start3A_137 : memref<1x1x128xi32, #tpu.memory_space<vmem>> -> memref<128xi32, #tpu.memory_space<vmem>>
      %dma_start3A_139 = arith.constant 0 : i32
      %dma_start3A_140 = arith.constant 0 : i32
      %dma_start3A_141 = tpu.memref_slice %arg13[%dma_start3A_139, %dma_start3A_140] : memref<10240x128xf32, #tpu.memory_space<vmem_shared>> -> memref<10240x128xf32, #tpu.memory_space<vmem_shared>>
      tpu.enqueue_indirect_dma source(%arg11 : memref<128x128xf32, #tpu.memory_space<vmem>>) target(%dma_start3A_141 : memref<10240x128xf32, #tpu.memory_space<vmem_shared>>) offsets(%dma_start3A_138 : memref<128xi32, #tpu.memory_space<vmem>>) semaphore(%arg14 : memref<!tpu.dma_semaphore, #tpu.memory_space<semaphore_mem>>) {add = true}
      %dma_start3A_142 = arith.constant 14 : i32
      %dma_start3A_143 = arith.constant 0 : i32
      %dma_start3A_144 = arith.constant 0 : i32
      %dma_start3A_145 = tpu.memref_slice %arg10[%dma_start3A_142, %dma_start3A_143, %dma_start3A_144] : memref<40x1x128xi32, #tpu.memory_space<vmem>> -> memref<1x1x128xi32, #tpu.memory_space<vmem>>
      %dma_start3A_146 = tpu.memref_squeeze %dma_start3A_145 : memref<1x1x128xi32, #tpu.memory_space<vmem>> -> memref<128xi32, #tpu.memory_space<vmem>>
      %dma_start3A_147 = arith.constant 0 : i32
      %dma_start3A_148 = arith.constant 0 : i32
      %dma_start3A_149 = tpu.memref_slice %arg13[%dma_start3A_147, %dma_start3A_148] : memref<10240x128xf32, #tpu.memory_space<vmem_shared>> -> memref<10240x128xf32, #tpu.memory_space<vmem_shared>>
      tpu.enqueue_indirect_dma source(%arg11 : memref<128x128xf32, #tpu.memory_space<vmem>>) target(%dma_start3A_149 : memref<10240x128xf32, #tpu.memory_space<vmem_shared>>) offsets(%dma_start3A_146 : memref<128xi32, #tpu.memory_space<vmem>>) semaphore(%arg14 : memref<!tpu.dma_semaphore, #tpu.memory_space<semaphore_mem>>) {add = true}
      %dma_start3A_150 = arith.constant 15 : i32
      %dma_start3A_151 = arith.constant 0 : i32
      %dma_start3A_152 = arith.constant 0 : i32
      %dma_start3A_153 = tpu.memref_slice %arg10[%dma_start3A_150, %dma_start3A_151, %dma_start3A_152] : memref<40x1x128xi32, #tpu.memory_space<vmem>> -> memref<1x1x128xi32, #tpu.memory_space<vmem>>
      %dma_start3A_154 = tpu.memref_squeeze %dma_start3A_153 : memref<1x1x128xi32, #tpu.memory_space<vmem>> -> memref<128xi32, #tpu.memory_space<vmem>>
      %dma_start3A_155 = arith.constant 0 : i32
      %dma_start3A_156 = arith.constant 0 : i32
      %dma_start3A_157 = tpu.memref_slice %arg13[%dma_start3A_155, %dma_start3A_156] : memref<10240x128xf32, #tpu.memory_space<vmem_shared>> -> memref<10240x128xf32, #tpu.memory_space<vmem_shared>>
      tpu.enqueue_indirect_dma source(%arg11 : memref<128x128xf32, #tpu.memory_space<vmem>>) target(%dma_start3A_157 : memref<10240x128xf32, #tpu.memory_space<vmem_shared>>) offsets(%dma_start3A_154 : memref<128xi32, #tpu.memory_space<vmem>>) semaphore(%arg14 : memref<!tpu.dma_semaphore, #tpu.memory_space<semaphore_mem>>) {add = true}
      %dma_start3A_158 = arith.constant 16 : i32
      %dma_start3A_159 = arith.constant 0 : i32
      %dma_start3A_160 = arith.constant 0 : i32
      %dma_start3A_161 = tpu.memref_slice %arg10[%dma_start3A_158, %dma_start3A_159, %dma_start3A_160] : memref<40x1x128xi32, #tpu.memory_space<vmem>> -> memref<1x1x128xi32, #tpu.memory_space<vmem>>
      %dma_start3A_162 = tpu.memref_squeeze %dma_start3A_161 : memref<1x1x128xi32, #tpu.memory_space<vmem>> -> memref<128xi32, #tpu.memory_space<vmem>>
      %dma_start3A_163 = arith.constant 0 : i32
      %dma_start3A_164 = arith.constant 0 : i32
      %dma_start3A_165 = tpu.memref_slice %arg13[%dma_start3A_163, %dma_start3A_164] : memref<10240x128xf32, #tpu.memory_space<vmem_shared>> -> memref<10240x128xf32, #tpu.memory_space<vmem_shared>>
      tpu.enqueue_indirect_dma source(%arg11 : memref<128x128xf32, #tpu.memory_space<vmem>>) target(%dma_start3A_165 : memref<10240x128xf32, #tpu.memory_space<vmem_shared>>) offsets(%dma_start3A_162 : memref<128xi32, #tpu.memory_space<vmem>>) semaphore(%arg14 : memref<!tpu.dma_semaphore, #tpu.memory_space<semaphore_mem>>) {add = true}
      %dma_start3A_166 = arith.constant 17 : i32
      %dma_start3A_167 = arith.constant 0 : i32
      %dma_start3A_168 = arith.constant 0 : i32
      %dma_start3A_169 = tpu.memref_slice %arg10[%dma_start3A_166, %dma_start3A_167, %dma_start3A_168] : memref<40x1x128xi32, #tpu.memory_space<vmem>> -> memref<1x1x128xi32, #tpu.memory_space<vmem>>
      %dma_start3A_170 = tpu.memref_squeeze %dma_start3A_169 : memref<1x1x128xi32, #tpu.memory_space<vmem>> -> memref<128xi32, #tpu.memory_space<vmem>>
      %dma_start3A_171 = arith.constant 0 : i32
      %dma_start3A_172 = arith.constant 0 : i32
      %dma_start3A_173 = tpu.memref_slice %arg13[%dma_start3A_171, %dma_start3A_172] : memref<10240x128xf32, #tpu.memory_space<vmem_shared>> -> memref<10240x128xf32, #tpu.memory_space<vmem_shared>>
      tpu.enqueue_indirect_dma source(%arg11 : memref<128x128xf32, #tpu.memory_space<vmem>>) target(%dma_start3A_173 : memref<10240x128xf32, #tpu.memory_space<vmem_shared>>) offsets(%dma_start3A_170 : memref<128xi32, #tpu.memory_space<vmem>>) semaphore(%arg14 : memref<!tpu.dma_semaphore, #tpu.memory_space<semaphore_mem>>) {add = true}
      %dma_start3A_174 = arith.constant 18 : i32
      %dma_start3A_175 = arith.constant 0 : i32
      %dma_start3A_176 = arith.constant 0 : i32
      %dma_start3A_177 = tpu.memref_slice %arg10[%dma_start3A_174, %dma_start3A_175, %dma_start3A_176] : memref<40x1x128xi32, #tpu.memory_space<vmem>> -> memref<1x1x128xi32, #tpu.memory_space<vmem>>
      %dma_start3A_178 = tpu.memref_squeeze %dma_start3A_177 : memref<1x1x128xi32, #tpu.memory_space<vmem>> -> memref<128xi32, #tpu.memory_space<vmem>>
      %dma_start3A_179 = arith.constant 0 : i32
      %dma_start3A_180 = arith.constant 0 : i32
      %dma_start3A_181 = tpu.memref_slice %arg13[%dma_start3A_179, %dma_start3A_180] : memref<10240x128xf32, #tpu.memory_space<vmem_shared>> -> memref<10240x128xf32, #tpu.memory_space<vmem_shared>>
      tpu.enqueue_indirect_dma source(%arg11 : memref<128x128xf32, #tpu.memory_space<vmem>>) target(%dma_start3A_181 : memref<10240x128xf32, #tpu.memory_space<vmem_shared>>) offsets(%dma_start3A_178 : memref<128xi32, #tpu.memory_space<vmem>>) semaphore(%arg14 : memref<!tpu.dma_semaphore, #tpu.memory_space<semaphore_mem>>) {add = true}
      %dma_start3A_182 = arith.constant 19 : i32
      %dma_start3A_183 = arith.constant 0 : i32
      %dma_start3A_184 = arith.constant 0 : i32
      %dma_start3A_185 = tpu.memref_slice %arg10[%dma_start3A_182, %dma_start3A_183, %dma_start3A_184] : memref<40x1x128xi32, #tpu.memory_space<vmem>> -> memref<1x1x128xi32, #tpu.memory_space<vmem>>
      %dma_start3A_186 = tpu.memref_squeeze %dma_start3A_185 : memref<1x1x128xi32, #tpu.memory_space<vmem>> -> memref<128xi32, #tpu.memory_space<vmem>>
      %dma_start3A_187 = arith.constant 0 : i32
      %dma_start3A_188 = arith.constant 0 : i32
      %dma_start3A_189 = tpu.memref_slice %arg13[%dma_start3A_187, %dma_start3A_188] : memref<10240x128xf32, #tpu.memory_space<vmem_shared>> -> memref<10240x128xf32, #tpu.memory_space<vmem_shared>>
      tpu.enqueue_indirect_dma source(%arg11 : memref<128x128xf32, #tpu.memory_space<vmem>>) target(%dma_start3A_189 : memref<10240x128xf32, #tpu.memory_space<vmem_shared>>) offsets(%dma_start3A_186 : memref<128xi32, #tpu.memory_space<vmem>>) semaphore(%arg14 : memref<!tpu.dma_semaphore, #tpu.memory_space<semaphore_mem>>) {add = true}
      %dma_start3A_190 = arith.constant 20 : i32
      %dma_start3A_191 = arith.constant 0 : i32
      %dma_start3A_192 = arith.constant 0 : i32
      %dma_start3A_193 = tpu.memref_slice %arg10[%dma_start3A_190, %dma_start3A_191, %dma_start3A_192] : memref<40x1x128xi32, #tpu.memory_space<vmem>> -> memref<1x1x128xi32, #tpu.memory_space<vmem>>
      %dma_start3A_194 = tpu.memref_squeeze %dma_start3A_193 : memref<1x1x128xi32, #tpu.memory_space<vmem>> -> memref<128xi32, #tpu.memory_space<vmem>>
      %dma_start3A_195 = arith.constant 0 : i32
      %dma_start3A_196 = arith.constant 0 : i32
      %dma_start3A_197 = tpu.memref_slice %arg13[%dma_start3A_195, %dma_start3A_196] : memref<10240x128xf32, #tpu.memory_space<vmem_shared>> -> memref<10240x128xf32, #tpu.memory_space<vmem_shared>>
      tpu.enqueue_indirect_dma source(%arg11 : memref<128x128xf32, #tpu.memory_space<vmem>>) target(%dma_start3A_197 : memref<10240x128xf32, #tpu.memory_space<vmem_shared>>) offsets(%dma_start3A_194 : memref<128xi32, #tpu.memory_space<vmem>>) semaphore(%arg14 : memref<!tpu.dma_semaphore, #tpu.memory_space<semaphore_mem>>) {add = true}
      %dma_start3A_198 = arith.constant 21 : i32
      %dma_start3A_199 = arith.constant 0 : i32
      %dma_start3A_200 = arith.constant 0 : i32
      %dma_start3A_201 = tpu.memref_slice %arg10[%dma_start3A_198, %dma_start3A_199, %dma_start3A_200] : memref<40x1x128xi32, #tpu.memory_space<vmem>> -> memref<1x1x128xi32, #tpu.memory_space<vmem>>
      %dma_start3A_202 = tpu.memref_squeeze %dma_start3A_201 : memref<1x1x128xi32, #tpu.memory_space<vmem>> -> memref<128xi32, #tpu.memory_space<vmem>>
      %dma_start3A_203 = arith.constant 0 : i32
      %dma_start3A_204 = arith.constant 0 : i32
      %dma_start3A_205 = tpu.memref_slice %arg13[%dma_start3A_203, %dma_start3A_204] : memref<10240x128xf32, #tpu.memory_space<vmem_shared>> -> memref<10240x128xf32, #tpu.memory_space<vmem_shared>>
      tpu.enqueue_indirect_dma source(%arg11 : memref<128x128xf32, #tpu.memory_space<vmem>>) target(%dma_start3A_205 : memref<10240x128xf32, #tpu.memory_space<vmem_shared>>) offsets(%dma_start3A_202 : memref<128xi32, #tpu.memory_space<vmem>>) semaphore(%arg14 : memref<!tpu.dma_semaphore, #tpu.memory_space<semaphore_mem>>) {add = true}
      %dma_start3A_206 = arith.constant 22 : i32
      %dma_start3A_207 = arith.constant 0 : i32
      %dma_start3A_208 = arith.constant 0 : i32
      %dma_start3A_209 = tpu.memref_slice %arg10[%dma_start3A_206, %dma_start3A_207, %dma_start3A_208] : memref<40x1x128xi32, #tpu.memory_space<vmem>> -> memref<1x1x128xi32, #tpu.memory_space<vmem>>
      %dma_start3A_210 = tpu.memref_squeeze %dma_start3A_209 : memref<1x1x128xi32, #tpu.memory_space<vmem>> -> memref<128xi32, #tpu.memory_space<vmem>>
      %dma_start3A_211 = arith.constant 0 : i32
      %dma_start3A_212 = arith.constant 0 : i32
      %dma_start3A_213 = tpu.memref_slice %arg13[%dma_start3A_211, %dma_start3A_212] : memref<10240x128xf32, #tpu.memory_space<vmem_shared>> -> memref<10240x128xf32, #tpu.memory_space<vmem_shared>>
      tpu.enqueue_indirect_dma source(%arg11 : memref<128x128xf32, #tpu.memory_space<vmem>>) target(%dma_start3A_213 : memref<10240x128xf32, #tpu.memory_space<vmem_shared>>) offsets(%dma_start3A_210 : memref<128xi32, #tpu.memory_space<vmem>>) semaphore(%arg14 : memref<!tpu.dma_semaphore, #tpu.memory_space<semaphore_mem>>) {add = true}
      %dma_start3A_214 = arith.constant 23 : i32
      %dma_start3A_215 = arith.constant 0 : i32
      %dma_start3A_216 = arith.constant 0 : i32
      %dma_start3A_217 = tpu.memref_slice %arg10[%dma_start3A_214, %dma_start3A_215, %dma_start3A_216] : memref<40x1x128xi32, #tpu.memory_space<vmem>> -> memref<1x1x128xi32, #tpu.memory_space<vmem>>
      %dma_start3A_218 = tpu.memref_squeeze %dma_start3A_217 : memref<1x1x128xi32, #tpu.memory_space<vmem>> -> memref<128xi32, #tpu.memory_space<vmem>>
      %dma_start3A_219 = arith.constant 0 : i32
      %dma_start3A_220 = arith.constant 0 : i32
      %dma_start3A_221 = tpu.memref_slice %arg13[%dma_start3A_219, %dma_start3A_220] : memref<10240x128xf32, #tpu.memory_space<vmem_shared>> -> memref<10240x128xf32, #tpu.memory_space<vmem_shared>>
      tpu.enqueue_indirect_dma source(%arg11 : memref<128x128xf32, #tpu.memory_space<vmem>>) target(%dma_start3A_221 : memref<10240x128xf32, #tpu.memory_space<vmem_shared>>) offsets(%dma_start3A_218 : memref<128xi32, #tpu.memory_space<vmem>>) semaphore(%arg14 : memref<!tpu.dma_semaphore, #tpu.memory_space<semaphore_mem>>) {add = true}
      %dma_start3A_222 = arith.constant 24 : i32
      %dma_start3A_223 = arith.constant 0 : i32
      %dma_start3A_224 = arith.constant 0 : i32
      %dma_start3A_225 = tpu.memref_slice %arg10[%dma_start3A_222, %dma_start3A_223, %dma_start3A_224] : memref<40x1x128xi32, #tpu.memory_space<vmem>> -> memref<1x1x128xi32, #tpu.memory_space<vmem>>
      %dma_start3A_226 = tpu.memref_squeeze %dma_start3A_225 : memref<1x1x128xi32, #tpu.memory_space<vmem>> -> memref<128xi32, #tpu.memory_space<vmem>>
      %dma_start3A_227 = arith.constant 0 : i32
      %dma_start3A_228 = arith.constant 0 : i32
      %dma_start3A_229 = tpu.memref_slice %arg13[%dma_start3A_227, %dma_start3A_228] : memref<10240x128xf32, #tpu.memory_space<vmem_shared>> -> memref<10240x128xf32, #tpu.memory_space<vmem_shared>>
      tpu.enqueue_indirect_dma source(%arg11 : memref<128x128xf32, #tpu.memory_space<vmem>>) target(%dma_start3A_229 : memref<10240x128xf32, #tpu.memory_space<vmem_shared>>) offsets(%dma_start3A_226 : memref<128xi32, #tpu.memory_space<vmem>>) semaphore(%arg14 : memref<!tpu.dma_semaphore, #tpu.memory_space<semaphore_mem>>) {add = true}
      %dma_start3A_230 = arith.constant 25 : i32
      %dma_start3A_231 = arith.constant 0 : i32
      %dma_start3A_232 = arith.constant 0 : i32
      %dma_start3A_233 = tpu.memref_slice %arg10[%dma_start3A_230, %dma_start3A_231, %dma_start3A_232] : memref<40x1x128xi32, #tpu.memory_space<vmem>> -> memref<1x1x128xi32, #tpu.memory_space<vmem>>
      %dma_start3A_234 = tpu.memref_squeeze %dma_start3A_233 : memref<1x1x128xi32, #tpu.memory_space<vmem>> -> memref<128xi32, #tpu.memory_space<vmem>>
      %dma_start3A_235 = arith.constant 0 : i32
      %dma_start3A_236 = arith.constant 0 : i32
      %dma_start3A_237 = tpu.memref_slice %arg13[%dma_start3A_235, %dma_start3A_236] : memref<10240x128xf32, #tpu.memory_space<vmem_shared>> -> memref<10240x128xf32, #tpu.memory_space<vmem_shared>>
      tpu.enqueue_indirect_dma source(%arg11 : memref<128x128xf32, #tpu.memory_space<vmem>>) target(%dma_start3A_237 : memref<10240x128xf32, #tpu.memory_space<vmem_shared>>) offsets(%dma_start3A_234 : memref<128xi32, #tpu.memory_space<vmem>>) semaphore(%arg14 : memref<!tpu.dma_semaphore, #tpu.memory_space<semaphore_mem>>) {add = true}
      %dma_start3A_238 = arith.constant 26 : i32
      %dma_start3A_239 = arith.constant 0 : i32
      %dma_start3A_240 = arith.constant 0 : i32
      %dma_start3A_241 = tpu.memref_slice %arg10[%dma_start3A_238, %dma_start3A_239, %dma_start3A_240] : memref<40x1x128xi32, #tpu.memory_space<vmem>> -> memref<1x1x128xi32, #tpu.memory_space<vmem>>
      %dma_start3A_242 = tpu.memref_squeeze %dma_start3A_241 : memref<1x1x128xi32, #tpu.memory_space<vmem>> -> memref<128xi32, #tpu.memory_space<vmem>>
      %dma_start3A_243 = arith.constant 0 : i32
      %dma_start3A_244 = arith.constant 0 : i32
      %dma_start3A_245 = tpu.memref_slice %arg13[%dma_start3A_243, %dma_start3A_244] : memref<10240x128xf32, #tpu.memory_space<vmem_shared>> -> memref<10240x128xf32, #tpu.memory_space<vmem_shared>>
      tpu.enqueue_indirect_dma source(%arg11 : memref<128x128xf32, #tpu.memory_space<vmem>>) target(%dma_start3A_245 : memref<10240x128xf32, #tpu.memory_space<vmem_shared>>) offsets(%dma_start3A_242 : memref<128xi32, #tpu.memory_space<vmem>>) semaphore(%arg14 : memref<!tpu.dma_semaphore, #tpu.memory_space<semaphore_mem>>) {add = true}
      %dma_start3A_246 = arith.constant 27 : i32
      %dma_start3A_247 = arith.constant 0 : i32
      %dma_start3A_248 = arith.constant 0 : i32
      %dma_start3A_249 = tpu.memref_slice %arg10[%dma_start3A_246, %dma_start3A_247, %dma_start3A_248] : memref<40x1x128xi32, #tpu.memory_space<vmem>> -> memref<1x1x128xi32, #tpu.memory_space<vmem>>
      %dma_start3A_250 = tpu.memref_squeeze %dma_start3A_249 : memref<1x1x128xi32, #tpu.memory_space<vmem>> -> memref<128xi32, #tpu.memory_space<vmem>>
      %dma_start3A_251 = arith.constant 0 : i32
      %dma_start3A_252 = arith.constant 0 : i32
      %dma_start3A_253 = tpu.memref_slice %arg13[%dma_start3A_251, %dma_start3A_252] : memref<10240x128xf32, #tpu.memory_space<vmem_shared>> -> memref<10240x128xf32, #tpu.memory_space<vmem_shared>>
      tpu.enqueue_indirect_dma source(%arg11 : memref<128x128xf32, #tpu.memory_space<vmem>>) target(%dma_start3A_253 : memref<10240x128xf32, #tpu.memory_space<vmem_shared>>) offsets(%dma_start3A_250 : memref<128xi32, #tpu.memory_space<vmem>>) semaphore(%arg14 : memref<!tpu.dma_semaphore, #tpu.memory_space<semaphore_mem>>) {add = true}
      %dma_start3A_254 = arith.constant 28 : i32
      %dma_start3A_255 = arith.constant 0 : i32
      %dma_start3A_256 = arith.constant 0 : i32
      %dma_start3A_257 = tpu.memref_slice %arg10[%dma_start3A_254, %dma_start3A_255, %dma_start3A_256] : memref<40x1x128xi32, #tpu.memory_space<vmem>> -> memref<1x1x128xi32, #tpu.memory_space<vmem>>
      %dma_start3A_258 = tpu.memref_squeeze %dma_start3A_257 : memref<1x1x128xi32, #tpu.memory_space<vmem>> -> memref<128xi32, #tpu.memory_space<vmem>>
      %dma_start3A_259 = arith.constant 0 : i32
      %dma_start3A_260 = arith.constant 0 : i32
      %dma_start3A_261 = tpu.memref_slice %arg13[%dma_start3A_259, %dma_start3A_260] : memref<10240x128xf32, #tpu.memory_space<vmem_shared>> -> memref<10240x128xf32, #tpu.memory_space<vmem_shared>>
      tpu.enqueue_indirect_dma source(%arg11 : memref<128x128xf32, #tpu.memory_space<vmem>>) target(%dma_start3A_261 : memref<10240x128xf32, #tpu.memory_space<vmem_shared>>) offsets(%dma_start3A_258 : memref<128xi32, #tpu.memory_space<vmem>>) semaphore(%arg14 : memref<!tpu.dma_semaphore, #tpu.memory_space<semaphore_mem>>) {add = true}
      %dma_start3A_262 = arith.constant 29 : i32
      %dma_start3A_263 = arith.constant 0 : i32
      %dma_start3A_264 = arith.constant 0 : i32
      %dma_start3A_265 = tpu.memref_slice %arg10[%dma_start3A_262, %dma_start3A_263, %dma_start3A_264] : memref<40x1x128xi32, #tpu.memory_space<vmem>> -> memref<1x1x128xi32, #tpu.memory_space<vmem>>
      %dma_start3A_266 = tpu.memref_squeeze %dma_start3A_265 : memref<1x1x128xi32, #tpu.memory_space<vmem>> -> memref<128xi32, #tpu.memory_space<vmem>>
      %dma_start3A_267 = arith.constant 0 : i32
      %dma_start3A_268 = arith.constant 0 : i32
      %dma_start3A_269 = tpu.memref_slice %arg13[%dma_start3A_267, %dma_start3A_268] : memref<10240x128xf32, #tpu.memory_space<vmem_shared>> -> memref<10240x128xf32, #tpu.memory_space<vmem_shared>>
      tpu.enqueue_indirect_dma source(%arg11 : memref<128x128xf32, #tpu.memory_space<vmem>>) target(%dma_start3A_269 : memref<10240x128xf32, #tpu.memory_space<vmem_shared>>) offsets(%dma_start3A_266 : memref<128xi32, #tpu.memory_space<vmem>>) semaphore(%arg14 : memref<!tpu.dma_semaphore, #tpu.memory_space<semaphore_mem>>) {add = true}
      %dma_start3A_270 = arith.constant 30 : i32
      %dma_start3A_271 = arith.constant 0 : i32
      %dma_start3A_272 = arith.constant 0 : i32
      %dma_start3A_273 = tpu.memref_slice %arg10[%dma_start3A_270, %dma_start3A_271, %dma_start3A_272] : memref<40x1x128xi32, #tpu.memory_space<vmem>> -> memref<1x1x128xi32, #tpu.memory_space<vmem>>
      %dma_start3A_274 = tpu.memref_squeeze %dma_start3A_273 : memref<1x1x128xi32, #tpu.memory_space<vmem>> -> memref<128xi32, #tpu.memory_space<vmem>>
      %dma_start3A_275 = arith.constant 0 : i32
      %dma_start3A_276 = arith.constant 0 : i32
      %dma_start3A_277 = tpu.memref_slice %arg13[%dma_start3A_275, %dma_start3A_276] : memref<10240x128xf32, #tpu.memory_space<vmem_shared>> -> memref<10240x128xf32, #tpu.memory_space<vmem_shared>>
      tpu.enqueue_indirect_dma source(%arg11 : memref<128x128xf32, #tpu.memory_space<vmem>>) target(%dma_start3A_277 : memref<10240x128xf32, #tpu.memory_space<vmem_shared>>) offsets(%dma_start3A_274 : memref<128xi32, #tpu.memory_space<vmem>>) semaphore(%arg14 : memref<!tpu.dma_semaphore, #tpu.memory_space<semaphore_mem>>) {add = true}
      %dma_start3A_278 = arith.constant 31 : i32
      %dma_start3A_279 = arith.constant 0 : i32
      %dma_start3A_280 = arith.constant 0 : i32
      %dma_start3A_281 = tpu.memref_slice %arg10[%dma_start3A_278, %dma_start3A_279, %dma_start3A_280] : memref<40x1x128xi32, #tpu.memory_space<vmem>> -> memref<1x1x128xi32, #tpu.memory_space<vmem>>
      %dma_start3A_282 = tpu.memref_squeeze %dma_start3A_281 : memref<1x1x128xi32, #tpu.memory_space<vmem>> -> memref<128xi32, #tpu.memory_space<vmem>>
      %dma_start3A_283 = arith.constant 0 : i32
      %dma_start3A_284 = arith.constant 0 : i32
      %dma_start3A_285 = tpu.memref_slice %arg13[%dma_start3A_283, %dma_start3A_284] : memref<10240x128xf32, #tpu.memory_space<vmem_shared>> -> memref<10240x128xf32, #tpu.memory_space<vmem_shared>>
      tpu.enqueue_indirect_dma source(%arg11 : memref<128x128xf32, #tpu.memory_space<vmem>>) target(%dma_start3A_285 : memref<10240x128xf32, #tpu.memory_space<vmem_shared>>) offsets(%dma_start3A_282 : memref<128xi32, #tpu.memory_space<vmem>>) semaphore(%arg14 : memref<!tpu.dma_semaphore, #tpu.memory_space<semaphore_mem>>) {add = true}
      %dma_start3A_286 = arith.constant 32 : i32
      %dma_start3A_287 = arith.constant 0 : i32
      %dma_start3A_288 = arith.constant 0 : i32
      %dma_start3A_289 = tpu.memref_slice %arg10[%dma_start3A_286, %dma_start3A_287, %dma_start3A_288] : memref<40x1x128xi32, #tpu.memory_space<vmem>> -> memref<1x1x128xi32, #tpu.memory_space<vmem>>
      %dma_start3A_290 = tpu.memref_squeeze %dma_start3A_289 : memref<1x1x128xi32, #tpu.memory_space<vmem>> -> memref<128xi32, #tpu.memory_space<vmem>>
      %dma_start3A_291 = arith.constant 0 : i32
      %dma_start3A_292 = arith.constant 0 : i32
      %dma_start3A_293 = tpu.memref_slice %arg13[%dma_start3A_291, %dma_start3A_292] : memref<10240x128xf32, #tpu.memory_space<vmem_shared>> -> memref<10240x128xf32, #tpu.memory_space<vmem_shared>>
      tpu.enqueue_indirect_dma source(%arg11 : memref<128x128xf32, #tpu.memory_space<vmem>>) target(%dma_start3A_293 : memref<10240x128xf32, #tpu.memory_space<vmem_shared>>) offsets(%dma_start3A_290 : memref<128xi32, #tpu.memory_space<vmem>>) semaphore(%arg14 : memref<!tpu.dma_semaphore, #tpu.memory_space<semaphore_mem>>) {add = true}
      %dma_start3A_294 = arith.constant 33 : i32
      %dma_start3A_295 = arith.constant 0 : i32
      %dma_start3A_296 = arith.constant 0 : i32
      %dma_start3A_297 = tpu.memref_slice %arg10[%dma_start3A_294, %dma_start3A_295, %dma_start3A_296] : memref<40x1x128xi32, #tpu.memory_space<vmem>> -> memref<1x1x128xi32, #tpu.memory_space<vmem>>
      %dma_start3A_298 = tpu.memref_squeeze %dma_start3A_297 : memref<1x1x128xi32, #tpu.memory_space<vmem>> -> memref<128xi32, #tpu.memory_space<vmem>>
      %dma_start3A_299 = arith.constant 0 : i32
      %dma_start3A_300 = arith.constant 0 : i32
      %dma_start3A_301 = tpu.memref_slice %arg13[%dma_start3A_299, %dma_start3A_300] : memref<10240x128xf32, #tpu.memory_space<vmem_shared>> -> memref<10240x128xf32, #tpu.memory_space<vmem_shared>>
      tpu.enqueue_indirect_dma source(%arg11 : memref<128x128xf32, #tpu.memory_space<vmem>>) target(%dma_start3A_301 : memref<10240x128xf32, #tpu.memory_space<vmem_shared>>) offsets(%dma_start3A_298 : memref<128xi32, #tpu.memory_space<vmem>>) semaphore(%arg14 : memref<!tpu.dma_semaphore, #tpu.memory_space<semaphore_mem>>) {add = true}
      %dma_start3A_302 = arith.constant 34 : i32
      %dma_start3A_303 = arith.constant 0 : i32
      %dma_start3A_304 = arith.constant 0 : i32
      %dma_start3A_305 = tpu.memref_slice %arg10[%dma_start3A_302, %dma_start3A_303, %dma_start3A_304] : memref<40x1x128xi32, #tpu.memory_space<vmem>> -> memref<1x1x128xi32, #tpu.memory_space<vmem>>
      %dma_start3A_306 = tpu.memref_squeeze %dma_start3A_305 : memref<1x1x128xi32, #tpu.memory_space<vmem>> -> memref<128xi32, #tpu.memory_space<vmem>>
      %dma_start3A_307 = arith.constant 0 : i32
      %dma_start3A_308 = arith.constant 0 : i32
      %dma_start3A_309 = tpu.memref_slice %arg13[%dma_start3A_307, %dma_start3A_308] : memref<10240x128xf32, #tpu.memory_space<vmem_shared>> -> memref<10240x128xf32, #tpu.memory_space<vmem_shared>>
      tpu.enqueue_indirect_dma source(%arg11 : memref<128x128xf32, #tpu.memory_space<vmem>>) target(%dma_start3A_309 : memref<10240x128xf32, #tpu.memory_space<vmem_shared>>) offsets(%dma_start3A_306 : memref<128xi32, #tpu.memory_space<vmem>>) semaphore(%arg14 : memref<!tpu.dma_semaphore, #tpu.memory_space<semaphore_mem>>) {add = true}
      %dma_start3A_310 = arith.constant 35 : i32
      %dma_start3A_311 = arith.constant 0 : i32
      %dma_start3A_312 = arith.constant 0 : i32
      %dma_start3A_313 = tpu.memref_slice %arg10[%dma_start3A_310, %dma_start3A_311, %dma_start3A_312] : memref<40x1x128xi32, #tpu.memory_space<vmem>> -> memref<1x1x128xi32, #tpu.memory_space<vmem>>
      %dma_start3A_314 = tpu.memref_squeeze %dma_start3A_313 : memref<1x1x128xi32, #tpu.memory_space<vmem>> -> memref<128xi32, #tpu.memory_space<vmem>>
      %dma_start3A_315 = arith.constant 0 : i32
      %dma_start3A_316 = arith.constant 0 : i32
      %dma_start3A_317 = tpu.memref_slice %arg13[%dma_start3A_315, %dma_start3A_316] : memref<10240x128xf32, #tpu.memory_space<vmem_shared>> -> memref<10240x128xf32, #tpu.memory_space<vmem_shared>>
      tpu.enqueue_indirect_dma source(%arg11 : memref<128x128xf32, #tpu.memory_space<vmem>>) target(%dma_start3A_317 : memref<10240x128xf32, #tpu.memory_space<vmem_shared>>) offsets(%dma_start3A_314 : memref<128xi32, #tpu.memory_space<vmem>>) semaphore(%arg14 : memref<!tpu.dma_semaphore, #tpu.memory_space<semaphore_mem>>) {add = true}
      %dma_start3A_318 = arith.constant 36 : i32
      %dma_start3A_319 = arith.constant 0 : i32
      %dma_start3A_320 = arith.constant 0 : i32
      %dma_start3A_321 = tpu.memref_slice %arg10[%dma_start3A_318, %dma_start3A_319, %dma_start3A_320] : memref<40x1x128xi32, #tpu.memory_space<vmem>> -> memref<1x1x128xi32, #tpu.memory_space<vmem>>
      %dma_start3A_322 = tpu.memref_squeeze %dma_start3A_321 : memref<1x1x128xi32, #tpu.memory_space<vmem>> -> memref<128xi32, #tpu.memory_space<vmem>>
      %dma_start3A_323 = arith.constant 0 : i32
      %dma_start3A_324 = arith.constant 0 : i32
      %dma_start3A_325 = tpu.memref_slice %arg13[%dma_start3A_323, %dma_start3A_324] : memref<10240x128xf32, #tpu.memory_space<vmem_shared>> -> memref<10240x128xf32, #tpu.memory_space<vmem_shared>>
      tpu.enqueue_indirect_dma source(%arg11 : memref<128x128xf32, #tpu.memory_space<vmem>>) target(%dma_start3A_325 : memref<10240x128xf32, #tpu.memory_space<vmem_shared>>) offsets(%dma_start3A_322 : memref<128xi32, #tpu.memory_space<vmem>>) semaphore(%arg14 : memref<!tpu.dma_semaphore, #tpu.memory_space<semaphore_mem>>) {add = true}
      %dma_start3A_326 = arith.constant 37 : i32
      %dma_start3A_327 = arith.constant 0 : i32
      %dma_start3A_328 = arith.constant 0 : i32
      %dma_start3A_329 = tpu.memref_slice %arg10[%dma_start3A_326, %dma_start3A_327, %dma_start3A_328] : memref<40x1x128xi32, #tpu.memory_space<vmem>> -> memref<1x1x128xi32, #tpu.memory_space<vmem>>
      %dma_start3A_330 = tpu.memref_squeeze %dma_start3A_329 : memref<1x1x128xi32, #tpu.memory_space<vmem>> -> memref<128xi32, #tpu.memory_space<vmem>>
      %dma_start3A_331 = arith.constant 0 : i32
      %dma_start3A_332 = arith.constant 0 : i32
      %dma_start3A_333 = tpu.memref_slice %arg13[%dma_start3A_331, %dma_start3A_332] : memref<10240x128xf32, #tpu.memory_space<vmem_shared>> -> memref<10240x128xf32, #tpu.memory_space<vmem_shared>>
      tpu.enqueue_indirect_dma source(%arg11 : memref<128x128xf32, #tpu.memory_space<vmem>>) target(%dma_start3A_333 : memref<10240x128xf32, #tpu.memory_space<vmem_shared>>) offsets(%dma_start3A_330 : memref<128xi32, #tpu.memory_space<vmem>>) semaphore(%arg14 : memref<!tpu.dma_semaphore, #tpu.memory_space<semaphore_mem>>) {add = true}
      %dma_start3A_334 = arith.constant 38 : i32
      %dma_start3A_335 = arith.constant 0 : i32
      %dma_start3A_336 = arith.constant 0 : i32
      %dma_start3A_337 = tpu.memref_slice %arg10[%dma_start3A_334, %dma_start3A_335, %dma_start3A_336] : memref<40x1x128xi32, #tpu.memory_space<vmem>> -> memref<1x1x128xi32, #tpu.memory_space<vmem>>
      %dma_start3A_338 = tpu.memref_squeeze %dma_start3A_337 : memref<1x1x128xi32, #tpu.memory_space<vmem>> -> memref<128xi32, #tpu.memory_space<vmem>>
      %dma_start3A_339 = arith.constant 0 : i32
      %dma_start3A_340 = arith.constant 0 : i32
      %dma_start3A_341 = tpu.memref_slice %arg13[%dma_start3A_339, %dma_start3A_340] : memref<10240x128xf32, #tpu.memory_space<vmem_shared>> -> memref<10240x128xf32, #tpu.memory_space<vmem_shared>>
      tpu.enqueue_indirect_dma source(%arg11 : memref<128x128xf32, #tpu.memory_space<vmem>>) target(%dma_start3A_341 : memref<10240x128xf32, #tpu.memory_space<vmem_shared>>) offsets(%dma_start3A_338 : memref<128xi32, #tpu.memory_space<vmem>>) semaphore(%arg14 : memref<!tpu.dma_semaphore, #tpu.memory_space<semaphore_mem>>) {add = true}
      %dma_start3A_342 = arith.constant 39 : i32
      %dma_start3A_343 = arith.constant 0 : i32
      %dma_start3A_344 = arith.constant 0 : i32
      %dma_start3A_345 = tpu.memref_slice %arg10[%dma_start3A_342, %dma_start3A_343, %dma_start3A_344] : memref<40x1x128xi32, #tpu.memory_space<vmem>> -> memref<1x1x128xi32, #tpu.memory_space<vmem>>
      %dma_start3A_346 = tpu.memref_squeeze %dma_start3A_345 : memref<1x1x128xi32, #tpu.memory_space<vmem>> -> memref<128xi32, #tpu.memory_space<vmem>>
      %dma_start3A_347 = arith.constant 0 : i32
      %dma_start3A_348 = arith.constant 0 : i32
      %dma_start3A_349 = tpu.memref_slice %arg13[%dma_start3A_347, %dma_start3A_348] : memref<10240x128xf32, #tpu.memory_space<vmem_shared>> -> memref<10240x128xf32, #tpu.memory_space<vmem_shared>>
      tpu.enqueue_indirect_dma source(%arg11 : memref<128x128xf32, #tpu.memory_space<vmem>>) target(%dma_start3A_349 : memref<10240x128xf32, #tpu.memory_space<vmem_shared>>) offsets(%dma_start3A_346 : memref<128xi32, #tpu.memory_space<vmem>>) semaphore(%arg14 : memref<!tpu.dma_semaphore, #tpu.memory_space<semaphore_mem>>) {add = true}
      %dma_wait3A = arith.constant 0 : i32
      %dma_wait3A_350 = arith.constant 0 : i32
      %dma_wait3A_351 = arith.constant 0 : i32
      %dma_wait3A_352 = tpu.memref_slice %arg10[%dma_wait3A, %dma_wait3A_350, %dma_wait3A_351] : memref<40x1x128xi32, #tpu.memory_space<vmem>> -> memref<1x1x128xi32, #tpu.memory_space<vmem>>
      %dma_wait3A_353 = tpu.memref_squeeze %dma_wait3A_352 : memref<1x1x128xi32, #tpu.memory_space<vmem>> -> memref<128xi32, #tpu.memory_space<vmem>>
      %dma_wait3A_354 = arith.constant 0 : i32
      %dma_wait3A_355 = arith.constant 0 : i32
      %dma_wait3A_356 = tpu.memref_slice %arg13[%dma_wait3A_354, %dma_wait3A_355] : memref<10240x128xf32, #tpu.memory_space<vmem_shared>> -> memref<10240x128xf32, #tpu.memory_space<vmem_shared>>
      tpu.wait_indirect_dma semaphore(%arg14 : memref<!tpu.dma_semaphore, #tpu.memory_space<semaphore_mem>>) src(%arg11 : memref<128x128xf32, #tpu.memory_space<vmem>>) dst(%dma_wait3A_356 : memref<10240x128xf32, #tpu.memory_space<vmem_shared>>)
      %dma_wait3A_357 = arith.constant 1 : i32
      %dma_wait3A_358 = arith.constant 0 : i32
      %dma_wait3A_359 = arith.constant 0 : i32
      %dma_wait3A_360 = tpu.memref_slice %arg10[%dma_wait3A_357, %dma_wait3A_358, %dma_wait3A_359] : memref<40x1x128xi32, #tpu.memory_space<vmem>> -> memref<1x1x128xi32, #tpu.memory_space<vmem>>
      %dma_wait3A_361 = tpu.memref_squeeze %dma_wait3A_360 : memref<1x1x128xi32, #tpu.memory_space<vmem>> -> memref<128xi32, #tpu.memory_space<vmem>>
      %dma_wait3A_362 = arith.constant 0 : i32
      %dma_wait3A_363 = arith.constant 0 : i32
      %dma_wait3A_364 = tpu.memref_slice %arg13[%dma_wait3A_362, %dma_wait3A_363] : memref<10240x128xf32, #tpu.memory_space<vmem_shared>> -> memref<10240x128xf32, #tpu.memory_space<vmem_shared>>
      tpu.wait_indirect_dma semaphore(%arg14 : memref<!tpu.dma_semaphore, #tpu.memory_space<semaphore_mem>>) src(%arg11 : memref<128x128xf32, #tpu.memory_space<vmem>>) dst(%dma_wait3A_364 : memref<10240x128xf32, #tpu.memory_space<vmem_shared>>)
      %dma_wait3A_365 = arith.constant 2 : i32
      %dma_wait3A_366 = arith.constant 0 : i32
      %dma_wait3A_367 = arith.constant 0 : i32
      %dma_wait3A_368 = tpu.memref_slice %arg10[%dma_wait3A_365, %dma_wait3A_366, %dma_wait3A_367] : memref<40x1x128xi32, #tpu.memory_space<vmem>> -> memref<1x1x128xi32, #tpu.memory_space<vmem>>
      %dma_wait3A_369 = tpu.memref_squeeze %dma_wait3A_368 : memref<1x1x128xi32, #tpu.memory_space<vmem>> -> memref<128xi32, #tpu.memory_space<vmem>>
      %dma_wait3A_370 = arith.constant 0 : i32
      %dma_wait3A_371 = arith.constant 0 : i32
      %dma_wait3A_372 = tpu.memref_slice %arg13[%dma_wait3A_370, %dma_wait3A_371] : memref<10240x128xf32, #tpu.memory_space<vmem_shared>> -> memref<10240x128xf32, #tpu.memory_space<vmem_shared>>
      tpu.wait_indirect_dma semaphore(%arg14 : memref<!tpu.dma_semaphore, #tpu.memory_space<semaphore_mem>>) src(%arg11 : memref<128x128xf32, #tpu.memory_space<vmem>>) dst(%dma_wait3A_372 : memref<10240x128xf32, #tpu.memory_space<vmem_shared>>)
      %dma_wait3A_373 = arith.constant 3 : i32
      %dma_wait3A_374 = arith.constant 0 : i32
      %dma_wait3A_375 = arith.constant 0 : i32
      %dma_wait3A_376 = tpu.memref_slice %arg10[%dma_wait3A_373, %dma_wait3A_374, %dma_wait3A_375] : memref<40x1x128xi32, #tpu.memory_space<vmem>> -> memref<1x1x128xi32, #tpu.memory_space<vmem>>
      %dma_wait3A_377 = tpu.memref_squeeze %dma_wait3A_376 : memref<1x1x128xi32, #tpu.memory_space<vmem>> -> memref<128xi32, #tpu.memory_space<vmem>>
      %dma_wait3A_378 = arith.constant 0 : i32
      %dma_wait3A_379 = arith.constant 0 : i32
      %dma_wait3A_380 = tpu.memref_slice %arg13[%dma_wait3A_378, %dma_wait3A_379] : memref<10240x128xf32, #tpu.memory_space<vmem_shared>> -> memref<10240x128xf32, #tpu.memory_space<vmem_shared>>
      tpu.wait_indirect_dma semaphore(%arg14 : memref<!tpu.dma_semaphore, #tpu.memory_space<semaphore_mem>>) src(%arg11 : memref<128x128xf32, #tpu.memory_space<vmem>>) dst(%dma_wait3A_380 : memref<10240x128xf32, #tpu.memory_space<vmem_shared>>)
      %dma_wait3A_381 = arith.constant 4 : i32
      %dma_wait3A_382 = arith.constant 0 : i32
      %dma_wait3A_383 = arith.constant 0 : i32
      %dma_wait3A_384 = tpu.memref_slice %arg10[%dma_wait3A_381, %dma_wait3A_382, %dma_wait3A_383] : memref<40x1x128xi32, #tpu.memory_space<vmem>> -> memref<1x1x128xi32, #tpu.memory_space<vmem>>
      %dma_wait3A_385 = tpu.memref_squeeze %dma_wait3A_384 : memref<1x1x128xi32, #tpu.memory_space<vmem>> -> memref<128xi32, #tpu.memory_space<vmem>>
      %dma_wait3A_386 = arith.constant 0 : i32
      %dma_wait3A_387 = arith.constant 0 : i32
      %dma_wait3A_388 = tpu.memref_slice %arg13[%dma_wait3A_386, %dma_wait3A_387] : memref<10240x128xf32, #tpu.memory_space<vmem_shared>> -> memref<10240x128xf32, #tpu.memory_space<vmem_shared>>
      tpu.wait_indirect_dma semaphore(%arg14 : memref<!tpu.dma_semaphore, #tpu.memory_space<semaphore_mem>>) src(%arg11 : memref<128x128xf32, #tpu.memory_space<vmem>>) dst(%dma_wait3A_388 : memref<10240x128xf32, #tpu.memory_space<vmem_shared>>)
      %dma_wait3A_389 = arith.constant 5 : i32
      %dma_wait3A_390 = arith.constant 0 : i32
      %dma_wait3A_391 = arith.constant 0 : i32
      %dma_wait3A_392 = tpu.memref_slice %arg10[%dma_wait3A_389, %dma_wait3A_390, %dma_wait3A_391] : memref<40x1x128xi32, #tpu.memory_space<vmem>> -> memref<1x1x128xi32, #tpu.memory_space<vmem>>
      %dma_wait3A_393 = tpu.memref_squeeze %dma_wait3A_392 : memref<1x1x128xi32, #tpu.memory_space<vmem>> -> memref<128xi32, #tpu.memory_space<vmem>>
      %dma_wait3A_394 = arith.constant 0 : i32
      %dma_wait3A_395 = arith.constant 0 : i32
      %dma_wait3A_396 = tpu.memref_slice %arg13[%dma_wait3A_394, %dma_wait3A_395] : memref<10240x128xf32, #tpu.memory_space<vmem_shared>> -> memref<10240x128xf32, #tpu.memory_space<vmem_shared>>
      tpu.wait_indirect_dma semaphore(%arg14 : memref<!tpu.dma_semaphore, #tpu.memory_space<semaphore_mem>>) src(%arg11 : memref<128x128xf32, #tpu.memory_space<vmem>>) dst(%dma_wait3A_396 : memref<10240x128xf32, #tpu.memory_space<vmem_shared>>)
      %dma_wait3A_397 = arith.constant 6 : i32
      %dma_wait3A_398 = arith.constant 0 : i32
      %dma_wait3A_399 = arith.constant 0 : i32
      %dma_wait3A_400 = tpu.memref_slice %arg10[%dma_wait3A_397, %dma_wait3A_398, %dma_wait3A_399] : memref<40x1x128xi32, #tpu.memory_space<vmem>> -> memref<1x1x128xi32, #tpu.memory_space<vmem>>
      %dma_wait3A_401 = tpu.memref_squeeze %dma_wait3A_400 : memref<1x1x128xi32, #tpu.memory_space<vmem>> -> memref<128xi32, #tpu.memory_space<vmem>>
      %dma_wait3A_402 = arith.constant 0 : i32
      %dma_wait3A_403 = arith.constant 0 : i32
      %dma_wait3A_404 = tpu.memref_slice %arg13[%dma_wait3A_402, %dma_wait3A_403] : memref<10240x128xf32, #tpu.memory_space<vmem_shared>> -> memref<10240x128xf32, #tpu.memory_space<vmem_shared>>
      tpu.wait_indirect_dma semaphore(%arg14 : memref<!tpu.dma_semaphore, #tpu.memory_space<semaphore_mem>>) src(%arg11 : memref<128x128xf32, #tpu.memory_space<vmem>>) dst(%dma_wait3A_404 : memref<10240x128xf32, #tpu.memory_space<vmem_shared>>)
      %dma_wait3A_405 = arith.constant 7 : i32
      %dma_wait3A_406 = arith.constant 0 : i32
      %dma_wait3A_407 = arith.constant 0 : i32
      %dma_wait3A_408 = tpu.memref_slice %arg10[%dma_wait3A_405, %dma_wait3A_406, %dma_wait3A_407] : memref<40x1x128xi32, #tpu.memory_space<vmem>> -> memref<1x1x128xi32, #tpu.memory_space<vmem>>
      %dma_wait3A_409 = tpu.memref_squeeze %dma_wait3A_408 : memref<1x1x128xi32, #tpu.memory_space<vmem>> -> memref<128xi32, #tpu.memory_space<vmem>>
      %dma_wait3A_410 = arith.constant 0 : i32
      %dma_wait3A_411 = arith.constant 0 : i32
      %dma_wait3A_412 = tpu.memref_slice %arg13[%dma_wait3A_410, %dma_wait3A_411] : memref<10240x128xf32, #tpu.memory_space<vmem_shared>> -> memref<10240x128xf32, #tpu.memory_space<vmem_shared>>
      tpu.wait_indirect_dma semaphore(%arg14 : memref<!tpu.dma_semaphore, #tpu.memory_space<semaphore_mem>>) src(%arg11 : memref<128x128xf32, #tpu.memory_space<vmem>>) dst(%dma_wait3A_412 : memref<10240x128xf32, #tpu.memory_space<vmem_shared>>)
      %dma_wait3A_413 = arith.constant 8 : i32
      %dma_wait3A_414 = arith.constant 0 : i32
      %dma_wait3A_415 = arith.constant 0 : i32
      %dma_wait3A_416 = tpu.memref_slice %arg10[%dma_wait3A_413, %dma_wait3A_414, %dma_wait3A_415] : memref<40x1x128xi32, #tpu.memory_space<vmem>> -> memref<1x1x128xi32, #tpu.memory_space<vmem>>
      %dma_wait3A_417 = tpu.memref_squeeze %dma_wait3A_416 : memref<1x1x128xi32, #tpu.memory_space<vmem>> -> memref<128xi32, #tpu.memory_space<vmem>>
      %dma_wait3A_418 = arith.constant 0 : i32
      %dma_wait3A_419 = arith.constant 0 : i32
      %dma_wait3A_420 = tpu.memref_slice %arg13[%dma_wait3A_418, %dma_wait3A_419] : memref<10240x128xf32, #tpu.memory_space<vmem_shared>> -> memref<10240x128xf32, #tpu.memory_space<vmem_shared>>
      tpu.wait_indirect_dma semaphore(%arg14 : memref<!tpu.dma_semaphore, #tpu.memory_space<semaphore_mem>>) src(%arg11 : memref<128x128xf32, #tpu.memory_space<vmem>>) dst(%dma_wait3A_420 : memref<10240x128xf32, #tpu.memory_space<vmem_shared>>)
      %dma_wait3A_421 = arith.constant 9 : i32
      %dma_wait3A_422 = arith.constant 0 : i32
      %dma_wait3A_423 = arith.constant 0 : i32
      %dma_wait3A_424 = tpu.memref_slice %arg10[%dma_wait3A_421, %dma_wait3A_422, %dma_wait3A_423] : memref<40x1x128xi32, #tpu.memory_space<vmem>> -> memref<1x1x128xi32, #tpu.memory_space<vmem>>
      %dma_wait3A_425 = tpu.memref_squeeze %dma_wait3A_424 : memref<1x1x128xi32, #tpu.memory_space<vmem>> -> memref<128xi32, #tpu.memory_space<vmem>>
      %dma_wait3A_426 = arith.constant 0 : i32
      %dma_wait3A_427 = arith.constant 0 : i32
      %dma_wait3A_428 = tpu.memref_slice %arg13[%dma_wait3A_426, %dma_wait3A_427] : memref<10240x128xf32, #tpu.memory_space<vmem_shared>> -> memref<10240x128xf32, #tpu.memory_space<vmem_shared>>
      tpu.wait_indirect_dma semaphore(%arg14 : memref<!tpu.dma_semaphore, #tpu.memory_space<semaphore_mem>>) src(%arg11 : memref<128x128xf32, #tpu.memory_space<vmem>>) dst(%dma_wait3A_428 : memref<10240x128xf32, #tpu.memory_space<vmem_shared>>)
      %dma_wait3A_429 = arith.constant 10 : i32
      %dma_wait3A_430 = arith.constant 0 : i32
      %dma_wait3A_431 = arith.constant 0 : i32
      %dma_wait3A_432 = tpu.memref_slice %arg10[%dma_wait3A_429, %dma_wait3A_430, %dma_wait3A_431] : memref<40x1x128xi32, #tpu.memory_space<vmem>> -> memref<1x1x128xi32, #tpu.memory_space<vmem>>
      %dma_wait3A_433 = tpu.memref_squeeze %dma_wait3A_432 : memref<1x1x128xi32, #tpu.memory_space<vmem>> -> memref<128xi32, #tpu.memory_space<vmem>>
      %dma_wait3A_434 = arith.constant 0 : i32
      %dma_wait3A_435 = arith.constant 0 : i32
      %dma_wait3A_436 = tpu.memref_slice %arg13[%dma_wait3A_434, %dma_wait3A_435] : memref<10240x128xf32, #tpu.memory_space<vmem_shared>> -> memref<10240x128xf32, #tpu.memory_space<vmem_shared>>
      tpu.wait_indirect_dma semaphore(%arg14 : memref<!tpu.dma_semaphore, #tpu.memory_space<semaphore_mem>>) src(%arg11 : memref<128x128xf32, #tpu.memory_space<vmem>>) dst(%dma_wait3A_436 : memref<10240x128xf32, #tpu.memory_space<vmem_shared>>)
      %dma_wait3A_437 = arith.constant 11 : i32
      %dma_wait3A_438 = arith.constant 0 : i32
      %dma_wait3A_439 = arith.constant 0 : i32
      %dma_wait3A_440 = tpu.memref_slice %arg10[%dma_wait3A_437, %dma_wait3A_438, %dma_wait3A_439] : memref<40x1x128xi32, #tpu.memory_space<vmem>> -> memref<1x1x128xi32, #tpu.memory_space<vmem>>
      %dma_wait3A_441 = tpu.memref_squeeze %dma_wait3A_440 : memref<1x1x128xi32, #tpu.memory_space<vmem>> -> memref<128xi32, #tpu.memory_space<vmem>>
      %dma_wait3A_442 = arith.constant 0 : i32
      %dma_wait3A_443 = arith.constant 0 : i32
      %dma_wait3A_444 = tpu.memref_slice %arg13[%dma_wait3A_442, %dma_wait3A_443] : memref<10240x128xf32, #tpu.memory_space<vmem_shared>> -> memref<10240x128xf32, #tpu.memory_space<vmem_shared>>
      tpu.wait_indirect_dma semaphore(%arg14 : memref<!tpu.dma_semaphore, #tpu.memory_space<semaphore_mem>>) src(%arg11 : memref<128x128xf32, #tpu.memory_space<vmem>>) dst(%dma_wait3A_444 : memref<10240x128xf32, #tpu.memory_space<vmem_shared>>)
      %dma_wait3A_445 = arith.constant 12 : i32
      %dma_wait3A_446 = arith.constant 0 : i32
      %dma_wait3A_447 = arith.constant 0 : i32
      %dma_wait3A_448 = tpu.memref_slice %arg10[%dma_wait3A_445, %dma_wait3A_446, %dma_wait3A_447] : memref<40x1x128xi32, #tpu.memory_space<vmem>> -> memref<1x1x128xi32, #tpu.memory_space<vmem>>
      %dma_wait3A_449 = tpu.memref_squeeze %dma_wait3A_448 : memref<1x1x128xi32, #tpu.memory_space<vmem>> -> memref<128xi32, #tpu.memory_space<vmem>>
      %dma_wait3A_450 = arith.constant 0 : i32
      %dma_wait3A_451 = arith.constant 0 : i32
      %dma_wait3A_452 = tpu.memref_slice %arg13[%dma_wait3A_450, %dma_wait3A_451] : memref<10240x128xf32, #tpu.memory_space<vmem_shared>> -> memref<10240x128xf32, #tpu.memory_space<vmem_shared>>
      tpu.wait_indirect_dma semaphore(%arg14 : memref<!tpu.dma_semaphore, #tpu.memory_space<semaphore_mem>>) src(%arg11 : memref<128x128xf32, #tpu.memory_space<vmem>>) dst(%dma_wait3A_452 : memref<10240x128xf32, #tpu.memory_space<vmem_shared>>)
      %dma_wait3A_453 = arith.constant 13 : i32
      %dma_wait3A_454 = arith.constant 0 : i32
      %dma_wait3A_455 = arith.constant 0 : i32
      %dma_wait3A_456 = tpu.memref_slice %arg10[%dma_wait3A_453, %dma_wait3A_454, %dma_wait3A_455] : memref<40x1x128xi32, #tpu.memory_space<vmem>> -> memref<1x1x128xi32, #tpu.memory_space<vmem>>
      %dma_wait3A_457 = tpu.memref_squeeze %dma_wait3A_456 : memref<1x1x128xi32, #tpu.memory_space<vmem>> -> memref<128xi32, #tpu.memory_space<vmem>>
      %dma_wait3A_458 = arith.constant 0 : i32
      %dma_wait3A_459 = arith.constant 0 : i32
      %dma_wait3A_460 = tpu.memref_slice %arg13[%dma_wait3A_458, %dma_wait3A_459] : memref<10240x128xf32, #tpu.memory_space<vmem_shared>> -> memref<10240x128xf32, #tpu.memory_space<vmem_shared>>
      tpu.wait_indirect_dma semaphore(%arg14 : memref<!tpu.dma_semaphore, #tpu.memory_space<semaphore_mem>>) src(%arg11 : memref<128x128xf32, #tpu.memory_space<vmem>>) dst(%dma_wait3A_460 : memref<10240x128xf32, #tpu.memory_space<vmem_shared>>)
      %dma_wait3A_461 = arith.constant 14 : i32
      %dma_wait3A_462 = arith.constant 0 : i32
      %dma_wait3A_463 = arith.constant 0 : i32
      %dma_wait3A_464 = tpu.memref_slice %arg10[%dma_wait3A_461, %dma_wait3A_462, %dma_wait3A_463] : memref<40x1x128xi32, #tpu.memory_space<vmem>> -> memref<1x1x128xi32, #tpu.memory_space<vmem>>
      %dma_wait3A_465 = tpu.memref_squeeze %dma_wait3A_464 : memref<1x1x128xi32, #tpu.memory_space<vmem>> -> memref<128xi32, #tpu.memory_space<vmem>>
      %dma_wait3A_466 = arith.constant 0 : i32
      %dma_wait3A_467 = arith.constant 0 : i32
      %dma_wait3A_468 = tpu.memref_slice %arg13[%dma_wait3A_466, %dma_wait3A_467] : memref<10240x128xf32, #tpu.memory_space<vmem_shared>> -> memref<10240x128xf32, #tpu.memory_space<vmem_shared>>
      tpu.wait_indirect_dma semaphore(%arg14 : memref<!tpu.dma_semaphore, #tpu.memory_space<semaphore_mem>>) src(%arg11 : memref<128x128xf32, #tpu.memory_space<vmem>>) dst(%dma_wait3A_468 : memref<10240x128xf32, #tpu.memory_space<vmem_shared>>)
      %dma_wait3A_469 = arith.constant 15 : i32
      %dma_wait3A_470 = arith.constant 0 : i32
      %dma_wait3A_471 = arith.constant 0 : i32
      %dma_wait3A_472 = tpu.memref_slice %arg10[%dma_wait3A_469, %dma_wait3A_470, %dma_wait3A_471] : memref<40x1x128xi32, #tpu.memory_space<vmem>> -> memref<1x1x128xi32, #tpu.memory_space<vmem>>
      %dma_wait3A_473 = tpu.memref_squeeze %dma_wait3A_472 : memref<1x1x128xi32, #tpu.memory_space<vmem>> -> memref<128xi32, #tpu.memory_space<vmem>>
      %dma_wait3A_474 = arith.constant 0 : i32
      %dma_wait3A_475 = arith.constant 0 : i32
      %dma_wait3A_476 = tpu.memref_slice %arg13[%dma_wait3A_474, %dma_wait3A_475] : memref<10240x128xf32, #tpu.memory_space<vmem_shared>> -> memref<10240x128xf32, #tpu.memory_space<vmem_shared>>
      tpu.wait_indirect_dma semaphore(%arg14 : memref<!tpu.dma_semaphore, #tpu.memory_space<semaphore_mem>>) src(%arg11 : memref<128x128xf32, #tpu.memory_space<vmem>>) dst(%dma_wait3A_476 : memref<10240x128xf32, #tpu.memory_space<vmem_shared>>)
      %dma_wait3A_477 = arith.constant 16 : i32
      %dma_wait3A_478 = arith.constant 0 : i32
      %dma_wait3A_479 = arith.constant 0 : i32
      %dma_wait3A_480 = tpu.memref_slice %arg10[%dma_wait3A_477, %dma_wait3A_478, %dma_wait3A_479] : memref<40x1x128xi32, #tpu.memory_space<vmem>> -> memref<1x1x128xi32, #tpu.memory_space<vmem>>
      %dma_wait3A_481 = tpu.memref_squeeze %dma_wait3A_480 : memref<1x1x128xi32, #tpu.memory_space<vmem>> -> memref<128xi32, #tpu.memory_space<vmem>>
      %dma_wait3A_482 = arith.constant 0 : i32
      %dma_wait3A_483 = arith.constant 0 : i32
      %dma_wait3A_484 = tpu.memref_slice %arg13[%dma_wait3A_482, %dma_wait3A_483] : memref<10240x128xf32, #tpu.memory_space<vmem_shared>> -> memref<10240x128xf32, #tpu.memory_space<vmem_shared>>
      tpu.wait_indirect_dma semaphore(%arg14 : memref<!tpu.dma_semaphore, #tpu.memory_space<semaphore_mem>>) src(%arg11 : memref<128x128xf32, #tpu.memory_space<vmem>>) dst(%dma_wait3A_484 : memref<10240x128xf32, #tpu.memory_space<vmem_shared>>)
      %dma_wait3A_485 = arith.constant 17 : i32
      %dma_wait3A_486 = arith.constant 0 : i32
      %dma_wait3A_487 = arith.constant 0 : i32
      %dma_wait3A_488 = tpu.memref_slice %arg10[%dma_wait3A_485, %dma_wait3A_486, %dma_wait3A_487] : memref<40x1x128xi32, #tpu.memory_space<vmem>> -> memref<1x1x128xi32, #tpu.memory_space<vmem>>
      %dma_wait3A_489 = tpu.memref_squeeze %dma_wait3A_488 : memref<1x1x128xi32, #tpu.memory_space<vmem>> -> memref<128xi32, #tpu.memory_space<vmem>>
      %dma_wait3A_490 = arith.constant 0 : i32
      %dma_wait3A_491 = arith.constant 0 : i32
      %dma_wait3A_492 = tpu.memref_slice %arg13[%dma_wait3A_490, %dma_wait3A_491] : memref<10240x128xf32, #tpu.memory_space<vmem_shared>> -> memref<10240x128xf32, #tpu.memory_space<vmem_shared>>
      tpu.wait_indirect_dma semaphore(%arg14 : memref<!tpu.dma_semaphore, #tpu.memory_space<semaphore_mem>>) src(%arg11 : memref<128x128xf32, #tpu.memory_space<vmem>>) dst(%dma_wait3A_492 : memref<10240x128xf32, #tpu.memory_space<vmem_shared>>)
      %dma_wait3A_493 = arith.constant 18 : i32
      %dma_wait3A_494 = arith.constant 0 : i32
      %dma_wait3A_495 = arith.constant 0 : i32
      %dma_wait3A_496 = tpu.memref_slice %arg10[%dma_wait3A_493, %dma_wait3A_494, %dma_wait3A_495] : memref<40x1x128xi32, #tpu.memory_space<vmem>> -> memref<1x1x128xi32, #tpu.memory_space<vmem>>
      %dma_wait3A_497 = tpu.memref_squeeze %dma_wait3A_496 : memref<1x1x128xi32, #tpu.memory_space<vmem>> -> memref<128xi32, #tpu.memory_space<vmem>>
      %dma_wait3A_498 = arith.constant 0 : i32
      %dma_wait3A_499 = arith.constant 0 : i32
      %dma_wait3A_500 = tpu.memref_slice %arg13[%dma_wait3A_498, %dma_wait3A_499] : memref<10240x128xf32, #tpu.memory_space<vmem_shared>> -> memref<10240x128xf32, #tpu.memory_space<vmem_shared>>
      tpu.wait_indirect_dma semaphore(%arg14 : memref<!tpu.dma_semaphore, #tpu.memory_space<semaphore_mem>>) src(%arg11 : memref<128x128xf32, #tpu.memory_space<vmem>>) dst(%dma_wait3A_500 : memref<10240x128xf32, #tpu.memory_space<vmem_shared>>)
      %dma_wait3A_501 = arith.constant 19 : i32
      %dma_wait3A_502 = arith.constant 0 : i32
      %dma_wait3A_503 = arith.constant 0 : i32
      %dma_wait3A_504 = tpu.memref_slice %arg10[%dma_wait3A_501, %dma_wait3A_502, %dma_wait3A_503] : memref<40x1x128xi32, #tpu.memory_space<vmem>> -> memref<1x1x128xi32, #tpu.memory_space<vmem>>
      %dma_wait3A_505 = tpu.memref_squeeze %dma_wait3A_504 : memref<1x1x128xi32, #tpu.memory_space<vmem>> -> memref<128xi32, #tpu.memory_space<vmem>>
      %dma_wait3A_506 = arith.constant 0 : i32
      %dma_wait3A_507 = arith.constant 0 : i32
      %dma_wait3A_508 = tpu.memref_slice %arg13[%dma_wait3A_506, %dma_wait3A_507] : memref<10240x128xf32, #tpu.memory_space<vmem_shared>> -> memref<10240x128xf32, #tpu.memory_space<vmem_shared>>
      tpu.wait_indirect_dma semaphore(%arg14 : memref<!tpu.dma_semaphore, #tpu.memory_space<semaphore_mem>>) src(%arg11 : memref<128x128xf32, #tpu.memory_space<vmem>>) dst(%dma_wait3A_508 : memref<10240x128xf32, #tpu.memory_space<vmem_shared>>)
      %dma_wait3A_509 = arith.constant 20 : i32
      %dma_wait3A_510 = arith.constant 0 : i32
      %dma_wait3A_511 = arith.constant 0 : i32
      %dma_wait3A_512 = tpu.memref_slice %arg10[%dma_wait3A_509, %dma_wait3A_510, %dma_wait3A_511] : memref<40x1x128xi32, #tpu.memory_space<vmem>> -> memref<1x1x128xi32, #tpu.memory_space<vmem>>
      %dma_wait3A_513 = tpu.memref_squeeze %dma_wait3A_512 : memref<1x1x128xi32, #tpu.memory_space<vmem>> -> memref<128xi32, #tpu.memory_space<vmem>>
      %dma_wait3A_514 = arith.constant 0 : i32
      %dma_wait3A_515 = arith.constant 0 : i32
      %dma_wait3A_516 = tpu.memref_slice %arg13[%dma_wait3A_514, %dma_wait3A_515] : memref<10240x128xf32, #tpu.memory_space<vmem_shared>> -> memref<10240x128xf32, #tpu.memory_space<vmem_shared>>
      tpu.wait_indirect_dma semaphore(%arg14 : memref<!tpu.dma_semaphore, #tpu.memory_space<semaphore_mem>>) src(%arg11 : memref<128x128xf32, #tpu.memory_space<vmem>>) dst(%dma_wait3A_516 : memref<10240x128xf32, #tpu.memory_space<vmem_shared>>)
      %dma_wait3A_517 = arith.constant 21 : i32
      %dma_wait3A_518 = arith.constant 0 : i32
      %dma_wait3A_519 = arith.constant 0 : i32
      %dma_wait3A_520 = tpu.memref_slice %arg10[%dma_wait3A_517, %dma_wait3A_518, %dma_wait3A_519] : memref<40x1x128xi32, #tpu.memory_space<vmem>> -> memref<1x1x128xi32, #tpu.memory_space<vmem>>
      %dma_wait3A_521 = tpu.memref_squeeze %dma_wait3A_520 : memref<1x1x128xi32, #tpu.memory_space<vmem>> -> memref<128xi32, #tpu.memory_space<vmem>>
      %dma_wait3A_522 = arith.constant 0 : i32
      %dma_wait3A_523 = arith.constant 0 : i32
      %dma_wait3A_524 = tpu.memref_slice %arg13[%dma_wait3A_522, %dma_wait3A_523] : memref<10240x128xf32, #tpu.memory_space<vmem_shared>> -> memref<10240x128xf32, #tpu.memory_space<vmem_shared>>
      tpu.wait_indirect_dma semaphore(%arg14 : memref<!tpu.dma_semaphore, #tpu.memory_space<semaphore_mem>>) src(%arg11 : memref<128x128xf32, #tpu.memory_space<vmem>>) dst(%dma_wait3A_524 : memref<10240x128xf32, #tpu.memory_space<vmem_shared>>)
      %dma_wait3A_525 = arith.constant 22 : i32
      %dma_wait3A_526 = arith.constant 0 : i32
      %dma_wait3A_527 = arith.constant 0 : i32
      %dma_wait3A_528 = tpu.memref_slice %arg10[%dma_wait3A_525, %dma_wait3A_526, %dma_wait3A_527] : memref<40x1x128xi32, #tpu.memory_space<vmem>> -> memref<1x1x128xi32, #tpu.memory_space<vmem>>
      %dma_wait3A_529 = tpu.memref_squeeze %dma_wait3A_528 : memref<1x1x128xi32, #tpu.memory_space<vmem>> -> memref<128xi32, #tpu.memory_space<vmem>>
      %dma_wait3A_530 = arith.constant 0 : i32
      %dma_wait3A_531 = arith.constant 0 : i32
      %dma_wait3A_532 = tpu.memref_slice %arg13[%dma_wait3A_530, %dma_wait3A_531] : memref<10240x128xf32, #tpu.memory_space<vmem_shared>> -> memref<10240x128xf32, #tpu.memory_space<vmem_shared>>
      tpu.wait_indirect_dma semaphore(%arg14 : memref<!tpu.dma_semaphore, #tpu.memory_space<semaphore_mem>>) src(%arg11 : memref<128x128xf32, #tpu.memory_space<vmem>>) dst(%dma_wait3A_532 : memref<10240x128xf32, #tpu.memory_space<vmem_shared>>)
      %dma_wait3A_533 = arith.constant 23 : i32
      %dma_wait3A_534 = arith.constant 0 : i32
      %dma_wait3A_535 = arith.constant 0 : i32
      %dma_wait3A_536 = tpu.memref_slice %arg10[%dma_wait3A_533, %dma_wait3A_534, %dma_wait3A_535] : memref<40x1x128xi32, #tpu.memory_space<vmem>> -> memref<1x1x128xi32, #tpu.memory_space<vmem>>
      %dma_wait3A_537 = tpu.memref_squeeze %dma_wait3A_536 : memref<1x1x128xi32, #tpu.memory_space<vmem>> -> memref<128xi32, #tpu.memory_space<vmem>>
      %dma_wait3A_538 = arith.constant 0 : i32
      %dma_wait3A_539 = arith.constant 0 : i32
      %dma_wait3A_540 = tpu.memref_slice %arg13[%dma_wait3A_538, %dma_wait3A_539] : memref<10240x128xf32, #tpu.memory_space<vmem_shared>> -> memref<10240x128xf32, #tpu.memory_space<vmem_shared>>
      tpu.wait_indirect_dma semaphore(%arg14 : memref<!tpu.dma_semaphore, #tpu.memory_space<semaphore_mem>>) src(%arg11 : memref<128x128xf32, #tpu.memory_space<vmem>>) dst(%dma_wait3A_540 : memref<10240x128xf32, #tpu.memory_space<vmem_shared>>)
      %dma_wait3A_541 = arith.constant 24 : i32
      %dma_wait3A_542 = arith.constant 0 : i32
      %dma_wait3A_543 = arith.constant 0 : i32
      %dma_wait3A_544 = tpu.memref_slice %arg10[%dma_wait3A_541, %dma_wait3A_542, %dma_wait3A_543] : memref<40x1x128xi32, #tpu.memory_space<vmem>> -> memref<1x1x128xi32, #tpu.memory_space<vmem>>
      %dma_wait3A_545 = tpu.memref_squeeze %dma_wait3A_544 : memref<1x1x128xi32, #tpu.memory_space<vmem>> -> memref<128xi32, #tpu.memory_space<vmem>>
      %dma_wait3A_546 = arith.constant 0 : i32
      %dma_wait3A_547 = arith.constant 0 : i32
      %dma_wait3A_548 = tpu.memref_slice %arg13[%dma_wait3A_546, %dma_wait3A_547] : memref<10240x128xf32, #tpu.memory_space<vmem_shared>> -> memref<10240x128xf32, #tpu.memory_space<vmem_shared>>
      tpu.wait_indirect_dma semaphore(%arg14 : memref<!tpu.dma_semaphore, #tpu.memory_space<semaphore_mem>>) src(%arg11 : memref<128x128xf32, #tpu.memory_space<vmem>>) dst(%dma_wait3A_548 : memref<10240x128xf32, #tpu.memory_space<vmem_shared>>)
      %dma_wait3A_549 = arith.constant 25 : i32
      %dma_wait3A_550 = arith.constant 0 : i32
      %dma_wait3A_551 = arith.constant 0 : i32
      %dma_wait3A_552 = tpu.memref_slice %arg10[%dma_wait3A_549, %dma_wait3A_550, %dma_wait3A_551] : memref<40x1x128xi32, #tpu.memory_space<vmem>> -> memref<1x1x128xi32, #tpu.memory_space<vmem>>
      %dma_wait3A_553 = tpu.memref_squeeze %dma_wait3A_552 : memref<1x1x128xi32, #tpu.memory_space<vmem>> -> memref<128xi32, #tpu.memory_space<vmem>>
      %dma_wait3A_554 = arith.constant 0 : i32
      %dma_wait3A_555 = arith.constant 0 : i32
      %dma_wait3A_556 = tpu.memref_slice %arg13[%dma_wait3A_554, %dma_wait3A_555] : memref<10240x128xf32, #tpu.memory_space<vmem_shared>> -> memref<10240x128xf32, #tpu.memory_space<vmem_shared>>
      tpu.wait_indirect_dma semaphore(%arg14 : memref<!tpu.dma_semaphore, #tpu.memory_space<semaphore_mem>>) src(%arg11 : memref<128x128xf32, #tpu.memory_space<vmem>>) dst(%dma_wait3A_556 : memref<10240x128xf32, #tpu.memory_space<vmem_shared>>)
      %dma_wait3A_557 = arith.constant 26 : i32
      %dma_wait3A_558 = arith.constant 0 : i32
      %dma_wait3A_559 = arith.constant 0 : i32
      %dma_wait3A_560 = tpu.memref_slice %arg10[%dma_wait3A_557, %dma_wait3A_558, %dma_wait3A_559] : memref<40x1x128xi32, #tpu.memory_space<vmem>> -> memref<1x1x128xi32, #tpu.memory_space<vmem>>
      %dma_wait3A_561 = tpu.memref_squeeze %dma_wait3A_560 : memref<1x1x128xi32, #tpu.memory_space<vmem>> -> memref<128xi32, #tpu.memory_space<vmem>>
      %dma_wait3A_562 = arith.constant 0 : i32
      %dma_wait3A_563 = arith.constant 0 : i32
      %dma_wait3A_564 = tpu.memref_slice %arg13[%dma_wait3A_562, %dma_wait3A_563] : memref<10240x128xf32, #tpu.memory_space<vmem_shared>> -> memref<10240x128xf32, #tpu.memory_space<vmem_shared>>
      tpu.wait_indirect_dma semaphore(%arg14 : memref<!tpu.dma_semaphore, #tpu.memory_space<semaphore_mem>>) src(%arg11 : memref<128x128xf32, #tpu.memory_space<vmem>>) dst(%dma_wait3A_564 : memref<10240x128xf32, #tpu.memory_space<vmem_shared>>)
      %dma_wait3A_565 = arith.constant 27 : i32
      %dma_wait3A_566 = arith.constant 0 : i32
      %dma_wait3A_567 = arith.constant 0 : i32
      %dma_wait3A_568 = tpu.memref_slice %arg10[%dma_wait3A_565, %dma_wait3A_566, %dma_wait3A_567] : memref<40x1x128xi32, #tpu.memory_space<vmem>> -> memref<1x1x128xi32, #tpu.memory_space<vmem>>
      %dma_wait3A_569 = tpu.memref_squeeze %dma_wait3A_568 : memref<1x1x128xi32, #tpu.memory_space<vmem>> -> memref<128xi32, #tpu.memory_space<vmem>>
      %dma_wait3A_570 = arith.constant 0 : i32
      %dma_wait3A_571 = arith.constant 0 : i32
      %dma_wait3A_572 = tpu.memref_slice %arg13[%dma_wait3A_570, %dma_wait3A_571] : memref<10240x128xf32, #tpu.memory_space<vmem_shared>> -> memref<10240x128xf32, #tpu.memory_space<vmem_shared>>
      tpu.wait_indirect_dma semaphore(%arg14 : memref<!tpu.dma_semaphore, #tpu.memory_space<semaphore_mem>>) src(%arg11 : memref<128x128xf32, #tpu.memory_space<vmem>>) dst(%dma_wait3A_572 : memref<10240x128xf32, #tpu.memory_space<vmem_shared>>)
      %dma_wait3A_573 = arith.constant 28 : i32
      %dma_wait3A_574 = arith.constant 0 : i32
      %dma_wait3A_575 = arith.constant 0 : i32
      %dma_wait3A_576 = tpu.memref_slice %arg10[%dma_wait3A_573, %dma_wait3A_574, %dma_wait3A_575] : memref<40x1x128xi32, #tpu.memory_space<vmem>> -> memref<1x1x128xi32, #tpu.memory_space<vmem>>
      %dma_wait3A_577 = tpu.memref_squeeze %dma_wait3A_576 : memref<1x1x128xi32, #tpu.memory_space<vmem>> -> memref<128xi32, #tpu.memory_space<vmem>>
      %dma_wait3A_578 = arith.constant 0 : i32
      %dma_wait3A_579 = arith.constant 0 : i32
      %dma_wait3A_580 = tpu.memref_slice %arg13[%dma_wait3A_578, %dma_wait3A_579] : memref<10240x128xf32, #tpu.memory_space<vmem_shared>> -> memref<10240x128xf32, #tpu.memory_space<vmem_shared>>
      tpu.wait_indirect_dma semaphore(%arg14 : memref<!tpu.dma_semaphore, #tpu.memory_space<semaphore_mem>>) src(%arg11 : memref<128x128xf32, #tpu.memory_space<vmem>>) dst(%dma_wait3A_580 : memref<10240x128xf32, #tpu.memory_space<vmem_shared>>)
      %dma_wait3A_581 = arith.constant 29 : i32
      %dma_wait3A_582 = arith.constant 0 : i32
      %dma_wait3A_583 = arith.constant 0 : i32
      %dma_wait3A_584 = tpu.memref_slice %arg10[%dma_wait3A_581, %dma_wait3A_582, %dma_wait3A_583] : memref<40x1x128xi32, #tpu.memory_space<vmem>> -> memref<1x1x128xi32, #tpu.memory_space<vmem>>
      %dma_wait3A_585 = tpu.memref_squeeze %dma_wait3A_584 : memref<1x1x128xi32, #tpu.memory_space<vmem>> -> memref<128xi32, #tpu.memory_space<vmem>>
      %dma_wait3A_586 = arith.constant 0 : i32
      %dma_wait3A_587 = arith.constant 0 : i32
      %dma_wait3A_588 = tpu.memref_slice %arg13[%dma_wait3A_586, %dma_wait3A_587] : memref<10240x128xf32, #tpu.memory_space<vmem_shared>> -> memref<10240x128xf32, #tpu.memory_space<vmem_shared>>
      tpu.wait_indirect_dma semaphore(%arg14 : memref<!tpu.dma_semaphore, #tpu.memory_space<semaphore_mem>>) src(%arg11 : memref<128x128xf32, #tpu.memory_space<vmem>>) dst(%dma_wait3A_588 : memref<10240x128xf32, #tpu.memory_space<vmem_shared>>)
      %dma_wait3A_589 = arith.constant 30 : i32
      %dma_wait3A_590 = arith.constant 0 : i32
      %dma_wait3A_591 = arith.constant 0 : i32
      %dma_wait3A_592 = tpu.memref_slice %arg10[%dma_wait3A_589, %dma_wait3A_590, %dma_wait3A_591] : memref<40x1x128xi32, #tpu.memory_space<vmem>> -> memref<1x1x128xi32, #tpu.memory_space<vmem>>
      %dma_wait3A_593 = tpu.memref_squeeze %dma_wait3A_592 : memref<1x1x128xi32, #tpu.memory_space<vmem>> -> memref<128xi32, #tpu.memory_space<vmem>>
      %dma_wait3A_594 = arith.constant 0 : i32
      %dma_wait3A_595 = arith.constant 0 : i32
      %dma_wait3A_596 = tpu.memref_slice %arg13[%dma_wait3A_594, %dma_wait3A_595] : memref<10240x128xf32, #tpu.memory_space<vmem_shared>> -> memref<10240x128xf32, #tpu.memory_space<vmem_shared>>
      tpu.wait_indirect_dma semaphore(%arg14 : memref<!tpu.dma_semaphore, #tpu.memory_space<semaphore_mem>>) src(%arg11 : memref<128x128xf32, #tpu.memory_space<vmem>>) dst(%dma_wait3A_596 : memref<10240x128xf32, #tpu.memory_space<vmem_shared>>)
      %dma_wait3A_597 = arith.constant 31 : i32
      %dma_wait3A_598 = arith.constant 0 : i32
      %dma_wait3A_599 = arith.constant 0 : i32
      %dma_wait3A_600 = tpu.memref_slice %arg10[%dma_wait3A_597, %dma_wait3A_598, %dma_wait3A_599] : memref<40x1x128xi32, #tpu.memory_space<vmem>> -> memref<1x1x128xi32, #tpu.memory_space<vmem>>
      %dma_wait3A_601 = tpu.memref_squeeze %dma_wait3A_600 : memref<1x1x128xi32, #tpu.memory_space<vmem>> -> memref<128xi32, #tpu.memory_space<vmem>>
      %dma_wait3A_602 = arith.constant 0 : i32
      %dma_wait3A_603 = arith.constant 0 : i32
      %dma_wait3A_604 = tpu.memref_slice %arg13[%dma_wait3A_602, %dma_wait3A_603] : memref<10240x128xf32, #tpu.memory_space<vmem_shared>> -> memref<10240x128xf32, #tpu.memory_space<vmem_shared>>
      tpu.wait_indirect_dma semaphore(%arg14 : memref<!tpu.dma_semaphore, #tpu.memory_space<semaphore_mem>>) src(%arg11 : memref<128x128xf32, #tpu.memory_space<vmem>>) dst(%dma_wait3A_604 : memref<10240x128xf32, #tpu.memory_space<vmem_shared>>)
      %dma_wait3A_605 = arith.constant 32 : i32
      %dma_wait3A_606 = arith.constant 0 : i32
      %dma_wait3A_607 = arith.constant 0 : i32
      %dma_wait3A_608 = tpu.memref_slice %arg10[%dma_wait3A_605, %dma_wait3A_606, %dma_wait3A_607] : memref<40x1x128xi32, #tpu.memory_space<vmem>> -> memref<1x1x128xi32, #tpu.memory_space<vmem>>
      %dma_wait3A_609 = tpu.memref_squeeze %dma_wait3A_608 : memref<1x1x128xi32, #tpu.memory_space<vmem>> -> memref<128xi32, #tpu.memory_space<vmem>>
      %dma_wait3A_610 = arith.constant 0 : i32
      %dma_wait3A_611 = arith.constant 0 : i32
      %dma_wait3A_612 = tpu.memref_slice %arg13[%dma_wait3A_610, %dma_wait3A_611] : memref<10240x128xf32, #tpu.memory_space<vmem_shared>> -> memref<10240x128xf32, #tpu.memory_space<vmem_shared>>
      tpu.wait_indirect_dma semaphore(%arg14 : memref<!tpu.dma_semaphore, #tpu.memory_space<semaphore_mem>>) src(%arg11 : memref<128x128xf32, #tpu.memory_space<vmem>>) dst(%dma_wait3A_612 : memref<10240x128xf32, #tpu.memory_space<vmem_shared>>)
      %dma_wait3A_613 = arith.constant 33 : i32
      %dma_wait3A_614 = arith.constant 0 : i32
      %dma_wait3A_615 = arith.constant 0 : i32
      %dma_wait3A_616 = tpu.memref_slice %arg10[%dma_wait3A_613, %dma_wait3A_614, %dma_wait3A_615] : memref<40x1x128xi32, #tpu.memory_space<vmem>> -> memref<1x1x128xi32, #tpu.memory_space<vmem>>
      %dma_wait3A_617 = tpu.memref_squeeze %dma_wait3A_616 : memref<1x1x128xi32, #tpu.memory_space<vmem>> -> memref<128xi32, #tpu.memory_space<vmem>>
      %dma_wait3A_618 = arith.constant 0 : i32
      %dma_wait3A_619 = arith.constant 0 : i32
      %dma_wait3A_620 = tpu.memref_slice %arg13[%dma_wait3A_618, %dma_wait3A_619] : memref<10240x128xf32, #tpu.memory_space<vmem_shared>> -> memref<10240x128xf32, #tpu.memory_space<vmem_shared>>
      tpu.wait_indirect_dma semaphore(%arg14 : memref<!tpu.dma_semaphore, #tpu.memory_space<semaphore_mem>>) src(%arg11 : memref<128x128xf32, #tpu.memory_space<vmem>>) dst(%dma_wait3A_620 : memref<10240x128xf32, #tpu.memory_space<vmem_shared>>)
      %dma_wait3A_621 = arith.constant 34 : i32
      %dma_wait3A_622 = arith.constant 0 : i32
      %dma_wait3A_623 = arith.constant 0 : i32
      %dma_wait3A_624 = tpu.memref_slice %arg10[%dma_wait3A_621, %dma_wait3A_622, %dma_wait3A_623] : memref<40x1x128xi32, #tpu.memory_space<vmem>> -> memref<1x1x128xi32, #tpu.memory_space<vmem>>
      %dma_wait3A_625 = tpu.memref_squeeze %dma_wait3A_624 : memref<1x1x128xi32, #tpu.memory_space<vmem>> -> memref<128xi32, #tpu.memory_space<vmem>>
      %dma_wait3A_626 = arith.constant 0 : i32
      %dma_wait3A_627 = arith.constant 0 : i32
      %dma_wait3A_628 = tpu.memref_slice %arg13[%dma_wait3A_626, %dma_wait3A_627] : memref<10240x128xf32, #tpu.memory_space<vmem_shared>> -> memref<10240x128xf32, #tpu.memory_space<vmem_shared>>
      tpu.wait_indirect_dma semaphore(%arg14 : memref<!tpu.dma_semaphore, #tpu.memory_space<semaphore_mem>>) src(%arg11 : memref<128x128xf32, #tpu.memory_space<vmem>>) dst(%dma_wait3A_628 : memref<10240x128xf32, #tpu.memory_space<vmem_shared>>)
      %dma_wait3A_629 = arith.constant 35 : i32
      %dma_wait3A_630 = arith.constant 0 : i32
      %dma_wait3A_631 = arith.constant 0 : i32
      %dma_wait3A_632 = tpu.memref_slice %arg10[%dma_wait3A_629, %dma_wait3A_630, %dma_wait3A_631] : memref<40x1x128xi32, #tpu.memory_space<vmem>> -> memref<1x1x128xi32, #tpu.memory_space<vmem>>
      %dma_wait3A_633 = tpu.memref_squeeze %dma_wait3A_632 : memref<1x1x128xi32, #tpu.memory_space<vmem>> -> memref<128xi32, #tpu.memory_space<vmem>>
      %dma_wait3A_634 = arith.constant 0 : i32
      %dma_wait3A_635 = arith.constant 0 : i32
      %dma_wait3A_636 = tpu.memref_slice %arg13[%dma_wait3A_634, %dma_wait3A_635] : memref<10240x128xf32, #tpu.memory_space<vmem_shared>> -> memref<10240x128xf32, #tpu.memory_space<vmem_shared>>
      tpu.wait_indirect_dma semaphore(%arg14 : memref<!tpu.dma_semaphore, #tpu.memory_space<semaphore_mem>>) src(%arg11 : memref<128x128xf32, #tpu.memory_space<vmem>>) dst(%dma_wait3A_636 : memref<10240x128xf32, #tpu.memory_space<vmem_shared>>)
      %dma_wait3A_637 = arith.constant 36 : i32
      %dma_wait3A_638 = arith.constant 0 : i32
      %dma_wait3A_639 = arith.constant 0 : i32
      %dma_wait3A_640 = tpu.memref_slice %arg10[%dma_wait3A_637, %dma_wait3A_638, %dma_wait3A_639] : memref<40x1x128xi32, #tpu.memory_space<vmem>> -> memref<1x1x128xi32, #tpu.memory_space<vmem>>
      %dma_wait3A_641 = tpu.memref_squeeze %dma_wait3A_640 : memref<1x1x128xi32, #tpu.memory_space<vmem>> -> memref<128xi32, #tpu.memory_space<vmem>>
      %dma_wait3A_642 = arith.constant 0 : i32
      %dma_wait3A_643 = arith.constant 0 : i32
      %dma_wait3A_644 = tpu.memref_slice %arg13[%dma_wait3A_642, %dma_wait3A_643] : memref<10240x128xf32, #tpu.memory_space<vmem_shared>> -> memref<10240x128xf32, #tpu.memory_space<vmem_shared>>
      tpu.wait_indirect_dma semaphore(%arg14 : memref<!tpu.dma_semaphore, #tpu.memory_space<semaphore_mem>>) src(%arg11 : memref<128x128xf32, #tpu.memory_space<vmem>>) dst(%dma_wait3A_644 : memref<10240x128xf32, #tpu.memory_space<vmem_shared>>)
      %dma_wait3A_645 = arith.constant 37 : i32
      %dma_wait3A_646 = arith.constant 0 : i32
      %dma_wait3A_647 = arith.constant 0 : i32
      %dma_wait3A_648 = tpu.memref_slice %arg10[%dma_wait3A_645, %dma_wait3A_646, %dma_wait3A_647] : memref<40x1x128xi32, #tpu.memory_space<vmem>> -> memref<1x1x128xi32, #tpu.memory_space<vmem>>
      %dma_wait3A_649 = tpu.memref_squeeze %dma_wait3A_648 : memref<1x1x128xi32, #tpu.memory_space<vmem>> -> memref<128xi32, #tpu.memory_space<vmem>>
      %dma_wait3A_650 = arith.constant 0 : i32
      %dma_wait3A_651 = arith.constant 0 : i32
      %dma_wait3A_652 = tpu.memref_slice %arg13[%dma_wait3A_650, %dma_wait3A_651] : memref<10240x128xf32, #tpu.memory_space<vmem_shared>> -> memref<10240x128xf32, #tpu.memory_space<vmem_shared>>
      tpu.wait_indirect_dma semaphore(%arg14 : memref<!tpu.dma_semaphore, #tpu.memory_space<semaphore_mem>>) src(%arg11 : memref<128x128xf32, #tpu.memory_space<vmem>>) dst(%dma_wait3A_652 : memref<10240x128xf32, #tpu.memory_space<vmem_shared>>)
      %dma_wait3A_653 = arith.constant 38 : i32
      %dma_wait3A_654 = arith.constant 0 : i32
      %dma_wait3A_655 = arith.constant 0 : i32
      %dma_wait3A_656 = tpu.memref_slice %arg10[%dma_wait3A_653, %dma_wait3A_654, %dma_wait3A_655] : memref<40x1x128xi32, #tpu.memory_space<vmem>> -> memref<1x1x128xi32, #tpu.memory_space<vmem>>
      %dma_wait3A_657 = tpu.memref_squeeze %dma_wait3A_656 : memref<1x1x128xi32, #tpu.memory_space<vmem>> -> memref<128xi32, #tpu.memory_space<vmem>>
      %dma_wait3A_658 = arith.constant 0 : i32
      %dma_wait3A_659 = arith.constant 0 : i32
      %dma_wait3A_660 = tpu.memref_slice %arg13[%dma_wait3A_658, %dma_wait3A_659] : memref<10240x128xf32, #tpu.memory_space<vmem_shared>> -> memref<10240x128xf32, #tpu.memory_space<vmem_shared>>
      tpu.wait_indirect_dma semaphore(%arg14 : memref<!tpu.dma_semaphore, #tpu.memory_space<semaphore_mem>>) src(%arg11 : memref<128x128xf32, #tpu.memory_space<vmem>>) dst(%dma_wait3A_660 : memref<10240x128xf32, #tpu.memory_space<vmem_shared>>)
      %dma_wait3A_661 = arith.constant 39 : i32
      %dma_wait3A_662 = arith.constant 0 : i32
      %dma_wait3A_663 = arith.constant 0 : i32
      %dma_wait3A_664 = tpu.memref_slice %arg10[%dma_wait3A_661, %dma_wait3A_662, %dma_wait3A_663] : memref<40x1x128xi32, #tpu.memory_space<vmem>> -> memref<1x1x128xi32, #tpu.memory_space<vmem>>
      %dma_wait3A_665 = tpu.memref_squeeze %dma_wait3A_664 : memref<1x1x128xi32, #tpu.memory_space<vmem>> -> memref<128xi32, #tpu.memory_space<vmem>>
      %dma_wait3A_666 = arith.constant 0 : i32
      %dma_wait3A_667 = arith.constant 0 : i32
      %dma_wait3A_668 = tpu.memref_slice %arg13[%dma_wait3A_666, %dma_wait3A_667] : memref<10240x128xf32, #tpu.memory_space<vmem_shared>> -> memref<10240x128xf32, #tpu.memory_space<vmem_shared>>
      tpu.wait_indirect_dma semaphore(%arg14 : memref<!tpu.dma_semaphore, #tpu.memory_space<semaphore_mem>>) src(%arg11 : memref<128x128xf32, #tpu.memory_space<vmem>>) dst(%dma_wait3A_668 : memref<10240x128xf32, #tpu.memory_space<vmem_shared>>)
    }
    %scan3A_25 = arith.constant 4 : i32
    %barrier3A_26 = arith.constant 0 : index
    tpu.barrier barrier_id(%barrier3A_26)
    %mul3A_27 = arith.constant 640 : i32
    %mul3A_28 = arith.muli %arg1, %mul3A_27 : i32
    "tpu.region"() ({
      %run_scoped3A = tpu.sem_alloc : memref<!tpu.dma_semaphore, #tpu.memory_space<semaphore_mem>>
      %dma_start3A = arith.constant 0 : i32
      %dma_start3A_30 = tpu.memref_slice %arg8[%add3A_5, %dma_start3A] : memref<20480x128xf32, #tpu.memory_space<hbm>> -> memref<640x128xf32, #tpu.memory_space<hbm>>
      %dma_start3A_31 = arith.constant 0 : i32
      %dma_start3A_32 = tpu.memref_slice %arg13[%mul3A_28, %dma_start3A_31] : memref<10240x128xf32, #tpu.memory_space<vmem_shared>> -> memref<640x128xf32, #tpu.memory_space<vmem_shared>>
      tpu.enqueue_dma source(%dma_start3A_32 : memref<640x128xf32, #tpu.memory_space<vmem_shared>>) target(%dma_start3A_30 : memref<640x128xf32, #tpu.memory_space<hbm>>) target_semaphore(%run_scoped3A : memref<!tpu.dma_semaphore, #tpu.memory_space<semaphore_mem>>)
      %dma_wait3A = arith.constant 0 : i32
      %dma_wait3A_33 = tpu.memref_slice %arg8[%add3A_5, %dma_wait3A] : memref<20480x128xf32, #tpu.memory_space<hbm>> -> memref<640x128xf32, #tpu.memory_space<hbm>>
      %dma_wait3A_34 = arith.constant 0 : i32
      %dma_wait3A_35 = tpu.memref_slice %arg13[%mul3A_28, %dma_wait3A_34] : memref<10240x128xf32, #tpu.memory_space<vmem_shared>> -> memref<640x128xf32, #tpu.memory_space<vmem_shared>>
      tpu.wait_dma2 semaphore(%run_scoped3A : memref<!tpu.dma_semaphore, #tpu.memory_space<semaphore_mem>>) src(%dma_wait3A_35 : memref<640x128xf32, #tpu.memory_space<vmem_shared>>) dst(%dma_wait3A_33 : memref<640x128xf32, #tpu.memory_space<hbm>>)
      tpu.yield
    }) : () -> ()
    %barrier3A_29 = arith.constant 0 : index
    tpu.barrier barrier_id(%barrier3A_29)
    return
  }
}

module attributes {stable_mosaic.version = 14 : i64} {
  func.func @_tc1_body(%arg0: i32, %arg1: memref<2x1024x128xf32, #tpu.memory_space<vmem>>, %arg2: memref<2x1024x128xf32, #tpu.memory_space<vmem>>, %arg3: memref<1024x128xf32, #tpu.memory_space<vmem>>, %arg4: memref<256x64xf32, #tpu.memory_space<vmem>>, %arg5: memref<256x64xf32, #tpu.memory_space<vmem>>, %arg6: memref<1x64xf32, #tpu.memory_space<vmem>>, %arg7: memref<1x64xf32, #tpu.memory_space<vmem>>, %arg8: memref<1024x128xf32, #tpu.memory_space<vmem>>) attributes {dimension_semantics = [#tpu.dimension_semantics<arbitrary>], iteration_bounds = array<i64: 10>, scalar_prefetch = 0 : i64, scratch_operands = 0 : i64, tpu.core_type = #tpu.core_type<tc>, window_params = [{transform_indices = @transform_0, window_bounds = array<i64: 2, 1024, 128>}, {transform_indices = @transform_1, window_bounds = array<i64: 2, 1024, 128>}, {transform_indices = @transform_2, window_bounds = array<i64: 1024, 128>}, {pipeline_mode = #tpu.pipeline_mode<synchronous>, transform_indices = @transform_3, window_bounds = array<i64: 256, 64>}, {pipeline_mode = #tpu.pipeline_mode<synchronous>, transform_indices = @transform_4, window_bounds = array<i64: 256, 64>}, {pipeline_mode = #tpu.pipeline_mode<synchronous>, transform_indices = @transform_5, window_bounds = array<i64: 1, 64>}, {pipeline_mode = #tpu.pipeline_mode<synchronous>, transform_indices = @transform_6, window_bounds = array<i64: 1, 64>}, {transform_indices = @transform_7, window_bounds = array<i64: 1024, 128>}]} {
    %get3A = arith.constant 0 : index
    %get3A_0 = arith.constant 0 : index
    %get3A_1 = arith.constant 0 : index
    %get3A_2 = vector.load %arg1[%get3A, %get3A_0, %get3A_1] : memref<2x1024x128xf32, #tpu.memory_space<vmem>>, vector<1x1024x128xf32>
    %get3A_3 = vector.shape_cast %get3A_2 : vector<1x1024x128xf32> to vector<1024x128xf32>
    %get3A_4 = arith.constant 0 : index
    %get3A_5 = arith.constant 0 : index
    %get3A_6 = arith.constant 0 : index
    %get3A_7 = vector.load %arg2[%get3A_4, %get3A_5, %get3A_6] : memref<2x1024x128xf32, #tpu.memory_space<vmem>>, vector<1x1024x128xf32>
    %get3A_8 = vector.shape_cast %get3A_7 : vector<1x1024x128xf32> to vector<1024x128xf32>
    %slice3A = vector.extract_strided_slice %get3A_8 {offsets = [0, 0], sizes = [1024, 1], strides = [1, 1]} : vector<1024x128xf32> to vector<1024x1xf32>
    %jit3A = arith.constant 1.000000e+00 : f32
    %max3A = vector.broadcast %jit3A : f32 to vector<1024x1xf32>
    %max3A_9 = arith.maximumf %max3A, %slice3A : vector<1024x1xf32>
    %div3A = arith.constant 1.000000e+00 : f32
    %div3A_10 = vector.broadcast %div3A : f32 to vector<1024x1xf32>
    %div3A_11 = arith.divf %div3A_10, %max3A_9 : vector<1024x1xf32>
    %mul3A = vector.broadcast %div3A_11 : vector<1024x1xf32> to vector<1024x128xf32>
    %mul3A_12 = arith.mulf %get3A_3, %mul3A : vector<1024x128xf32>
    %get3A_13 = arith.constant 1 : index
    %get3A_14 = arith.constant 0 : index
    %get3A_15 = arith.constant 0 : index
    %get3A_16 = vector.load %arg1[%get3A_13, %get3A_14, %get3A_15] : memref<2x1024x128xf32, #tpu.memory_space<vmem>>, vector<1x1024x128xf32>
    %get3A_17 = vector.shape_cast %get3A_16 : vector<1x1024x128xf32> to vector<1024x128xf32>
    %get3A_18 = arith.constant 1 : index
    %get3A_19 = arith.constant 0 : index
    %get3A_20 = arith.constant 0 : index
    %get3A_21 = vector.load %arg2[%get3A_18, %get3A_19, %get3A_20] : memref<2x1024x128xf32, #tpu.memory_space<vmem>>, vector<1x1024x128xf32>
    %get3A_22 = vector.shape_cast %get3A_21 : vector<1x1024x128xf32> to vector<1024x128xf32>
    %slice3A_23 = vector.extract_strided_slice %get3A_22 {offsets = [0, 0], sizes = [1024, 1], strides = [1, 1]} : vector<1024x128xf32> to vector<1024x1xf32>
    %jit3A_24 = arith.constant 1.000000e+00 : f32
    %max3A_25 = vector.broadcast %jit3A_24 : f32 to vector<1024x1xf32>
    %max3A_26 = arith.maximumf %max3A_25, %slice3A_23 : vector<1024x1xf32>
    %div3A_27 = arith.constant 1.000000e+00 : f32
    %div3A_28 = vector.broadcast %div3A_27 : f32 to vector<1024x1xf32>
    %div3A_29 = arith.divf %div3A_28, %max3A_26 : vector<1024x1xf32>
    %mul3A_30 = vector.broadcast %div3A_29 : vector<1024x1xf32> to vector<1024x128xf32>
    %mul3A_31 = arith.mulf %get3A_17, %mul3A_30 : vector<1024x128xf32>
    %get3A_32 = arith.constant 0 : index
    %get3A_33 = arith.constant 0 : index
    %get3A_34 = vector.load %arg3[%get3A_32, %get3A_33] : memref<1024x128xf32, #tpu.memory_space<vmem>>, vector<1024x128xf32>
    %get3A_35 = arith.constant 0 : index
    %get3A_36 = arith.constant 0 : index
    %get3A_37 = vector.load %arg4[%get3A_35, %get3A_36] : memref<256x64xf32, #tpu.memory_space<vmem>>, vector<128x64xf32>
    %dot_general3A = arith.constant dense<0.000000e+00> : vector<1024x64xf32>
    %dot_general3A_38 = tpu.matmul %mul3A_12, %get3A_37, %dot_general3A {dimension_numbers = #tpu.dot_dimension_numbers<[1], [0], [0], [1], [0, 0, 1, 1], [], []>, transpose_lhs_hint = false} : vector<1024x128xf32>, vector<128x64xf32>, vector<1024x64xf32> -> vector<1024x64xf32>
    %get3A_39 = arith.constant 128 : index
    %get3A_40 = arith.constant 0 : index
    %get3A_41 = vector.load %arg4[%get3A_39, %get3A_40] : memref<256x64xf32, #tpu.memory_space<vmem>>, vector<128x64xf32>
    %dot_general3A_42 = arith.constant dense<0.000000e+00> : vector<1024x64xf32>
    %dot_general3A_43 = tpu.matmul %get3A_34, %get3A_41, %dot_general3A_42 {dimension_numbers = #tpu.dot_dimension_numbers<[1], [0], [0], [1], [0, 0, 1, 1], [], []>, transpose_lhs_hint = false} : vector<1024x128xf32>, vector<128x64xf32>, vector<1024x64xf32> -> vector<1024x64xf32>
    %add3A = arith.addf %dot_general3A_38, %dot_general3A_43 : vector<1024x64xf32>
    %get3A_44 = arith.constant 0 : index
    %get3A_45 = arith.constant 0 : index
    %get3A_46 = vector.load %arg6[%get3A_44, %get3A_45] : memref<1x64xf32, #tpu.memory_space<vmem>>, vector<1x64xf32>
    %add3A_47 = vector.broadcast %get3A_46 : vector<1x64xf32> to vector<1024x64xf32>
    %add3A_48 = arith.addf %add3A, %add3A_47 : vector<1024x64xf32>
    %get3A_49 = arith.constant 0 : index
    %get3A_50 = arith.constant 0 : index
    %get3A_51 = vector.load %arg5[%get3A_49, %get3A_50] : memref<256x64xf32, #tpu.memory_space<vmem>>, vector<128x64xf32>
    %dot_general3A_52 = arith.constant dense<0.000000e+00> : vector<1024x64xf32>
    %dot_general3A_53 = tpu.matmul %mul3A_31, %get3A_51, %dot_general3A_52 {dimension_numbers = #tpu.dot_dimension_numbers<[1], [0], [0], [1], [0, 0, 1, 1], [], []>, transpose_lhs_hint = false} : vector<1024x128xf32>, vector<128x64xf32>, vector<1024x64xf32> -> vector<1024x64xf32>
    %get3A_54 = arith.constant 128 : index
    %get3A_55 = arith.constant 0 : index
    %get3A_56 = vector.load %arg5[%get3A_54, %get3A_55] : memref<256x64xf32, #tpu.memory_space<vmem>>, vector<128x64xf32>
    %dot_general3A_57 = arith.constant dense<0.000000e+00> : vector<1024x64xf32>
    %dot_general3A_58 = tpu.matmul %get3A_34, %get3A_56, %dot_general3A_57 {dimension_numbers = #tpu.dot_dimension_numbers<[1], [0], [0], [1], [0, 0, 1, 1], [], []>, transpose_lhs_hint = false} : vector<1024x128xf32>, vector<128x64xf32>, vector<1024x64xf32> -> vector<1024x64xf32>
    %add3A_59 = arith.addf %dot_general3A_53, %dot_general3A_58 : vector<1024x64xf32>
    %get3A_60 = arith.constant 0 : index
    %get3A_61 = arith.constant 0 : index
    %get3A_62 = vector.load %arg7[%get3A_60, %get3A_61] : memref<1x64xf32, #tpu.memory_space<vmem>>, vector<1x64xf32>
    %add3A_63 = vector.broadcast %get3A_62 : vector<1x64xf32> to vector<1024x64xf32>
    %add3A_64 = arith.addf %add3A_59, %add3A_63 : vector<1024x64xf32>
    %concatenate3A = tpu.concatenate %add3A_48, %add3A_64 in 1 : vector<1024x64xf32>, vector<1024x64xf32> -> vector<1024x128xf32>
    %max3A_65 = arith.constant 0.000000e+00 : f32
    %max3A_66 = vector.broadcast %max3A_65 : f32 to vector<1024x128xf32>
    %max3A_67 = arith.maximumf %concatenate3A, %max3A_66 : vector<1024x128xf32>
    %swap3A = arith.constant 0 : index
    %swap3A_68 = arith.constant 0 : index
    %swap3A_69 = vector.load %arg8[%swap3A, %swap3A_68] : memref<1024x128xf32, #tpu.memory_space<vmem>>, vector<1024x128xf32>
    tpu.vector_store %arg8[%swap3A, %swap3A_68], %max3A_67 {strides = array<i32>} : memref<1024x128xf32, #tpu.memory_space<vmem>>, vector<1024x128xf32>,
    return
  }
  func.func @transform_0(%arg0: i32) -> (i32, i32, i32) {
    %c0_i32 = arith.constant 0 : i32
    %c0_i32_0 = arith.constant 0 : i32
    %c0_i32_1 = arith.constant 0 : i32
    return %c0_i32, %arg0, %c0_i32_0 : i32, i32, i32
  }
  func.func @transform_1(%arg0: i32) -> (i32, i32, i32) {
    %c0_i32 = arith.constant 0 : i32
    %c0_i32_0 = arith.constant 0 : i32
    %c0_i32_1 = arith.constant 0 : i32
    return %c0_i32, %arg0, %c0_i32_0 : i32, i32, i32
  }
  func.func @transform_2(%arg0: i32) -> (i32, i32) {
    %c0_i32 = arith.constant 0 : i32
    %c0_i32_0 = arith.constant 0 : i32
    return %arg0, %c0_i32 : i32, i32
  }
  func.func @transform_3(%arg0: i32) -> (i32, i32) {
    %c0_i32 = arith.constant 0 : i32
    %c0_i32_0 = arith.constant 0 : i32
    %c0_i32_1 = arith.constant 0 : i32
    return %c0_i32, %c0_i32_0 : i32, i32
  }
  func.func @transform_4(%arg0: i32) -> (i32, i32) {
    %c0_i32 = arith.constant 0 : i32
    %c0_i32_0 = arith.constant 0 : i32
    %c0_i32_1 = arith.constant 0 : i32
    return %c0_i32, %c0_i32_0 : i32, i32
  }
  func.func @transform_5(%arg0: i32) -> (i32, i32) {
    %c0_i32 = arith.constant 0 : i32
    %c0_i32_0 = arith.constant 0 : i32
    %c0_i32_1 = arith.constant 0 : i32
    return %c0_i32, %c0_i32_0 : i32, i32
  }
  func.func @transform_6(%arg0: i32) -> (i32, i32) {
    %c0_i32 = arith.constant 0 : i32
    %c0_i32_0 = arith.constant 0 : i32
    %c0_i32_1 = arith.constant 0 : i32
    return %c0_i32, %c0_i32_0 : i32, i32
  }
  func.func @transform_7(%arg0: i32) -> (i32, i32) {
    %c0_i32 = arith.constant 0 : i32
    %c0_i32_0 = arith.constant 0 : i32
    return %arg0, %c0_i32 : i32, i32
  }
}

module attributes {stable_mosaic.version = 14 : i64} {
  func.func @_tc2_body(%arg0: i32, %arg1: memref<2x1024x128xf32, #tpu.memory_space<vmem>>, %arg2: memref<2x1024x128xf32, #tpu.memory_space<vmem>>, %arg3: memref<1024x128xf32, #tpu.memory_space<vmem>>, %arg4: memref<192x64xf32, #tpu.memory_space<vmem>>, %arg5: memref<192x64xf32, #tpu.memory_space<vmem>>, %arg6: memref<1x64xf32, #tpu.memory_space<vmem>>, %arg7: memref<1x64xf32, #tpu.memory_space<vmem>>, %arg8: memref<1024x128xf32, #tpu.memory_space<vmem>>) attributes {dimension_semantics = [#tpu.dimension_semantics<arbitrary>], iteration_bounds = array<i64: 10>, scalar_prefetch = 0 : i64, scratch_operands = 0 : i64, tpu.core_type = #tpu.core_type<tc>, window_params = [{transform_indices = @transform_0, window_bounds = array<i64: 2, 1024, 128>}, {transform_indices = @transform_1, window_bounds = array<i64: 2, 1024, 128>}, {transform_indices = @transform_2, window_bounds = array<i64: 1024, 128>}, {pipeline_mode = #tpu.pipeline_mode<synchronous>, transform_indices = @transform_3, window_bounds = array<i64: 192, 64>}, {pipeline_mode = #tpu.pipeline_mode<synchronous>, transform_indices = @transform_4, window_bounds = array<i64: 192, 64>}, {pipeline_mode = #tpu.pipeline_mode<synchronous>, transform_indices = @transform_5, window_bounds = array<i64: 1, 64>}, {pipeline_mode = #tpu.pipeline_mode<synchronous>, transform_indices = @transform_6, window_bounds = array<i64: 1, 64>}, {transform_indices = @transform_7, window_bounds = array<i64: 1024, 128>}]} {
    %get3A = arith.constant 0 : index
    %get3A_0 = arith.constant 0 : index
    %get3A_1 = arith.constant 0 : index
    %get3A_2 = vector.load %arg1[%get3A, %get3A_0, %get3A_1] : memref<2x1024x128xf32, #tpu.memory_space<vmem>>, vector<1x1024x128xf32>
    %get3A_3 = vector.shape_cast %get3A_2 : vector<1x1024x128xf32> to vector<1024x128xf32>
    %get3A_4 = arith.constant 0 : index
    %get3A_5 = arith.constant 0 : index
    %get3A_6 = arith.constant 0 : index
    %get3A_7 = vector.load %arg2[%get3A_4, %get3A_5, %get3A_6] : memref<2x1024x128xf32, #tpu.memory_space<vmem>>, vector<1x1024x128xf32>
    %get3A_8 = vector.shape_cast %get3A_7 : vector<1x1024x128xf32> to vector<1024x128xf32>
    %slice3A = vector.extract_strided_slice %get3A_8 {offsets = [0, 0], sizes = [1024, 1], strides = [1, 1]} : vector<1024x128xf32> to vector<1024x1xf32>
    %jit3A = arith.constant 1.000000e+00 : f32
    %max3A = vector.broadcast %jit3A : f32 to vector<1024x1xf32>
    %max3A_9 = arith.maximumf %max3A, %slice3A : vector<1024x1xf32>
    %div3A = arith.constant 1.000000e+00 : f32
    %div3A_10 = vector.broadcast %div3A : f32 to vector<1024x1xf32>
    %div3A_11 = arith.divf %div3A_10, %max3A_9 : vector<1024x1xf32>
    %mul3A = vector.broadcast %div3A_11 : vector<1024x1xf32> to vector<1024x128xf32>
    %mul3A_12 = arith.mulf %get3A_3, %mul3A : vector<1024x128xf32>
    %get3A_13 = arith.constant 1 : index
    %get3A_14 = arith.constant 0 : index
    %get3A_15 = arith.constant 0 : index
    %get3A_16 = vector.load %arg1[%get3A_13, %get3A_14, %get3A_15] : memref<2x1024x128xf32, #tpu.memory_space<vmem>>, vector<1x1024x128xf32>
    %get3A_17 = vector.shape_cast %get3A_16 : vector<1x1024x128xf32> to vector<1024x128xf32>
    %get3A_18 = arith.constant 1 : index
    %get3A_19 = arith.constant 0 : index
    %get3A_20 = arith.constant 0 : index
    %get3A_21 = vector.load %arg2[%get3A_18, %get3A_19, %get3A_20] : memref<2x1024x128xf32, #tpu.memory_space<vmem>>, vector<1x1024x128xf32>
    %get3A_22 = vector.shape_cast %get3A_21 : vector<1x1024x128xf32> to vector<1024x128xf32>
    %slice3A_23 = vector.extract_strided_slice %get3A_22 {offsets = [0, 0], sizes = [1024, 1], strides = [1, 1]} : vector<1024x128xf32> to vector<1024x1xf32>
    %jit3A_24 = arith.constant 1.000000e+00 : f32
    %max3A_25 = vector.broadcast %jit3A_24 : f32 to vector<1024x1xf32>
    %max3A_26 = arith.maximumf %max3A_25, %slice3A_23 : vector<1024x1xf32>
    %div3A_27 = arith.constant 1.000000e+00 : f32
    %div3A_28 = vector.broadcast %div3A_27 : f32 to vector<1024x1xf32>
    %div3A_29 = arith.divf %div3A_28, %max3A_26 : vector<1024x1xf32>
    %mul3A_30 = vector.broadcast %div3A_29 : vector<1024x1xf32> to vector<1024x128xf32>
    %mul3A_31 = arith.mulf %get3A_17, %mul3A_30 : vector<1024x128xf32>
    %get3A_32 = arith.constant 0 : index
    %get3A_33 = arith.constant 0 : index
    %get3A_34 = vector.load %arg3[%get3A_32, %get3A_33] : memref<1024x128xf32, #tpu.memory_space<vmem>>, vector<1024x128xf32>
    %slice3A_35 = vector.extract_strided_slice %mul3A_12 {offsets = [0, 0], sizes = [1024, 64], strides = [1, 1]} : vector<1024x128xf32> to vector<1024x64xf32>
    %get3A_36 = arith.constant 0 : index
    %get3A_37 = arith.constant 0 : index
    %get3A_38 = vector.load %arg4[%get3A_36, %get3A_37] : memref<192x64xf32, #tpu.memory_space<vmem>>, vector<64x64xf32>
    %dot_general3A = arith.constant dense<0.000000e+00> : vector<1024x64xf32>
    %dot_general3A_39 = tpu.matmul %slice3A_35, %get3A_38, %dot_general3A {dimension_numbers = #tpu.dot_dimension_numbers<[1], [0], [0], [1], [0, 0, 1, 1], [], []>, transpose_lhs_hint = false} : vector<1024x64xf32>, vector<64x64xf32>, vector<1024x64xf32> -> vector<1024x64xf32>
    %slice3A_40 = vector.extract_strided_slice %mul3A_31 {offsets = [0, 64], sizes = [1024, 64], strides = [1, 1]} : vector<1024x128xf32> to vector<1024x64xf32>
    %get3A_41 = arith.constant 64 : index
    %get3A_42 = arith.constant 0 : index
    %get3A_43 = vector.load %arg4[%get3A_41, %get3A_42] : memref<192x64xf32, #tpu.memory_space<vmem>>, vector<64x64xf32>
    %dot_general3A_44 = arith.constant dense<0.000000e+00> : vector<1024x64xf32>
    %dot_general3A_45 = tpu.matmul %slice3A_40, %get3A_43, %dot_general3A_44 {dimension_numbers = #tpu.dot_dimension_numbers<[1], [0], [0], [1], [0, 0, 1, 1], [], []>, transpose_lhs_hint = false} : vector<1024x64xf32>, vector<64x64xf32>, vector<1024x64xf32> -> vector<1024x64xf32>
    %add3A = arith.addf %dot_general3A_39, %dot_general3A_45 : vector<1024x64xf32>
    %slice3A_46 = vector.extract_strided_slice %get3A_34 {offsets = [0, 0], sizes = [1024, 64], strides = [1, 1]} : vector<1024x128xf32> to vector<1024x64xf32>
    %get3A_47 = arith.constant 128 : index
    %get3A_48 = arith.constant 0 : index
    %get3A_49 = vector.load %arg4[%get3A_47, %get3A_48] : memref<192x64xf32, #tpu.memory_space<vmem>>, vector<64x64xf32>
    %dot_general3A_50 = arith.constant dense<0.000000e+00> : vector<1024x64xf32>
    %dot_general3A_51 = tpu.matmul %slice3A_46, %get3A_49, %dot_general3A_50 {dimension_numbers = #tpu.dot_dimension_numbers<[1], [0], [0], [1], [0, 0, 1, 1], [], []>, transpose_lhs_hint = false} : vector<1024x64xf32>, vector<64x64xf32>, vector<1024x64xf32> -> vector<1024x64xf32>
    %add3A_52 = arith.addf %add3A, %dot_general3A_51 : vector<1024x64xf32>
    %get3A_53 = arith.constant 0 : index
    %get3A_54 = arith.constant 0 : index
    %get3A_55 = vector.load %arg6[%get3A_53, %get3A_54] : memref<1x64xf32, #tpu.memory_space<vmem>>, vector<1x64xf32>
    %add3A_56 = vector.broadcast %get3A_55 : vector<1x64xf32> to vector<1024x64xf32>
    %add3A_57 = arith.addf %add3A_52, %add3A_56 : vector<1024x64xf32>
    %slice3A_58 = vector.extract_strided_slice %mul3A_12 {offsets = [0, 64], sizes = [1024, 64], strides = [1, 1]} : vector<1024x128xf32> to vector<1024x64xf32>
    %get3A_59 = arith.constant 0 : index
    %get3A_60 = arith.constant 0 : index
    %get3A_61 = vector.load %arg5[%get3A_59, %get3A_60] : memref<192x64xf32, #tpu.memory_space<vmem>>, vector<64x64xf32>
    %dot_general3A_62 = arith.constant dense<0.000000e+00> : vector<1024x64xf32>
    %dot_general3A_63 = tpu.matmul %slice3A_58, %get3A_61, %dot_general3A_62 {dimension_numbers = #tpu.dot_dimension_numbers<[1], [0], [0], [1], [0, 0, 1, 1], [], []>, transpose_lhs_hint = false} : vector<1024x64xf32>, vector<64x64xf32>, vector<1024x64xf32> -> vector<1024x64xf32>
    %slice3A_64 = vector.extract_strided_slice %mul3A_31 {offsets = [0, 0], sizes = [1024, 64], strides = [1, 1]} : vector<1024x128xf32> to vector<1024x64xf32>
    %get3A_65 = arith.constant 64 : index
    %get3A_66 = arith.constant 0 : index
    %get3A_67 = vector.load %arg5[%get3A_65, %get3A_66] : memref<192x64xf32, #tpu.memory_space<vmem>>, vector<64x64xf32>
    %dot_general3A_68 = arith.constant dense<0.000000e+00> : vector<1024x64xf32>
    %dot_general3A_69 = tpu.matmul %slice3A_64, %get3A_67, %dot_general3A_68 {dimension_numbers = #tpu.dot_dimension_numbers<[1], [0], [0], [1], [0, 0, 1, 1], [], []>, transpose_lhs_hint = false} : vector<1024x64xf32>, vector<64x64xf32>, vector<1024x64xf32> -> vector<1024x64xf32>
    %add3A_70 = arith.addf %dot_general3A_63, %dot_general3A_69 : vector<1024x64xf32>
    %slice3A_71 = vector.extract_strided_slice %get3A_34 {offsets = [0, 64], sizes = [1024, 64], strides = [1, 1]} : vector<1024x128xf32> to vector<1024x64xf32>
    %get3A_72 = arith.constant 128 : index
    %get3A_73 = arith.constant 0 : index
    %get3A_74 = vector.load %arg5[%get3A_72, %get3A_73] : memref<192x64xf32, #tpu.memory_space<vmem>>, vector<64x64xf32>
    %dot_general3A_75 = arith.constant dense<0.000000e+00> : vector<1024x64xf32>
    %dot_general3A_76 = tpu.matmul %slice3A_71, %get3A_74, %dot_general3A_75 {dimension_numbers = #tpu.dot_dimension_numbers<[1], [0], [0], [1], [0, 0, 1, 1], [], []>, transpose_lhs_hint = false} : vector<1024x64xf32>, vector<64x64xf32>, vector<1024x64xf32> -> vector<1024x64xf32>
    %add3A_77 = arith.addf %add3A_70, %dot_general3A_76 : vector<1024x64xf32>
    %get3A_78 = arith.constant 0 : index
    %get3A_79 = arith.constant 0 : index
    %get3A_80 = vector.load %arg7[%get3A_78, %get3A_79] : memref<1x64xf32, #tpu.memory_space<vmem>>, vector<1x64xf32>
    %add3A_81 = vector.broadcast %get3A_80 : vector<1x64xf32> to vector<1024x64xf32>
    %add3A_82 = arith.addf %add3A_77, %add3A_81 : vector<1024x64xf32>
    %concatenate3A = tpu.concatenate %add3A_57, %add3A_82 in 1 : vector<1024x64xf32>, vector<1024x64xf32> -> vector<1024x128xf32>
    %max3A_83 = arith.constant 0.000000e+00 : f32
    %max3A_84 = vector.broadcast %max3A_83 : f32 to vector<1024x128xf32>
    %max3A_85 = arith.maximumf %concatenate3A, %max3A_84 : vector<1024x128xf32>
    %swap3A = arith.constant 0 : index
    %swap3A_86 = arith.constant 0 : index
    %swap3A_87 = vector.load %arg8[%swap3A, %swap3A_86] : memref<1024x128xf32, #tpu.memory_space<vmem>>, vector<1024x128xf32>
    tpu.vector_store %arg8[%swap3A, %swap3A_86], %max3A_85 {strides = array<i32>} : memref<1024x128xf32, #tpu.memory_space<vmem>>, vector<1024x128xf32>,
    return
  }
  func.func @transform_0(%arg0: i32) -> (i32, i32, i32) {
    %c0_i32 = arith.constant 0 : i32
    %c0_i32_0 = arith.constant 0 : i32
    %c0_i32_1 = arith.constant 0 : i32
    return %c0_i32, %arg0, %c0_i32_0 : i32, i32, i32
  }
  func.func @transform_1(%arg0: i32) -> (i32, i32, i32) {
    %c0_i32 = arith.constant 0 : i32
    %c0_i32_0 = arith.constant 0 : i32
    %c0_i32_1 = arith.constant 0 : i32
    return %c0_i32, %arg0, %c0_i32_0 : i32, i32, i32
  }
  func.func @transform_2(%arg0: i32) -> (i32, i32) {
    %c0_i32 = arith.constant 0 : i32
    %c0_i32_0 = arith.constant 0 : i32
    return %arg0, %c0_i32 : i32, i32
  }
  func.func @transform_3(%arg0: i32) -> (i32, i32) {
    %c0_i32 = arith.constant 0 : i32
    %c0_i32_0 = arith.constant 0 : i32
    %c0_i32_1 = arith.constant 0 : i32
    return %c0_i32, %c0_i32_0 : i32, i32
  }
  func.func @transform_4(%arg0: i32) -> (i32, i32) {
    %c0_i32 = arith.constant 0 : i32
    %c0_i32_0 = arith.constant 0 : i32
    %c0_i32_1 = arith.constant 0 : i32
    return %c0_i32, %c0_i32_0 : i32, i32
  }
  func.func @transform_5(%arg0: i32) -> (i32, i32) {
    %c0_i32 = arith.constant 0 : i32
    %c0_i32_0 = arith.constant 0 : i32
    %c0_i32_1 = arith.constant 0 : i32
    return %c0_i32, %c0_i32_0 : i32, i32
  }
  func.func @transform_6(%arg0: i32) -> (i32, i32) {
    %c0_i32 = arith.constant 0 : i32
    %c0_i32_0 = arith.constant 0 : i32
    %c0_i32_1 = arith.constant 0 : i32
    return %c0_i32, %c0_i32_0 : i32, i32
  }
  func.func @transform_7(%arg0: i32) -> (i32, i32) {
    %c0_i32 = arith.constant 0 : i32
    %c0_i32_0 = arith.constant 0 : i32
    return %arg0, %c0_i32 : i32, i32
  }
}

</mosaic_0001>

<sc_bundles>
// kernel: kernel.6.cloned.1.call-start
scs
__scs_entry_jumppad:
0x0: {  	(pc) =	sbr.rel $0x88, $3  }
0x1: {  	(tag) =	ssettag $0x0;
	lr =	simm.s32 $0x1  }
0x2: {  	[smem:$0x3F96] =	sst lr;
	_ =	strace $0xD0000000  }
0x3: {  	_ = 	snop  }
0x4: {  	_ = 	snop  }
0x5: {  	_ = 	snop  }
0x6: {  	_ = 	snop  }
0x7: {  	_ = 	snop  }
__scs_overlays_trampoline_lowered:
0x8: {  	[smem:$0x3FA5] =	sst s0  }
0x9: {  	[smem:$0x3FA6] =	sst s1  }
0xa: {  	[smem:$0x3FA7] =	sst s2  }
0xb: {  	[smem:$0x3FA8] =	sst s3  }
0xc: {  	[smem:$0x3FA9] =	sst s4  }
0xd: {  	[smem:$0x3FAA] =	sst s5  }
0xe: {  	[smem:$0x3FAB] =	sst s6  }
0xf: {  	[smem:$0x3FAC] =	sst s7  }
0x10: {  	[smem:$0x3FAD] =	sst s8  }
0x11: {  	[smem:$0x3FAE] =	sst s9;
	s0 =	simm.s32 @!p0 $0x0  }
0x12: {  	s1 =	sld [smem:$0x3F94];
	s0 =	simm.s32 @p0 $0x1  }
0x13: {  	[smem:$0x3FAF] =	sst s0;
	s0 =	simm.s32 @!p1 $0x0  }
0x14: {  	s2 =	sld [smem:$0x3F93];
	s0 =	simm.s32 @p1 $0x1  }
0x15: {  	[smem:$0x3FB0] =	sst s0;
	s0 =	simm.s32 @!p2 $0x0  }
0x16: {  	s3 =	sld [smem:$0x3FDB];
	s0 =	simm.s32 @p2 $0x1  }
0x17: {  	s4 =	simm.s32 $0x1BF5;
	[smem:$0x3FB2] =	sst s0  }
0x18: {  	s0 =	sld [smem:$0x3F95];
	_ =	swait.ge [sflag:s4], $0x0  }
0x19: {  	s7 =	sld [smem:$0x3F96]  }
0x1a: {  	s8 =	sadd.s32 $0xFFFFE003, lr  }
0x1b: {  	s9 =	sadd.s32 $0xFFFFFEF7, lr;
	s5 =	simm.s32 $0xFFFFFFFF;
	p2 =	slt.u32 s8, $0xFFFFF086  }
0x1c: {  	p1 =	slt.u32 s9, $0xF7A;
	s5 =	simm.s32 @!p2 $0x0  }
0x1d: {  	s5 =	simm.s32 @p1 $0x1;
	p0 =	seq.s32 s7, s2  }
0x1e: {  	s7 =	smul.u32 @!p0 $0xF7A, s2;
	p2 =	seq.s32 @!p0 s5, $0x0  }
0x1f: {  	s9 =	smul.u32 $0xF7A, s1;
	s8 =	simm.s32 @!p0 $0x1BF5;
	p2 =	por !p2, p0  }
0x20: {  	[sflag:s8] =	ssyncset.s32 @!p0 $0xFFFFF086;
	s6 =	sadd.s32 @!p0 s3, s7;
	s7 =	simm.s32 @!p0 $0x108  }
0x21: {  	s3 =	sadd.s32 s3, s9;
	s6 =	sadd.s32 @!p0 $0x88, s6;
	s7 =	simm.s32 @p2 $0x1082  }
0x22: {  	[simem:s7], [sflag:s8] =	dma.local @!p0 [hbm:s6], $0xF7A  }
0x23: {  	s9 =	sor.u32 $0xD0000000, s2;
	s6 =	simm.s32 $0x108;
	_ =	swait.ge @!p0 [sflag:s8], $0x0  }
0x24: {  	s3 =	sadd.s32 $0x88, s3;
	s6 =	simm.s32 @!p1 $0x1082;
	[sflag:s4] =	ssyncset.s32 $0xFFFFF086  }
0x25: {  	[simem:s6], [sflag:s4] =	dma.local [hbm:s3], $0xF7A  }
0x26: {  	[smem:$0x3F96] =	sst s1;
	(tag) =	ssettag s2;
	_ =	strace s9  }
0x27: {  	s1 =	sld [smem:$0x3FA6]  }
0x28: {  	s2 =	sld [smem:$0x3FA7]  }
0x29: {  	s4 =	sld [smem:$0x3FA9]  }
0x2a: {  	p0 =	seq.s32 s5, $0x0;
	s5 =	sld [smem:$0x3FAA]  }
0x2b: {  	s6 =	sld [smem:$0x3FAB]  }
0x2c: {  	s7 =	sld [smem:$0x3FAC]  }
0x2d: {  	s3 =	simm.s32 $0x108;
	s8 =	sld [smem:$0x3FAD]  }
0x2e: {  	s3 =	simm.s32 @!p0 $0x1082;
	s9 =	sld [smem:$0x3FAE]  }
0x2f: {  	lr =	sadd.s32 s0, s3;
	s0 =	sld [smem:$0x3FA5]  }
0x30: {  	s3 =	sld [smem:$0x3FA8]  }
0x31: {  	[smem:$0x3FB1] =	sst s10  }
0x32: {  	s10 =	sld [smem:$0x3FAF];
	_ =	sdelay $0x3  }
0x33: {  	p0 =	seq.s32 s10, $0x1;
	s10 =	sld [smem:$0x3FB1];
	_ =	sdelay $0x3  }
0x34: {  	[smem:$0x3FB1] =	sst s10  }
0x35: {  	s10 =	sld [smem:$0x3FB0];
	_ =	sdelay $0x3  }
0x36: {  	p1 =	seq.s32 s10, $0x1;
	s10 =	sld [smem:$0x3FB1];
	_ =	sdelay $0x3  }
0x37: {  	[smem:$0x3FB1] =	sst s10  }
0x38: {  	s10 =	sld [smem:$0x3FB2]  }
0x39: {  	_ = 	snop;
	(pc) =	sbr.ind lr, $3  }
0x3a: {  	_ = 	snop  }
0x3b: {  	_ = 	snop  }
0x3c: {  	p2 =	seq.s32 s10, $0x1;
	s10 =	sld [smem:$0x3FB1]  }
0x3d: {  	_ =	shalt  }
0x3e: {  	_ =	shalt  }
0x3f: {  	_ =	shalt  }
0x40: {  	_ =	shalt  }
0x41: {  	_ =	shalt  }
0x42: {  	_ =	shalt  }
0x43: {  	_ =	shalt  }
0x44: {  	_ =	shalt  }
0x45: {  	_ =	shalt  }
0x46: {  	_ =	shalt  }
0x47: {  	_ =	shalt  }
0x48: {  	_ =	shalt  }
0x49: {  	_ =	shalt  }
0x4a: {  	_ =	shalt  }
0x4b: {  	_ =	shalt  }
0x4c: {  	_ =	shalt  }
0x4d: {  	_ =	shalt  }
0x4e: {  	_ =	shalt  }
0x4f: {  	_ =	shalt  }
0x50: {  	_ =	shalt  }
0x51: {  	_ =	shalt  }
0x52: {  	_ =	shalt  }
0x53: {  	_ =	shalt  }
0x54: {  	_ =	shalt  }
0x55: {  	_ =	shalt  }
0x56: {  	_ =	shalt  }
0x57: {  	_ =	shalt  }
0x58: {  	_ =	shalt  }
0x59: {  	_ =	shalt  }
0x5a: {  	_ =	shalt  }
0x5b: {  	_ =	shalt  }
0x5c: {  	_ =	shalt  }
0x5d: {  	_ =	shalt  }
0x5e: {  	_ =	shalt  }
0x5f: {  	_ =	shalt  }
0x60: {  	_ =	shalt  }
0x61: {  	_ =	shalt  }
0x62: {  	_ =	shalt  }
0x63: {  	_ =	shalt  }
0x64: {  	_ =	shalt  }
0x65: {  	_ =	shalt  }
0x66: {  	_ =	shalt  }
0x67: {  	_ =	shalt  }
0x68: {  	_ =	shalt  }
0x69: {  	_ =	shalt  }
0x6a: {  	_ =	shalt  }
0x6b: {  	_ =	shalt  }
0x6c: {  	_ =	shalt  }
0x6d: {  	_ =	shalt  }
0x6e: {  	_ =	shalt  }
0x6f: {  	_ =	shalt  }
0x70: {  	_ =	shalt  }
0x71: {  	_ =	shalt  }
0x72: {  	_ =	shalt  }
0x73: {  	_ =	shalt  }
0x74: {  	_ =	shalt  }
0x75: {  	_ =	shalt  }
0x76: {  	_ =	shalt  }
0x77: {  	_ =	shalt  }
0x78: {  	_ =	shalt  }
0x79: {  	_ =	shalt  }
0x7a: {  	_ =	shalt  }
0x7b: {  	_ =	shalt  }
0x7c: {  	_ =	shalt  }
0x7d: {  	_ =	shalt  }
0x7e: {  	_ =	shalt  }
0x7f: {  	_ =	shalt  }
0x80: {  	_ =	shalt  }
0x81: {  	_ =	shalt  }
0x82: {  	_ =	shalt  }
0x83: {  	_ =	shalt  }
0x84: {  	_ =	shalt  }
0x85: {  	_ =	shalt  }
0x86: {  	_ =	shalt  }
0x87: {  	_ =	shalt  }
.Lfunc_end0:
.L_simem_size_0:
called_computation_lowered:
.L_overlay_start_0:
0x88: {  	s2 =	sld [smem:$0x3FD9]  }
0x89: {  	s3 =	sld [smem:$0x3FFE];
	_ =	sdelay $0x1  }
0x8a: {  	s1 =	srdreg.scid  }
0x8b: {  	s0 =	sand.u32 $0x1, s1  }
0x8c: {  	s17 =	sshll.u32 s0, $0xA;
	s2 =	sadd.s32 s3, s2  }
0x8d: {  	s2 =	sadd.s32 s2, s17  }
0x8e: {  	[smem:$0x3FBD] =	sst s2  }
0x8f: {  	_ = 	snop  }
0x90: {  	s2 =	sld [smem:$0x3FD0];
	(tm) =	ssettm $0x1  }
0x91: {  	s18 =	sld [smem:$0x3FFB];
	_ =	sdelay $0x3  }
0x92: {  	_ =	strace s18  }
0x93: {  	s3 =	sld [smem:$0x3FFC];
	_ =	sdelay $0x3  }
0x94: {  	_ =	strace s3  }
0x95: {  	s3 =	sld [smem:$0x3FFD];
	_ =	sdelay $0x3  }
0x96: {  	_ =	strace s3  }
0x97: {  	_ =	strace $0x8FFFFFFF  }
0x98: {  	s19 =	sld [smem:$0x3FDB];
	_ =	sdelay $0x1  }
0x99: {  	s4 =	simm.s32 $_scs_section_size  }
0x9a: {  	s5 =	simm.s32 $_size__tile_overlayer_lowered;
	s6 =	simm.s32 $_tile_overlayer_lowered  }
0x9b: {  	s22 =	simm.s32 $0x1BFF;
	s21 =	sshll.u32 s6, $0x1;
	s3 =	sadd.s32 s4, s19  }
0x9c: {  	s7 =	simm.s32 $0x0;
	s20 =	sshll.u32 s5, $0x1;
	s5 =	sadd.s32 s21, s3  }
0x9d: {  	[timem:s7], [sflag:s22] =	dma.local [hbm:s5], s20  }
0x9e: {  	_ =	swait.ge [sflag:s22], s20  }
0x9f: {  	s4 =	ssub.s32 $0x0, s20;
	[sflag:s22] =	ssyncset.done $0x0  }
0xa0: {  	[sflag:s22] =	ssyncadd.s32 s4;
	_ =	sdelay $0x1  }
0xa1: {  	s23 =	simm.s32 $0x1B8B  }
0xa2: {  	_ =	swait.ge [sflag:s23], $0x1  }
0xa3: {  	[sflag:s23] =	ssyncset.done $0x0  }
0xa4: {  	s25 =	simm.s32 $0x1B8E;
	s24 =	sld [smem:$0x3FFE];
	[sflag:s23] =	ssyncadd.s32 $0xFFFFFFFF  }
0xa5: {  	s26 =	simm.s32 $execute0_lowered;
	[smem:$0x3FD2] =	sst s25  }
0xa6: {  	s5 =	sshll.u32 s26, $0x1;
	_ =	strace $0x80000046;
	[dreg:$0x1] =	wrdreg $0xFFFFFFFF  }
0xa7: {  	s28 =	simm.s32 $_size_execute0_lowered;
	s3 =	sadd.s32 s3, s5;
	[dreg:$0x0] =	wrdreg $0x0  }
0xa8: {  	s5 =	sshll.u32 s28, $0x1;
	[dreg:$0x2] =	wrdreg s3  }
0xa9: {  	[dreg:$0x3] =	wrdreg s5  }
0xaa: {  	[dreg:$0x4] =	wrdreg $0xC0  }
0xab: {  	_ =	task [dreg:s7], $0x5FFFF  }
0xac: {  	[dreg:$0x1] =	wrdreg $0xFFFFFFFF  }
0xad: {  	[dreg:$0x0] =	wrdreg $0x60  }
0xae: {  	[dreg:$0x2] =	wrdreg s24  }
0xaf: {  	[dreg:$0x3] =	wrdreg s2  }
0xb0: {  	[dreg:$0x4] =	wrdreg $0xA8000  }
0xb1: {  	[dreg:$0x5] =	wrdreg $0x9  }
0xb2: {  	_ =	task.clear_ibuf [dreg:s7], $0x6FFFF;
	_ =	strace $0x90000046  }
0xb3: {  	s29 =	simm.s32 $0x9;
	_ =	strace $0x80000048  }
0xb4: {  	_ =	swait.ge [sflag:s29], $0x1  }
0xb5: {  	[sflag:s29] =	ssyncadd.s32 $0xFFFFFFFF  }
0xb6: {  	_ =	strace $0x90000048  }
0xb7: {  	_ =	sfence  }
0xb8: {  	s30 =	sld [smem:$0x0];
	_ =	sdelay $0x2  }
0xb9: {  	s31 =	sshll.u32 s1, $0xD;
	s1 =	sshrl.u32 s1, $0x2  }
0xba: {  	s3 =	sand.u32 $0x4000, s31;
	s1 =	sadd.s32 s1, s30  }
0xbb: {  	s0 =	sor.u32 s3, s0;
	s1 =	sshll.u32 s1, $0x11  }
0xbc: {  	s0 =	sor.u32 s1, s0  }
0xbd: {  	s0 =	sadd.s32 $0x8F2B, s0  }
0xbe: {  	[sflag:s0] =	ssyncadd.remote.s32 $0x1  }
0xbf: {  	_ =	sfence.sel $0xFFFF  }
0xc0: {  	[dreg:$0x0] =	wrdreg $0xFFFFFFFF;
	(pc) =	sbr.abs _section_cstart, $3  }
0xc1: {  	[dreg:$0x1] =	wrdreg $0xFFFFFFFF  }
0xc2: {  	_ =	task.clear_ibuf [dreg:s7], $0x2FFFF;
	_ =	strace $0x9FFFFFFF  }
0xc3: {  	(tm) =	ssettm $0x7FFFFFFF  }
tec
execute0_lowered:
.L_overlay_start_1:
0x0: {  	(tag) =	ssettag $0x1  }
0x1: {  	s0 =	rddreg [dreg:$0x0]  }
0x2: {  	s8 =	rddreg [dreg:$0x1]  }
0x3: {  	s2 =	rddreg [dreg:$0x2]  }
0x4: {  	s3 =	simm.s32 $0x0;
	s1 =	srdreg.scid;
	s9 =	stileid.u32  }
0x5: {  	s17 =	simm.s32 $0x1480;
	s18 =	simm.s32 $0x1500;
	s20 =	simm.s32 $0x1580  }
0x6: {  	s21 =	simm.s32 $0x1600;
	s22 =	simm.s32 $0x1680;
	s25 =	simm.s32 $0x1700  }
0x7: {  	s26 =	simm.s32 $0x1780;
	[smem:$0x7FF] =	sst s3;
	s7 =	sadd.s32 $0x3E200, s0  }
0x8: {  	s13 =	sadd.s32 $0x40A00, s0;
	_ =	strace $0x80000047;
	[dreg:$0x18] =	wrdreg s7  }
0x9: {  	s10 =	simm.s32 $0x1980;
	s29 =	simm.s32 $0x1E00;
	[dreg:$0x19] =	wrdreg s13  }
0xa: {  	s30 =	simm.s32 $0x1E80;
	s31 =	simm.s32 $0x1F00;
	[dreg:$0x5] =	wrdreg s17  }
0xb: {  	s1 =	sand.u32 $0x1, s1;
	s4 =	smul.u32 $0x280, s9;
	[dreg:$0x6] =	wrdreg s18  }
0xc: {  	s5 =	sadd.s32 $0x2200, s0;
	s12 =	smul.u32 $0x5000, s9;
	[dreg:$0x7] =	wrdreg s20  }
0xd: {  	s28 =	sadd.s32 $0x2A200, s0;
	s16 =	smul.u32 $0x50000, s9;
	[dreg:$0x8] =	wrdreg s21  }
0xe: {  	s19 =	sshll.u32 s9, $0x6;
	s11 =	smul.u32 $0x2800, s1;
	[dreg:$0x9] =	wrdreg s22  }
0xf: {  	s6 =	smul.u32 $0x50000, s1;
	s14 =	ssub.s32 $0x2, s1;
	[dreg:$0xa] =	wrdreg s25  }
0x10: {  	s1 =	sshll.u32 s1, $0x4;
	s24 =	sor.u32 $0x1C03, s19;
	[dreg:$0xb] =	wrdreg s26  }
0x11: {  	s7 =	simm.s32 $0x1800;
	s17 =	simm.s32 $0x80;
	[dreg:$0xf] =	wrdreg s10  }
0x12: {  	s18 =	simm.s32 $0x2800;
	s19 =	simm.s32 $0x6800;
	[dreg:$0x17] =	wrdreg s28  }
0x13: {  	s13 =	simm.s32 $0x1B00;
	s20 =	simm.s32 $0x1;
	[dreg:$0xc] =	wrdreg s7  }
0x14: {  	s21 =	simm.s32 $0x2;
	s22 =	simm.s32 $0x1C00;
	[dreg:$0x12] =	wrdreg s13  }
0x15: {  	s26 =	simm.s32 $0x1D00;
	s10 =	simm.s32 $0x2500;
	[dreg:$0x14] =	wrdreg s22  }
0x16: {  	s15 =	sshrl.u32 s14, $0x1;
	s1 =	sor.u32 s9, s1;
	[dreg:$0x16] =	wrdreg s26  }
0x17: {  	s9 =	simm.s32 $0x1900;
	[dreg:$0x1a] =	wrdreg s24;
	s13 =	simm.s32 $0x2200  }
0x18: {  	s7 =	simm.s32 $0x2280;
	s22 =	simm.s32 $0x2580;
	s3 =	sadd.s32 s4, s11  }
0x19: {  	s4 =	sadd.s32 s12, s6;
	s6 =	sshrl.u32 s16, $0x2;
	s1 =	smul.u32 $0x5000, s1  }
0x1a: {  	s16 =	simm.s32 $0x1400;
	[dreg:$0xe] =	wrdreg s9;
	s11 =	simm.s32 $0x1A00  }
0x1b: {  	s12 =	simm.s32 $0x1A80;
	s9 =	simm.s32 $0x2300;
	s3 =	sshll.u32 s3, $0x4  }
0x1c: {  	s4 =	sshrl.u32 s4, $0x3;
	s6 =	sadd.s32 s6, s2;
	[dreg:$0x10] =	wrdreg s11  }
0x1d: {  	[dreg:$0x11] =	wrdreg s12;
	s11 =	simm.s32 $0x2100;
	s12 =	simm.s32 $0x2180  }
0x1e: {  	s0 =	sadd.s32 s3, s0;
	s4 =	sadd.s32 s4, s8;
	[dreg:$0x1b] =	wrdreg s1  }
0x1f: {  	s3 =	ssub.s32 s14, s15;
	s8 =	simm.s32 $0x1880;
	[dreg:$0x4] =	wrdreg s4  }
0x20: {  	s25 =	sshrl.u32 s6, $0x3;
	s14 =	simm.s32 $0x1B80;
	[dreg:$0xd] =	wrdreg s8  }
0x21: {  	s15 =	simm.s32 $0x3;
	s1 =	simm.s32 $0x2700;
	[dreg:$0x13] =	wrdreg s14  }
0x22: {  	s6 =	simm.s32 $0x2480;
	s23 =	sadd.s32 $0x41200, s0;
	[dreg:$0x1f] =	wrdreg s25  }
0x23: {  	s0 =	sadd.s32 $0x91200, s0;
	s4 =	smax.u32 s3, $0x1;
	[dreg:$0x1c] =	wrdreg s23  }
0x24: {  	s3 =	simm.s32 $0x2780;
	s8 =	simm.s32 $0x2080;
	[dreg:$0x1d] =	wrdreg s0  }
0x25: {  	s14 =	simm.s32 $0x2380;
	[dreg:$0x1e] =	wrdreg s4;
	s23 =	simm.s32 $0x1C80  }
0x26: {  	s0 =	simm.s32 $0x0;
	[dreg:$0x15] =	wrdreg s23;
	s23 =	simm.s32 $0x2600  }
.LBB2_1:
0x27: {  	s4 =	rddreg [dreg:$0x18]  }
0x28: {  	[spmem:s25], [sflag:s24] =	dma.local [hbm:s4], $0x2800  }
0x29: {  	_ =	swait.ge [sflag:s15], $0x2800  }
0x2a: {  	[sflag:s15] =	ssyncset.done $0x0  }
0x2b: {  	[sflag:s15] =	ssyncadd.s32 $0xFFFFD800  }
0x2c: {  	s4 =	simm.s32 $0x0;
	[bflag:$0x0] =	sbarrier.arrive $0xFFFF  }
.LBB2_2:
0x2d: {  	s24 =	smul.u32 $0x1400, s4  }
0x2e: {  	s25 =	rddreg [dreg:$0x1b]  }
0x2f: {  	s24 =	sadd.s32 s25, s24  }
0x30: {  	s24 =	sshrl.u32 s24, $0x3  }
0x31: {  	s26 =	simm.s32 $0x0;
	s25 =	sadd.s32 s28, s24  }
0x32: {  	[tilespmem:s26], [sflag:$0x3] =	stream.linear.gather [hbm4b:s25+s26], $0x1400, $0x38;
	[tilespmem:$0x1E800] =	vst v63  }
0x33: {  	_ =	swait.ge [sflag:s15], $0x1400  }
0x34: {  	[sflag:s15] =	ssyncset.done $0x0  }
0x35: {  	[sflag:s15] =	ssyncadd.s32 $0xFFFFEC00  }
0x36: {  	s25 =	rddreg [dreg:$0x1]  }
0x37: {  	s24 =	sadd.s32 s25, s24  }
0x38: {  	[tilespmem:s16], [sflag:$0x3] =	stream.linear.gather [hbm4b:s24+s26], $0x1400, $0x38;
	[tilespmem:$0x1E800] =	vst v63  }
0x39: {  	_ =	swait.ge [sflag:s15], $0x1400  }
0x3a: {  	[sflag:s15] =	ssyncset.done $0x0  }
0x3b: {  	[sflag:s15] =	ssyncadd.s32 $0xFFFFEC00  }
0x3c: {  	[tilespmem:s18], [sflag:$0x1] =	stream.indirect.gather [hbm4b:s5+s17], $0x80, s26, s17, $0xb8;
	[tilespmem:$0x1E800] =	vst v63  }
0x3d: {  	_ = 	snop  }
0x3e: {  	[tilespmem:s19], [sflag:$0x2] =	stream.indirect.gather [hbm4b:s5+s17], $0x80, s17, s17, $0xb8;
	[tilespmem:$0x1E800] =	vst v63  }
0x3f: {  	_ =	swait.ge [sflag:s20], $0x4000  }
0x40: {  	[sflag:s20] =	ssyncset.done $0x0  }
0x41: {  	s26 =	simm.s32 $0x1400;
	[sflag:s20] =	ssyncadd.s32 $0xFFFFC000  }
0x42: {  	[spmem:s2] =	stream.indirect.scatter.add.f32 [tilespmem:s18], [sflag:$0x3], $0x80, s26, s17, $0xb8;
	[tilespmem:$0x1E800] =	vst v63  }
0x43: {  	_ =	swait.ge [sflag:s15], $0x4000  }
0x44: {  	[sflag:s15] =	ssyncset.done $0x0  }
0x45: {  	s25 =	simm.s32 $0x100;
	[sflag:s15] =	ssyncadd.s32 $0xFFFFC000  }
0x46: {  	[tilespmem:s18], [sflag:$0x1] =	stream.indirect.gather [hbm4b:s5+s17], $0x80, s25, s17, $0xb8;
	[tilespmem:$0x1E800] =	vst v63  }
0x47: {  	_ =	swait.ge [sflag:s21], $0x4000  }
0x48: {  	[sflag:s21] =	ssyncset.done $0x0  }
0x49: {  	s26 =	simm.s32 $0x1480;
	[sflag:s21] =	ssyncadd.s32 $0xFFFFC000  }
0x4a: {  	[spmem:s2] =	stream.indirect.scatter.add.f32 [tilespmem:s19], [sflag:$0x3], $0x80, s26, s17, $0xb8;
	[tilespmem:$0x1E800] =	vst v63  }
0x4b: {  	_ =	swait.ge [sflag:s15], $0x4000  }
0x4c: {  	[sflag:s15] =	ssyncset.done $0x0  }
0x4d: {  	s24 =	simm.s32 $0x400;
	s25 =	simm.s32 $0x180;
	[sflag:s15] =	ssyncadd.s32 $0xFFFFC000  }
.LBB2_3:
0x4e: {  	[tilespmem:s19], [sflag:$0x2] =	stream.indirect.gather [hbm4b:s5+s17], $0x80, s25, s17, $0xb8;
	[tilespmem:$0x1E800] =	vst v63  }
0x4f: {  	s25 =	smov.u32 s24  }
0x50: {  	p0 =	sne.s32 s24, $0x4800;
	s24 =	sadd.s32 $0x400, s24;
	_ =	swait.ge [sflag:s20], $0x4000  }
0x51: {  	s25 =	sshra.s32 s25, $0x2;
	[sflag:s20] =	ssyncset.done $0x0  }
0x52: {  	s26 =	sadd.s32 $0x1400, s25;
	[sflag:s20] =	ssyncadd.s32 $0xFFFFC000  }
0x53: {  	[spmem:s2] =	stream.indirect.scatter.add.f32 [tilespmem:s18], [sflag:$0x3], $0x80, s26, s17, $0xb8;
	[tilespmem:$0x1E800] =	vst v63  }
0x54: {  	_ =	swait.ge [sflag:s15], $0x4000  }
0x55: {  	[sflag:s15] =	ssyncset.done $0x0  }
0x56: {  	s26 =	sadd.s32 $0x100, s25;
	[sflag:s15] =	ssyncadd.s32 $0xFFFFC000  }
0x57: {  	[tilespmem:s18], [sflag:$0x1] =	stream.indirect.gather [hbm4b:s5+s17], $0x80, s26, s17, $0xb8;
	[tilespmem:$0x1E800] =	vst v63  }
0x58: {  	_ =	swait.ge [sflag:s21], $0x4000  }
0x59: {  	[sflag:s21] =	ssyncset.done $0x0  }
.Ltmp0:
0x5a: {  	s26 =	sadd.s32 $0x1480, s25;
	[sflag:s21] =	ssyncadd.s32 $0xFFFFC000;
	(pc) =	sbr.rel @p0 .LBB2_3-.Ltmp0, $4  }
0x5b: {  	[spmem:s2] =	stream.indirect.scatter.add.f32 [tilespmem:s19], [sflag:$0x3], $0x80, s26, s17, $0xb8;
	[tilespmem:$0x1E800] =	vst v63  }
0x5c: {  	_ =	swait.ge [sflag:s15], $0x4000  }
0x5d: {  	[sflag:s15] =	ssyncset.done $0x0  }
0x5e: {  	s25 =	sadd.s32 $0x180, s25;
	[sflag:s15] =	ssyncadd.s32 $0xFFFFC000  }
0x5f: {  	[tilespmem:s19], [sflag:$0x2] =	stream.indirect.gather [hbm4b:s5+s17], $0x80, s25, s17, $0xb8;
	[tilespmem:$0x1E800] =	vst v63  }
0x60: {  	_ =	swait.ge [sflag:s20], $0x4000  }
0x61: {  	[sflag:s20] =	ssyncset.done $0x0  }
0x62: {  	[sflag:s20] =	ssyncadd.s32 $0xFFFFC000  }
0x63: {  	[spmem:s2] =	stream.indirect.scatter.add.f32 [tilespmem:s18], [sflag:$0x3], $0x80, s1, s17, $0xb8;
	[tilespmem:$0x1E800] =	vst v63  }
0x64: {  	_ =	swait.ge [sflag:s15], $0x4000  }
0x65: {  	[sflag:s15] =	ssyncset.done $0x0  }
0x66: {  	[sflag:s15] =	ssyncadd.s32 $0xFFFFC000  }
0x67: {  	s4 =	sadd.s32 $0x1, s4;
	_ =	swait.ge [sflag:s21], $0x4000  }
0x68: {  	p0 =	sne.s32 s4, $0x4;
	[sflag:s21] =	ssyncset.done $0x0  }
.Ltmp1:
0x69: {  	[sflag:s21] =	ssyncadd.s32 $0xFFFFC000;
	(pc) =	sbr.rel @p0 .LBB2_2-.Ltmp1, $4  }
0x6a: {  	[spmem:s2] =	stream.indirect.scatter.add.f32 [tilespmem:s19], [sflag:$0x3], $0x80, s3, s17, $0xb8;
	[tilespmem:$0x1E800] =	vst v63  }
0x6b: {  	_ =	swait.ge [sflag:s15], $0x4000  }
0x6c: {  	[sflag:s15] =	ssyncset.done $0x0  }
0x6d: {  	[sflag:s15] =	ssyncadd.s32 $0xFFFFC000  }
0x6e: {  	[smem:$0x7FD] =	sst s0  }
0x6f: {  	[bflag:$0x0] =	sbarrier.arrive $0xFFFF  }
0x70: {  	s24 =	rddreg [dreg:$0x1a]  }
0x71: {  	s4 =	rddreg [dreg:$0x1c]  }
0x72: {  	s25 =	rddreg [dreg:$0x1f]  }
0x73: {  	[hbm:s4], [sflag:s24] =	dma.local [spmem:s25], $0x2800  }
0x74: {  	_ =	swait.ge [sflag:s15], $0x2800  }
0x75: {  	[sflag:s15] =	ssyncset.done $0x0  }
0x76: {  	[sflag:s15] =	ssyncadd.s32 $0xFFFFD800  }
0x77: {  	[bflag:$0x0] =	sbarrier.arrive $0xFFFF  }
0x78: {  	s3 =	rddreg [dreg:$0x18]  }
0x79: {  	[spmem:s25], [sflag:s24] =	dma.local [hbm:s3], $0x2800  }
0x7a: {  	_ =	swait.ge [sflag:s15], $0x2800  }
0x7b: {  	[sflag:s15] =	ssyncset.done $0x0  }
0x7c: {  	[sflag:s15] =	ssyncadd.s32 $0xFFFFD800  }
0x7d: {  	[bflag:$0x0] =	sbarrier.arrive $0xFFFF  }
0x7e: {  	s24 =	simm.s32 $0x0;
	s25 =	rddreg [dreg:$0x19]  }
0x7f: {  	[tilespmem:s18], [sflag:$0x3] =	stream.linear.gather [hbm4b:s25+s24], $0x4000, $0x38;
	[tilespmem:$0x1E800] =	vst v63  }
0x80: {  	_ =	swait.ge [sflag:s15], $0x4000  }
0x81: {  	s26 =	rddreg [dreg:$0x4];
	[sflag:s15] =	ssyncset.done $0x0  }
0x82: {  	s28 =	simm.s32 $0x0;
	[sflag:s15] =	ssyncadd.s32 $0xFFFFC000;
	s4 =	sadd.s32 $0x0, s26  }
0x83: {  	[tilespmem:s16], [sflag:$0x3] =	stream.linear.gather [hbm4b:s4+s28], $0x1400, $0x38;
	[tilespmem:$0x1E800] =	vst v63  }
0x84: {  	_ =	swait.ge [sflag:s15], $0x1400  }
0x85: {  	[sflag:s15] =	ssyncset.done $0x0  }
0x86: {  	[sflag:s15] =	ssyncadd.s32 $0xFFFFEC00  }
0x87: {  	[spmem:s2] =	stream.indirect.scatter.add.f32 [tilespmem:s18], [sflag:$0x1], $0x80, s16, s17, $0xb8;
	[tilespmem:$0x1E800] =	vst v63  }
0x88: {  	s0 =	rddreg [dreg:$0x5]  }
0x89: {  	[spmem:s2] =	stream.indirect.scatter.add.f32 [tilespmem:s18], [sflag:$0x1], $0x80, s0, s17, $0xb8;
	[tilespmem:$0x1E800] =	vst v63  }
0x8a: {  	s1 =	rddreg [dreg:$0x6]  }
0x8b: {  	[spmem:s2] =	stream.indirect.scatter.add.f32 [tilespmem:s18], [sflag:$0x1], $0x80, s1, s17, $0xb8;
	[tilespmem:$0x1E800] =	vst v63  }
0x8c: {  	s3 =	rddreg [dreg:$0x7]  }
0x8d: {  	[spmem:s2] =	stream.indirect.scatter.add.f32 [tilespmem:s18], [sflag:$0x1], $0x80, s3, s17, $0xb8;
	[tilespmem:$0x1E800] =	vst v63  }
0x8e: {  	s25 =	rddreg [dreg:$0x8]  }
0x8f: {  	[spmem:s2] =	stream.indirect.scatter.add.f32 [tilespmem:s18], [sflag:$0x1], $0x80, s25, s17, $0xb8;
	[tilespmem:$0x1E800] =	vst v63  }
0x90: {  	s26 =	rddreg [dreg:$0x9]  }
0x91: {  	[spmem:s2] =	stream.indirect.scatter.add.f32 [tilespmem:s18], [sflag:$0x1], $0x80, s26, s17, $0xb8;
	[tilespmem:$0x1E800] =	vst v63  }
0x92: {  	s0 =	rddreg [dreg:$0xa]  }
0x93: {  	[spmem:s2] =	stream.indirect.scatter.add.f32 [tilespmem:s18], [sflag:$0x1], $0x80, s0, s17, $0xb8;
	[tilespmem:$0x1E800] =	vst v63  }
0x94: {  	s1 =	rddreg [dreg:$0xb]  }
0x95: {  	[spmem:s2] =	stream.indirect.scatter.add.f32 [tilespmem:s18], [sflag:$0x1], $0x80, s1, s17, $0xb8;
	[tilespmem:$0x1E800] =	vst v63  }
0x96: {  	s3 =	rddreg [dreg:$0xc]  }
0x97: {  	[spmem:s2] =	stream.indirect.scatter.add.f32 [tilespmem:s18], [sflag:$0x1], $0x80, s3, s17, $0xb8;
	[tilespmem:$0x1E800] =	vst v63  }
0x98: {  	s25 =	rddreg [dreg:$0xd]  }
0x99: {  	[spmem:s2] =	stream.indirect.scatter.add.f32 [tilespmem:s18], [sflag:$0x1], $0x80, s25, s17, $0xb8;
	[tilespmem:$0x1E800] =	vst v63  }
0x9a: {  	s26 =	rddreg [dreg:$0xe]  }
0x9b: {  	[spmem:s2] =	stream.indirect.scatter.add.f32 [tilespmem:s18], [sflag:$0x1], $0x80, s26, s17, $0xb8;
	[tilespmem:$0x1E800] =	vst v63  }
0x9c: {  	s0 =	rddreg [dreg:$0xf]  }
0x9d: {  	[spmem:s2] =	stream.indirect.scatter.add.f32 [tilespmem:s18], [sflag:$0x1], $0x80, s0, s17, $0xb8;
	[tilespmem:$0x1E800] =	vst v63  }
0x9e: {  	s1 =	rddreg [dreg:$0x10]  }
0x9f: {  	[spmem:s2] =	stream.indirect.scatter.add.f32 [tilespmem:s18], [sflag:$0x1], $0x80, s1, s17, $0xb8;
	[tilespmem:$0x1E800] =	vst v63  }
0xa0: {  	s3 =	rddreg [dreg:$0x11]  }
0xa1: {  	[spmem:s2] =	stream.indirect.scatter.add.f32 [tilespmem:s18], [sflag:$0x1], $0x80, s3, s17, $0xb8;
	[tilespmem:$0x1E800] =	vst v63  }
0xa2: {  	s25 =	rddreg [dreg:$0x12]  }
0xa3: {  	[spmem:s2] =	stream.indirect.scatter.add.f32 [tilespmem:s18], [sflag:$0x1], $0x80, s25, s17, $0xb8;
	[tilespmem:$0x1E800] =	vst v63  }
0xa4: {  	s26 =	rddreg [dreg:$0x13]  }
0xa5: {  	[spmem:s2] =	stream.indirect.scatter.add.f32 [tilespmem:s18], [sflag:$0x1], $0x80, s26, s17, $0xb8;
	[tilespmem:$0x1E800] =	vst v63  }
0xa6: {  	s0 =	rddreg [dreg:$0x14]  }
0xa7: {  	[spmem:s2] =	stream.indirect.scatter.add.f32 [tilespmem:s18], [sflag:$0x1], $0x80, s0, s17, $0xb8;
	[tilespmem:$0x1E800] =	vst v63  }
0xa8: {  	s1 =	rddreg [dreg:$0x15]  }
0xa9: {  	[spmem:s2] =	stream.indirect.scatter.add.f32 [tilespmem:s18], [sflag:$0x1], $0x80, s1, s17, $0xb8;
	[tilespmem:$0x1E800] =	vst v63  }
0xaa: {  	s3 =	rddreg [dreg:$0x16]  }
0xab: {  	[spmem:s2] =	stream.indirect.scatter.add.f32 [tilespmem:s18], [sflag:$0x1], $0x80, s3, s17, $0xb8;
	[tilespmem:$0x1E800] =	vst v63  }
0xac: {  	s25 =	simm.s32 $0x1D80  }
0xad: {  	[spmem:s2] =	stream.indirect.scatter.add.f32 [tilespmem:s18], [sflag:$0x1], $0x80, s25, s17, $0xb8;
	[tilespmem:$0x1E800] =	vst v63  }
0xae: {  	_ = 	snop  }
0xaf: {  	[spmem:s2] =	stream.indirect.scatter.add.f32 [tilespmem:s18], [sflag:$0x1], $0x80, s29, s17, $0xb8;
	[tilespmem:$0x1E800] =	vst v63  }
0xb0: {  	_ = 	snop  }
0xb1: {  	[spmem:s2] =	stream.indirect.scatter.add.f32 [tilespmem:s18], [sflag:$0x1], $0x80, s30, s17, $0xb8;
	[tilespmem:$0x1E800] =	vst v63  }
0xb2: {  	_ = 	snop  }
0xb3: {  	[spmem:s2] =	stream.indirect.scatter.add.f32 [tilespmem:s18], [sflag:$0x1], $0x80, s31, s17, $0xb8;
	[tilespmem:$0x1E800] =	vst v63  }
0xb4: {  	s0 =	simm.s32 $0x1F80  }
0xb5: {  	[spmem:s2] =	stream.indirect.scatter.add.f32 [tilespmem:s18], [sflag:$0x1], $0x80, s0, s17, $0xb8;
	[tilespmem:$0x1E800] =	vst v63  }
0xb6: {  	s3 =	simm.s32 $0x2000  }
0xb7: {  	[spmem:s2] =	stream.indirect.scatter.add.f32 [tilespmem:s18], [sflag:$0x1], $0x80, s3, s17, $0xb8;
	[tilespmem:$0x1E800] =	vst v63  }
0xb8: {  	_ = 	snop  }
0xb9: {  	[spmem:s2] =	stream.indirect.scatter.add.f32 [tilespmem:s18], [sflag:$0x1], $0x80, s8, s17, $0xb8;
	[tilespmem:$0x1E800] =	vst v63  }
0xba: {  	_ = 	snop  }
0xbb: {  	[spmem:s2] =	stream.indirect.scatter.add.f32 [tilespmem:s18], [sflag:$0x1], $0x80, s11, s17, $0xb8;
	[tilespmem:$0x1E800] =	vst v63  }
0xbc: {  	_ = 	snop  }
0xbd: {  	[spmem:s2] =	stream.indirect.scatter.add.f32 [tilespmem:s18], [sflag:$0x1], $0x80, s12, s17, $0xb8;
	[tilespmem:$0x1E800] =	vst v63  }
0xbe: {  	_ = 	snop  }
0xbf: {  	[spmem:s2] =	stream.indirect.scatter.add.f32 [tilespmem:s18], [sflag:$0x1], $0x80, s13, s17, $0xb8;
	[tilespmem:$0x1E800] =	vst v63  }
0xc0: {  	_ = 	snop  }
0xc1: {  	[spmem:s2] =	stream.indirect.scatter.add.f32 [tilespmem:s18], [sflag:$0x1], $0x80, s7, s17, $0xb8;
	[tilespmem:$0x1E800] =	vst v63  }
0xc2: {  	_ = 	snop  }
0xc3: {  	[spmem:s2] =	stream.indirect.scatter.add.f32 [tilespmem:s18], [sflag:$0x1], $0x80, s9, s17, $0xb8;
	[tilespmem:$0x1E800] =	vst v63  }
0xc4: {  	_ = 	snop  }
0xc5: {  	[spmem:s2] =	stream.indirect.scatter.add.f32 [tilespmem:s18], [sflag:$0x1], $0x80, s14, s17, $0xb8;
	[tilespmem:$0x1E800] =	vst v63  }
0xc6: {  	s1 =	simm.s32 $0x2400  }
0xc7: {  	[spmem:s2] =	stream.indirect.scatter.add.f32 [tilespmem:s18], [sflag:$0x1], $0x80, s1, s17, $0xb8;
	[tilespmem:$0x1E800] =	vst v63  }
0xc8: {  	_ = 	snop  }
0xc9: {  	[spmem:s2] =	stream.indirect.scatter.add.f32 [tilespmem:s18], [sflag:$0x1], $0x80, s6, s17, $0xb8;
	[tilespmem:$0x1E800] =	vst v63  }
0xca: {  	_ = 	snop  }
0xcb: {  	[spmem:s2] =	stream.indirect.scatter.add.f32 [tilespmem:s18], [sflag:$0x1], $0x80, s10, s17, $0xb8;
	[tilespmem:$0x1E800] =	vst v63  }
0xcc: {  	_ = 	snop  }
0xcd: {  	[spmem:s2] =	stream.indirect.scatter.add.f32 [tilespmem:s18], [sflag:$0x1], $0x80, s22, s17, $0xb8;
	[tilespmem:$0x1E800] =	vst v63  }
0xce: {  	_ = 	snop  }
0xcf: {  	[spmem:s2] =	stream.indirect.scatter.add.f32 [tilespmem:s18], [sflag:$0x1], $0x80, s23, s17, $0xb8;
	[tilespmem:$0x1E800] =	vst v63  }
0xd0: {  	s26 =	simm.s32 $0x2680  }
0xd1: {  	[spmem:s2] =	stream.indirect.scatter.add.f32 [tilespmem:s18], [sflag:$0x1], $0x80, s26, s17, $0xb8;
	[tilespmem:$0x1E800] =	vst v63  }
0xd2: {  	s24 =	simm.s32 $0x2700  }
0xd3: {  	[spmem:s2] =	stream.indirect.scatter.add.f32 [tilespmem:s18], [sflag:$0x1], $0x80, s24, s17, $0xb8;
	[tilespmem:$0x1E800] =	vst v63  }
0xd4: {  	s4 =	simm.s32 $0x2780  }
0xd5: {  	[spmem:s2] =	stream.indirect.scatter.add.f32 [tilespmem:s18], [sflag:$0x1], $0x80, s4, s17, $0xb8;
	[tilespmem:$0x1E800] =	vst v63  }
0xd6: {  	_ =	swait.ge [sflag:s20], $0x4000  }
0xd7: {  	[sflag:s20] =	ssyncset.done $0x0  }
0xd8: {  	[sflag:s20] =	ssyncadd.s32 $0xFFFFC000  }
0xd9: {  	_ =	swait.ge [sflag:s20], $0x4000  }
0xda: {  	[sflag:s20] =	ssyncset.done $0x0  }
0xdb: {  	[sflag:s20] =	ssyncadd.s32 $0xFFFFC000  }
0xdc: {  	_ =	swait.ge [sflag:s20], $0x4000  }
0xdd: {  	[sflag:s20] =	ssyncset.done $0x0  }
0xde: {  	[sflag:s20] =	ssyncadd.s32 $0xFFFFC000  }
0xdf: {  	_ =	swait.ge [sflag:s20], $0x4000  }
0xe0: {  	[sflag:s20] =	ssyncset.done $0x0  }
0xe1: {  	[sflag:s20] =	ssyncadd.s32 $0xFFFFC000  }
0xe2: {  	_ =	swait.ge [sflag:s20], $0x4000  }
0xe3: {  	[sflag:s20] =	ssyncset.done $0x0  }
0xe4: {  	[sflag:s20] =	ssyncadd.s32 $0xFFFFC000  }
0xe5: {  	_ =	swait.ge [sflag:s20], $0x4000  }
0xe6: {  	[sflag:s20] =	ssyncset.done $0x0  }
0xe7: {  	[sflag:s20] =	ssyncadd.s32 $0xFFFFC000  }
0xe8: {  	_ =	swait.ge [sflag:s20], $0x4000  }
0xe9: {  	[sflag:s20] =	ssyncset.done $0x0  }
0xea: {  	[sflag:s20] =	ssyncadd.s32 $0xFFFFC000  }
0xeb: {  	_ =	swait.ge [sflag:s20], $0x4000  }
0xec: {  	[sflag:s20] =	ssyncset.done $0x0  }
0xed: {  	[sflag:s20] =	ssyncadd.s32 $0xFFFFC000  }
0xee: {  	_ =	swait.ge [sflag:s20], $0x4000  }
0xef: {  	[sflag:s20] =	ssyncset.done $0x0  }
0xf0: {  	[sflag:s20] =	ssyncadd.s32 $0xFFFFC000  }
0xf1: {  	_ =	swait.ge [sflag:s20], $0x4000  }
0xf2: {  	[sflag:s20] =	ssyncset.done $0x0  }
0xf3: {  	[sflag:s20] =	ssyncadd.s32 $0xFFFFC000  }
0xf4: {  	_ =	swait.ge [sflag:s20], $0x4000  }
0xf5: {  	[sflag:s20] =	ssyncset.done $0x0  }
0xf6: {  	[sflag:s20] =	ssyncadd.s32 $0xFFFFC000  }
0xf7: {  	_ =	swait.ge [sflag:s20], $0x4000  }
0xf8: {  	[sflag:s20] =	ssyncset.done $0x0  }
0xf9: {  	[sflag:s20] =	ssyncadd.s32 $0xFFFFC000  }
0xfa: {  	_ =	swait.ge [sflag:s20], $0x4000  }
0xfb: {  	[sflag:s20] =	ssyncset.done $0x0  }
0xfc: {  	[sflag:s20] =	ssyncadd.s32 $0xFFFFC000  }
0xfd: {  	_ =	swait.ge [sflag:s20], $0x4000  }
0xfe: {  	[sflag:s20] =	ssyncset.done $0x0  }
0xff: {  	[sflag:s20] =	ssyncadd.s32 $0xFFFFC000  }
0x100: {  	_ =	swait.ge [sflag:s20], $0x4000  }
0x101: {  	[sflag:s20] =	ssyncset.done $0x0  }
0x102: {  	[sflag:s20] =	ssyncadd.s32 $0xFFFFC000  }
0x103: {  	_ =	swait.ge [sflag:s20], $0x4000  }
0x104: {  	[sflag:s20] =	ssyncset.done $0x0  }
0x105: {  	[sflag:s20] =	ssyncadd.s32 $0xFFFFC000  }
0x106: {  	_ =	swait.ge [sflag:s20], $0x4000  }
0x107: {  	[sflag:s20] =	ssyncset.done $0x0  }
0x108: {  	[sflag:s20] =	ssyncadd.s32 $0xFFFFC000  }
0x109: {  	_ =	swait.ge [sflag:s20], $0x4000  }
0x10a: {  	[sflag:s20] =	ssyncset.done $0x0  }
0x10b: {  	[sflag:s20] =	ssyncadd.s32 $0xFFFFC000  }
0x10c: {  	_ =	swait.ge [sflag:s20], $0x4000  }
0x10d: {  	[sflag:s20] =	ssyncset.done $0x0  }
0x10e: {  	[sflag:s20] =	ssyncadd.s32 $0xFFFFC000  }
0x10f: {  	_ =	swait.ge [sflag:s20], $0x4000  }
0x110: {  	[sflag:s20] =	ssyncset.done $0x0  }
0x111: {  	[sflag:s20] =	ssyncadd.s32 $0xFFFFC000  }
0x112: {  	_ =	swait.ge [sflag:s20], $0x4000  }
0x113: {  	[sflag:s20] =	ssyncset.done $0x0  }
0x114: {  	[sflag:s20] =	ssyncadd.s32 $0xFFFFC000  }
0x115: {  	_ =	swait.ge [sflag:s20], $0x4000  }
0x116: {  	[sflag:s20] =	ssyncset.done $0x0  }
0x117: {  	[sflag:s20] =	ssyncadd.s32 $0xFFFFC000  }
0x118: {  	_ =	swait.ge [sflag:s20], $0x4000  }
0x119: {  	[sflag:s20] =	ssyncset.done $0x0  }
0x11a: {  	[sflag:s20] =	ssyncadd.s32 $0xFFFFC000  }
0x11b: {  	_ =	swait.ge [sflag:s20], $0x4000  }
0x11c: {  	[sflag:s20] =	ssyncset.done $0x0  }
0x11d: {  	[sflag:s20] =	ssyncadd.s32 $0xFFFFC000  }
0x11e: {  	_ =	swait.ge [sflag:s20], $0x4000  }
0x11f: {  	[sflag:s20] =	ssyncset.done $0x0  }
0x120: {  	[sflag:s20] =	ssyncadd.s32 $0xFFFFC000  }
0x121: {  	_ =	swait.ge [sflag:s20], $0x4000  }
0x122: {  	[sflag:s20] =	ssyncset.done $0x0  }
0x123: {  	[sflag:s20] =	ssyncadd.s32 $0xFFFFC000  }
0x124: {  	_ =	swait.ge [sflag:s20], $0x4000  }
0x125: {  	[sflag:s20] =	ssyncset.done $0x0  }
0x126: {  	[sflag:s20] =	ssyncadd.s32 $0xFFFFC000  }
0x127: {  	_ =	swait.ge [sflag:s20], $0x4000  }
0x128: {  	[sflag:s20] =	ssyncset.done $0x0  }
0x129: {  	[sflag:s20] =	ssyncadd.s32 $0xFFFFC000  }
0x12a: {  	_ =	swait.ge [sflag:s20], $0x4000  }
0x12b: {  	[sflag:s20] =	ssyncset.done $0x0  }
0x12c: {  	[sflag:s20] =	ssyncadd.s32 $0xFFFFC000  }
0x12d: {  	_ =	swait.ge [sflag:s20], $0x4000  }
0x12e: {  	[sflag:s20] =	ssyncset.done $0x0  }
0x12f: {  	[sflag:s20] =	ssyncadd.s32 $0xFFFFC000  }
0x130: {  	_ =	swait.ge [sflag:s20], $0x4000  }
0x131: {  	[sflag:s20] =	ssyncset.done $0x0  }
0x132: {  	[sflag:s20] =	ssyncadd.s32 $0xFFFFC000  }
0x133: {  	_ =	swait.ge [sflag:s20], $0x4000  }
0x134: {  	[sflag:s20] =	ssyncset.done $0x0  }
0x135: {  	[sflag:s20] =	ssyncadd.s32 $0xFFFFC000  }
0x136: {  	_ =	swait.ge [sflag:s20], $0x4000  }
0x137: {  	[sflag:s20] =	ssyncset.done $0x0  }
0x138: {  	[sflag:s20] =	ssyncadd.s32 $0xFFFFC000  }
0x139: {  	_ =	swait.ge [sflag:s20], $0x4000  }
0x13a: {  	[sflag:s20] =	ssyncset.done $0x0  }
0x13b: {  	[sflag:s20] =	ssyncadd.s32 $0xFFFFC000  }
0x13c: {  	_ =	swait.ge [sflag:s20], $0x4000  }
0x13d: {  	[sflag:s20] =	ssyncset.done $0x0  }
0x13e: {  	[sflag:s20] =	ssyncadd.s32 $0xFFFFC000  }
0x13f: {  	_ =	swait.ge [sflag:s20], $0x4000  }
0x140: {  	[sflag:s20] =	ssyncset.done $0x0  }
0x141: {  	[sflag:s20] =	ssyncadd.s32 $0xFFFFC000  }
0x142: {  	_ =	swait.ge [sflag:s20], $0x4000  }
0x143: {  	[sflag:s20] =	ssyncset.done $0x0  }
0x144: {  	[sflag:s20] =	ssyncadd.s32 $0xFFFFC000  }
0x145: {  	_ =	swait.ge [sflag:s20], $0x4000  }
0x146: {  	[sflag:s20] =	ssyncset.done $0x0  }
0x147: {  	[sflag:s20] =	ssyncadd.s32 $0xFFFFC000  }
0x148: {  	_ =	swait.ge [sflag:s20], $0x4000  }
0x149: {  	[sflag:s20] =	ssyncset.done $0x0  }
0x14a: {  	[sflag:s20] =	ssyncadd.s32 $0xFFFFC000  }
0x14b: {  	s24 =	simm.s32 $0x500;
	_ =	swait.ge [sflag:s20], $0x4000  }
0x14c: {  	s4 =	simm.s32 $0x280;
	s25 =	rddreg [dreg:$0x4];
	[sflag:s20] =	ssyncset.done $0x0  }
.LBB2_6:
0x14d: {  	[sflag:s20] =	ssyncadd.s32 $0xFFFFC000;
	s25 =	sadd.s32 s4, s25  }
0x14e: {  	[tilespmem:s16], [sflag:$0x3] =	stream.linear.gather [hbm4b:s25+s28], $0x1400, $0x38;
	[tilespmem:$0x1E800] =	vst v63  }
0x14f: {  	_ =	swait.ge [sflag:s15], $0x1400  }
0x150: {  	[sflag:s15] =	ssyncset.done $0x0  }
0x151: {  	[sflag:s15] =	ssyncadd.s32 $0xFFFFEC00  }
0x152: {  	[spmem:s2] =	stream.indirect.scatter.add.f32 [tilespmem:s18], [sflag:$0x1], $0x80, s16, s17, $0xb8;
	[tilespmem:$0x1E800] =	vst v63  }
0x153: {  	s26 =	smov.u32 s24;
	s25 =	rddreg [dreg:$0x5]  }
0x154: {  	[spmem:s2] =	stream.indirect.scatter.add.f32 [tilespmem:s18], [sflag:$0x1], $0x80, s25, s17, $0xb8;
	[tilespmem:$0x1E800] =	vst v63  }
0x155: {  	s4 =	smov.u32 s26;
	s26 =	rddreg [dreg:$0x6]  }
0x156: {  	[spmem:s2] =	stream.indirect.scatter.add.f32 [tilespmem:s18], [sflag:$0x1], $0x80, s26, s17, $0xb8;
	[tilespmem:$0x1E800] =	vst v63  }
0x157: {  	s25 =	rddreg [dreg:$0x7]  }
0x158: {  	[spmem:s2] =	stream.indirect.scatter.add.f32 [tilespmem:s18], [sflag:$0x1], $0x80, s25, s17, $0xb8;
	[tilespmem:$0x1E800] =	vst v63  }
0x159: {  	s26 =	rddreg [dreg:$0x8]  }
0x15a: {  	[spmem:s2] =	stream.indirect.scatter.add.f32 [tilespmem:s18], [sflag:$0x1], $0x80, s26, s17, $0xb8;
	[tilespmem:$0x1E800] =	vst v63  }
0x15b: {  	s25 =	rddreg [dreg:$0x9]  }
0x15c: {  	[spmem:s2] =	stream.indirect.scatter.add.f32 [tilespmem:s18], [sflag:$0x1], $0x80, s25, s17, $0xb8;
	[tilespmem:$0x1E800] =	vst v63  }
0x15d: {  	s26 =	rddreg [dreg:$0xa]  }
0x15e: {  	[spmem:s2] =	stream.indirect.scatter.add.f32 [tilespmem:s18], [sflag:$0x1], $0x80, s26, s17, $0xb8;
	[tilespmem:$0x1E800] =	vst v63  }
0x15f: {  	s25 =	rddreg [dreg:$0xb]  }
0x160: {  	[spmem:s2] =	stream.indirect.scatter.add.f32 [tilespmem:s18], [sflag:$0x1], $0x80, s25, s17, $0xb8;
	[tilespmem:$0x1E800] =	vst v63  }
0x161: {  	s26 =	rddreg [dreg:$0xc]  }
0x162: {  	[spmem:s2] =	stream.indirect.scatter.add.f32 [tilespmem:s18], [sflag:$0x1], $0x80, s26, s17, $0xb8;
	[tilespmem:$0x1E800] =	vst v63  }
0x163: {  	s25 =	rddreg [dreg:$0xd]  }
0x164: {  	[spmem:s2] =	stream.indirect.scatter.add.f32 [tilespmem:s18], [sflag:$0x1], $0x80, s25, s17, $0xb8;
	[tilespmem:$0x1E800] =	vst v63  }
0x165: {  	s26 =	rddreg [dreg:$0xe]  }
0x166: {  	[spmem:s2] =	stream.indirect.scatter.add.f32 [tilespmem:s18], [sflag:$0x1], $0x80, s26, s17, $0xb8;
	[tilespmem:$0x1E800] =	vst v63  }
0x167: {  	s25 =	rddreg [dreg:$0xf]  }
0x168: {  	[spmem:s2] =	stream.indirect.scatter.add.f32 [tilespmem:s18], [sflag:$0x1], $0x80, s25, s17, $0xb8;
	[tilespmem:$0x1E800] =	vst v63  }
0x169: {  	s26 =	rddreg [dreg:$0x10]  }
0x16a: {  	[spmem:s2] =	stream.indirect.scatter.add.f32 [tilespmem:s18], [sflag:$0x1], $0x80, s26, s17, $0xb8;
	[tilespmem:$0x1E800] =	vst v63  }
0x16b: {  	s25 =	rddreg [dreg:$0x11]  }
0x16c: {  	[spmem:s2] =	stream.indirect.scatter.add.f32 [tilespmem:s18], [sflag:$0x1], $0x80, s25, s17, $0xb8;
	[tilespmem:$0x1E800] =	vst v63  }
0x16d: {  	s26 =	rddreg [dreg:$0x12]  }
0x16e: {  	[spmem:s2] =	stream.indirect.scatter.add.f32 [tilespmem:s18], [sflag:$0x1], $0x80, s26, s17, $0xb8;
	[tilespmem:$0x1E800] =	vst v63  }
0x16f: {  	s25 =	rddreg [dreg:$0x13]  }
0x170: {  	[spmem:s2] =	stream.indirect.scatter.add.f32 [tilespmem:s18], [sflag:$0x1], $0x80, s25, s17, $0xb8;
	[tilespmem:$0x1E800] =	vst v63  }
0x171: {  	s26 =	rddreg [dreg:$0x14]  }
0x172: {  	[spmem:s2] =	stream.indirect.scatter.add.f32 [tilespmem:s18], [sflag:$0x1], $0x80, s26, s17, $0xb8;
	[tilespmem:$0x1E800] =	vst v63  }
0x173: {  	s25 =	rddreg [dreg:$0x15]  }
0x174: {  	[spmem:s2] =	stream.indirect.scatter.add.f32 [tilespmem:s18], [sflag:$0x1], $0x80, s25, s17, $0xb8;
	[tilespmem:$0x1E800] =	vst v63  }
0x175: {  	s26 =	rddreg [dreg:$0x16]  }
0x176: {  	[spmem:s2] =	stream.indirect.scatter.add.f32 [tilespmem:s18], [sflag:$0x1], $0x80, s26, s17, $0xb8;
	[tilespmem:$0x1E800] =	vst v63  }
0x177: {  	s26 =	simm.s32 $0x1D80  }
0x178: {  	[spmem:s2] =	stream.indirect.scatter.add.f32 [tilespmem:s18], [sflag:$0x1], $0x80, s26, s17, $0xb8;
	[tilespmem:$0x1E800] =	vst v63  }
0x179: {  	_ = 	snop  }
0x17a: {  	[spmem:s2] =	stream.indirect.scatter.add.f32 [tilespmem:s18], [sflag:$0x1], $0x80, s29, s17, $0xb8;
	[tilespmem:$0x1E800] =	vst v63  }
0x17b: {  	_ = 	snop  }
0x17c: {  	[spmem:s2] =	stream.indirect.scatter.add.f32 [tilespmem:s18], [sflag:$0x1], $0x80, s30, s17, $0xb8;
	[tilespmem:$0x1E800] =	vst v63  }
0x17d: {  	_ = 	snop  }
0x17e: {  	[spmem:s2] =	stream.indirect.scatter.add.f32 [tilespmem:s18], [sflag:$0x1], $0x80, s31, s17, $0xb8;
	[tilespmem:$0x1E800] =	vst v63  }
0x17f: {  	_ = 	snop  }
0x180: {  	[spmem:s2] =	stream.indirect.scatter.add.f32 [tilespmem:s18], [sflag:$0x1], $0x80, s0, s17, $0xb8;
	[tilespmem:$0x1E800] =	vst v63  }
0x181: {  	_ = 	snop  }
0x182: {  	[spmem:s2] =	stream.indirect.scatter.add.f32 [tilespmem:s18], [sflag:$0x1], $0x80, s3, s17, $0xb8;
	[tilespmem:$0x1E800] =	vst v63  }
0x183: {  	_ = 	snop  }
0x184: {  	[spmem:s2] =	stream.indirect.scatter.add.f32 [tilespmem:s18], [sflag:$0x1], $0x80, s8, s17, $0xb8;
	[tilespmem:$0x1E800] =	vst v63  }
0x185: {  	_ = 	snop  }
0x186: {  	[spmem:s2] =	stream.indirect.scatter.add.f32 [tilespmem:s18], [sflag:$0x1], $0x80, s11, s17, $0xb8;
	[tilespmem:$0x1E800] =	vst v63  }
0x187: {  	_ = 	snop  }
0x188: {  	[spmem:s2] =	stream.indirect.scatter.add.f32 [tilespmem:s18], [sflag:$0x1], $0x80, s12, s17, $0xb8;
	[tilespmem:$0x1E800] =	vst v63  }
0x189: {  	_ = 	snop  }
0x18a: {  	[spmem:s2] =	stream.indirect.scatter.add.f32 [tilespmem:s18], [sflag:$0x1], $0x80, s13, s17, $0xb8;
	[tilespmem:$0x1E800] =	vst v63  }
0x18b: {  	_ = 	snop  }
0x18c: {  	[spmem:s2] =	stream.indirect.scatter.add.f32 [tilespmem:s18], [sflag:$0x1], $0x80, s7, s17, $0xb8;
	[tilespmem:$0x1E800] =	vst v63  }
0x18d: {  	_ = 	snop  }
0x18e: {  	[spmem:s2] =	stream.indirect.scatter.add.f32 [tilespmem:s18], [sflag:$0x1], $0x80, s9, s17, $0xb8;
	[tilespmem:$0x1E800] =	vst v63  }
0x18f: {  	_ = 	snop  }
0x190: {  	[spmem:s2] =	stream.indirect.scatter.add.f32 [tilespmem:s18], [sflag:$0x1], $0x80, s14, s17, $0xb8;
	[tilespmem:$0x1E800] =	vst v63  }
0x191: {  	_ = 	snop  }
0x192: {  	[spmem:s2] =	stream.indirect.scatter.add.f32 [tilespmem:s18], [sflag:$0x1], $0x80, s1, s17, $0xb8;
	[tilespmem:$0x1E800] =	vst v63  }
0x193: {  	_ = 	snop  }
0x194: {  	[spmem:s2] =	stream.indirect.scatter.add.f32 [tilespmem:s18], [sflag:$0x1], $0x80, s6, s17, $0xb8;
	[tilespmem:$0x1E800] =	vst v63  }
0x195: {  	_ = 	snop  }
0x196: {  	[spmem:s2] =	stream.indirect.scatter.add.f32 [tilespmem:s18], [sflag:$0x1], $0x80, s10, s17, $0xb8;
	[tilespmem:$0x1E800] =	vst v63  }
0x197: {  	_ = 	snop  }
0x198: {  	[spmem:s2] =	stream.indirect.scatter.add.f32 [tilespmem:s18], [sflag:$0x1], $0x80, s22, s17, $0xb8;
	[tilespmem:$0x1E800] =	vst v63  }
0x199: {  	_ = 	snop  }
0x19a: {  	[spmem:s2] =	stream.indirect.scatter.add.f32 [tilespmem:s18], [sflag:$0x1], $0x80, s23, s17, $0xb8;
	[tilespmem:$0x1E800] =	vst v63  }
0x19b: {  	s25 =	simm.s32 $0x2680  }
0x19c: {  	[spmem:s2] =	stream.indirect.scatter.add.f32 [tilespmem:s18], [sflag:$0x1], $0x80, s25, s17, $0xb8;
	[tilespmem:$0x1E800] =	vst v63  }
0x19d: {  	s25 =	simm.s32 $0x2700  }
0x19e: {  	[spmem:s2] =	stream.indirect.scatter.add.f32 [tilespmem:s18], [sflag:$0x1], $0x80, s25, s17, $0xb8;
	[tilespmem:$0x1E800] =	vst v63  }
0x19f: {  	s25 =	simm.s32 $0x2780  }
0x1a0: {  	[spmem:s2] =	stream.indirect.scatter.add.f32 [tilespmem:s18], [sflag:$0x1], $0x80, s25, s17, $0xb8;
	[tilespmem:$0x1E800] =	vst v63  }
0x1a1: {  	_ =	swait.ge [sflag:s20], $0x4000  }
0x1a2: {  	[sflag:s20] =	ssyncset.done $0x0  }
0x1a3: {  	[sflag:s20] =	ssyncadd.s32 $0xFFFFC000  }
0x1a4: {  	_ =	swait.ge [sflag:s20], $0x4000  }
0x1a5: {  	[sflag:s20] =	ssyncset.done $0x0  }
0x1a6: {  	[sflag:s20] =	ssyncadd.s32 $0xFFFFC000  }
0x1a7: {  	_ =	swait.ge [sflag:s20], $0x4000  }
0x1a8: {  	[sflag:s20] =	ssyncset.done $0x0  }
0x1a9: {  	[sflag:s20] =	ssyncadd.s32 $0xFFFFC000  }
0x1aa: {  	_ =	swait.ge [sflag:s20], $0x4000  }
0x1ab: {  	[sflag:s20] =	ssyncset.done $0x0  }
0x1ac: {  	[sflag:s20] =	ssyncadd.s32 $0xFFFFC000  }
0x1ad: {  	_ =	swait.ge [sflag:s20], $0x4000  }
0x1ae: {  	[sflag:s20] =	ssyncset.done $0x0  }
0x1af: {  	[sflag:s20] =	ssyncadd.s32 $0xFFFFC000  }
0x1b0: {  	_ =	swait.ge [sflag:s20], $0x4000  }
0x1b1: {  	[sflag:s20] =	ssyncset.done $0x0  }
0x1b2: {  	[sflag:s20] =	ssyncadd.s32 $0xFFFFC000  }
0x1b3: {  	_ =	swait.ge [sflag:s20], $0x4000  }
0x1b4: {  	[sflag:s20] =	ssyncset.done $0x0  }
0x1b5: {  	[sflag:s20] =	ssyncadd.s32 $0xFFFFC000  }
0x1b6: {  	_ =	swait.ge [sflag:s20], $0x4000  }
0x1b7: {  	[sflag:s20] =	ssyncset.done $0x0  }
0x1b8: {  	[sflag:s20] =	ssyncadd.s32 $0xFFFFC000  }
0x1b9: {  	_ =	swait.ge [sflag:s20], $0x4000  }
0x1ba: {  	[sflag:s20] =	ssyncset.done $0x0  }
0x1bb: {  	[sflag:s20] =	ssyncadd.s32 $0xFFFFC000  }
0x1bc: {  	_ =	swait.ge [sflag:s20], $0x4000  }
0x1bd: {  	[sflag:s20] =	ssyncset.done $0x0  }
0x1be: {  	[sflag:s20] =	ssyncadd.s32 $0xFFFFC000  }
0x1bf: {  	_ =	swait.ge [sflag:s20], $0x4000  }
0x1c0: {  	[sflag:s20] =	ssyncset.done $0x0  }
0x1c1: {  	[sflag:s20] =	ssyncadd.s32 $0xFFFFC000  }
0x1c2: {  	_ =	swait.ge [sflag:s20], $0x4000  }
0x1c3: {  	[sflag:s20] =	ssyncset.done $0x0  }
0x1c4: {  	[sflag:s20] =	ssyncadd.s32 $0xFFFFC000  }
0x1c5: {  	_ =	swait.ge [sflag:s20], $0x4000  }
0x1c6: {  	[sflag:s20] =	ssyncset.done $0x0  }
0x1c7: {  	[sflag:s20] =	ssyncadd.s32 $0xFFFFC000  }
0x1c8: {  	_ =	swait.ge [sflag:s20], $0x4000  }
0x1c9: {  	[sflag:s20] =	ssyncset.done $0x0  }
0x1ca: {  	[sflag:s20] =	ssyncadd.s32 $0xFFFFC000  }
0x1cb: {  	_ =	swait.ge [sflag:s20], $0x4000  }
0x1cc: {  	[sflag:s20] =	ssyncset.done $0x0  }
0x1cd: {  	[sflag:s20] =	ssyncadd.s32 $0xFFFFC000  }
0x1ce: {  	_ =	swait.ge [sflag:s20], $0x4000  }
0x1cf: {  	[sflag:s20] =	ssyncset.done $0x0  }
0x1d0: {  	[sflag:s20] =	ssyncadd.s32 $0xFFFFC000  }
0x1d1: {  	_ =	swait.ge [sflag:s20], $0x4000  }
0x1d2: {  	[sflag:s20] =	ssyncset.done $0x0  }
0x1d3: {  	[sflag:s20] =	ssyncadd.s32 $0xFFFFC000  }
0x1d4: {  	_ =	swait.ge [sflag:s20], $0x4000  }
0x1d5: {  	[sflag:s20] =	ssyncset.done $0x0  }
0x1d6: {  	[sflag:s20] =	ssyncadd.s32 $0xFFFFC000  }
0x1d7: {  	_ =	swait.ge [sflag:s20], $0x4000  }
0x1d8: {  	[sflag:s20] =	ssyncset.done $0x0  }
0x1d9: {  	[sflag:s20] =	ssyncadd.s32 $0xFFFFC000  }
0x1da: {  	_ =	swait.ge [sflag:s20], $0x4000  }
0x1db: {  	[sflag:s20] =	ssyncset.done $0x0  }
0x1dc: {  	[sflag:s20] =	ssyncadd.s32 $0xFFFFC000  }
0x1dd: {  	_ =	swait.ge [sflag:s20], $0x4000  }
0x1de: {  	[sflag:s20] =	ssyncset.done $0x0  }
0x1df: {  	[sflag:s20] =	ssyncadd.s32 $0xFFFFC000  }
0x1e0: {  	_ =	swait.ge [sflag:s20], $0x4000  }
0x1e1: {  	[sflag:s20] =	ssyncset.done $0x0  }
0x1e2: {  	[sflag:s20] =	ssyncadd.s32 $0xFFFFC000  }
0x1e3: {  	_ =	swait.ge [sflag:s20], $0x4000  }
0x1e4: {  	[sflag:s20] =	ssyncset.done $0x0  }
0x1e5: {  	[sflag:s20] =	ssyncadd.s32 $0xFFFFC000  }
0x1e6: {  	_ =	swait.ge [sflag:s20], $0x4000  }
0x1e7: {  	[sflag:s20] =	ssyncset.done $0x0  }
0x1e8: {  	[sflag:s20] =	ssyncadd.s32 $0xFFFFC000  }
0x1e9: {  	_ =	swait.ge [sflag:s20], $0x4000  }
0x1ea: {  	[sflag:s20] =	ssyncset.done $0x0  }
0x1eb: {  	[sflag:s20] =	ssyncadd.s32 $0xFFFFC000  }
0x1ec: {  	_ =	swait.ge [sflag:s20], $0x4000  }
0x1ed: {  	[sflag:s20] =	ssyncset.done $0x0  }
0x1ee: {  	[sflag:s20] =	ssyncadd.s32 $0xFFFFC000  }
0x1ef: {  	_ =	swait.ge [sflag:s20], $0x4000  }
0x1f0: {  	[sflag:s20] =	ssyncset.done $0x0  }
0x1f1: {  	[sflag:s20] =	ssyncadd.s32 $0xFFFFC000  }
0x1f2: {  	_ =	swait.ge [sflag:s20], $0x4000  }
0x1f3: {  	[sflag:s20] =	ssyncset.done $0x0  }
0x1f4: {  	[sflag:s20] =	ssyncadd.s32 $0xFFFFC000  }
0x1f5: {  	_ =	swait.ge [sflag:s20], $0x4000  }
0x1f6: {  	[sflag:s20] =	ssyncset.done $0x0  }
0x1f7: {  	[sflag:s20] =	ssyncadd.s32 $0xFFFFC000  }
0x1f8: {  	_ =	swait.ge [sflag:s20], $0x4000  }
0x1f9: {  	[sflag:s20] =	ssyncset.done $0x0  }
0x1fa: {  	[sflag:s20] =	ssyncadd.s32 $0xFFFFC000  }
0x1fb: {  	_ =	swait.ge [sflag:s20], $0x4000  }
0x1fc: {  	[sflag:s20] =	ssyncset.done $0x0  }
0x1fd: {  	[sflag:s20] =	ssyncadd.s32 $0xFFFFC000  }
0x1fe: {  	_ =	swait.ge [sflag:s20], $0x4000  }
0x1ff: {  	[sflag:s20] =	ssyncset.done $0x0  }
0x200: {  	[sflag:s20] =	ssyncadd.s32 $0xFFFFC000  }
0x201: {  	_ =	swait.ge [sflag:s20], $0x4000  }
0x202: {  	[sflag:s20] =	ssyncset.done $0x0  }
0x203: {  	[sflag:s20] =	ssyncadd.s32 $0xFFFFC000  }
0x204: {  	_ =	swait.ge [sflag:s20], $0x4000  }
0x205: {  	[sflag:s20] =	ssyncset.done $0x0  }
0x206: {  	[sflag:s20] =	ssyncadd.s32 $0xFFFFC000  }
0x207: {  	_ =	swait.ge [sflag:s20], $0x4000  }
0x208: {  	[sflag:s20] =	ssyncset.done $0x0  }
0x209: {  	[sflag:s20] =	ssyncadd.s32 $0xFFFFC000  }
0x20a: {  	_ =	swait.ge [sflag:s20], $0x4000  }
0x20b: {  	[sflag:s20] =	ssyncset.done $0x0  }
0x20c: {  	[sflag:s20] =	ssyncadd.s32 $0xFFFFC000  }
0x20d: {  	_ =	swait.ge [sflag:s20], $0x4000  }
0x20e: {  	[sflag:s20] =	ssyncset.done $0x0  }
0x20f: {  	[sflag:s20] =	ssyncadd.s32 $0xFFFFC000  }
0x210: {  	_ =	swait.ge [sflag:s20], $0x4000  }
0x211: {  	[sflag:s20] =	ssyncset.done $0x0  }
0x212: {  	p0 =	sne.s32 s24, $0x780;
	[sflag:s20] =	ssyncadd.s32 $0xFFFFC000  }
.Ltmp2:
0x213: {  	_ =	swait.ge [sflag:s20], $0x4000;
	(pc) =	sbr.rel @p0 .LBB2_6-.Ltmp2, $4  }
0x214: {  	[sflag:s20] =	ssyncset.done $0x0  }
0x215: {  	[sflag:s20] =	ssyncadd.s32 $0xFFFFC000  }
0x216: {  	_ =	swait.ge [sflag:s20], $0x4000  }
0x217: {  	s24 =	sadd.s32 $0x280, s24;
	s25 =	rddreg [dreg:$0x4];
	[sflag:s20] =	ssyncset.done $0x0  }
0x218: {  	[sflag:s20] =	ssyncadd.s32 $0xFFFFC000;
	s4 =	sadd.s32 s4, s25  }
0x219: {  	[tilespmem:s16], [sflag:$0x3] =	stream.linear.gather [hbm4b:s4+s28], $0x1400, $0x38;
	[tilespmem:$0x1E800] =	vst v63  }
0x21a: {  	_ =	swait.ge [sflag:s15], $0x1400  }
0x21b: {  	[sflag:s15] =	ssyncset.done $0x0  }
0x21c: {  	[sflag:s15] =	ssyncadd.s32 $0xFFFFEC00  }
0x21d: {  	[spmem:s2] =	stream.indirect.scatter.add.f32 [tilespmem:s18], [sflag:$0x1], $0x80, s16, s17, $0xb8;
	[tilespmem:$0x1E800] =	vst v63  }
0x21e: {  	s25 =	rddreg [dreg:$0x5]  }
0x21f: {  	[spmem:s2] =	stream.indirect.scatter.add.f32 [tilespmem:s18], [sflag:$0x1], $0x80, s25, s17, $0xb8;
	[tilespmem:$0x1E800] =	vst v63  }
0x220: {  	s24 =	rddreg [dreg:$0x6]  }
0x221: {  	[spmem:s2] =	stream.indirect.scatter.add.f32 [tilespmem:s18], [sflag:$0x1], $0x80, s24, s17, $0xb8;
	[tilespmem:$0x1E800] =	vst v63  }
0x222: {  	s4 =	rddreg [dreg:$0x7]  }
0x223: {  	[spmem:s2] =	stream.indirect.scatter.add.f32 [tilespmem:s18], [sflag:$0x1], $0x80, s4, s17, $0xb8;
	[tilespmem:$0x1E800] =	vst v63  }
0x224: {  	s25 =	rddreg [dreg:$0x8]  }
0x225: {  	[spmem:s2] =	stream.indirect.scatter.add.f32 [tilespmem:s18], [sflag:$0x1], $0x80, s25, s17, $0xb8;
	[tilespmem:$0x1E800] =	vst v63  }
0x226: {  	s4 =	rddreg [dreg:$0x9]  }
0x227: {  	[spmem:s2] =	stream.indirect.scatter.add.f32 [tilespmem:s18], [sflag:$0x1], $0x80, s4, s17, $0xb8;
	[tilespmem:$0x1E800] =	vst v63  }
0x228: {  	s25 =	rddreg [dreg:$0xa]  }
0x229: {  	[spmem:s2] =	stream.indirect.scatter.add.f32 [tilespmem:s18], [sflag:$0x1], $0x80, s25, s17, $0xb8;
	[tilespmem:$0x1E800] =	vst v63  }
0x22a: {  	s4 =	rddreg [dreg:$0xb]  }
0x22b: {  	[spmem:s2] =	stream.indirect.scatter.add.f32 [tilespmem:s18], [sflag:$0x1], $0x80, s4, s17, $0xb8;
	[tilespmem:$0x1E800] =	vst v63  }
0x22c: {  	s25 =	rddreg [dreg:$0xc]  }
0x22d: {  	[spmem:s2] =	stream.indirect.scatter.add.f32 [tilespmem:s18], [sflag:$0x1], $0x80, s25, s17, $0xb8;
	[tilespmem:$0x1E800] =	vst v63  }
0x22e: {  	s4 =	rddreg [dreg:$0xd]  }
0x22f: {  	[spmem:s2] =	stream.indirect.scatter.add.f32 [tilespmem:s18], [sflag:$0x1], $0x80, s4, s17, $0xb8;
	[tilespmem:$0x1E800] =	vst v63  }
0x230: {  	s25 =	rddreg [dreg:$0xe]  }
0x231: {  	[spmem:s2] =	stream.indirect.scatter.add.f32 [tilespmem:s18], [sflag:$0x1], $0x80, s25, s17, $0xb8;
	[tilespmem:$0x1E800] =	vst v63  }
0x232: {  	s4 =	rddreg [dreg:$0xf]  }
0x233: {  	[spmem:s2] =	stream.indirect.scatter.add.f32 [tilespmem:s18], [sflag:$0x1], $0x80, s4, s17, $0xb8;
	[tilespmem:$0x1E800] =	vst v63  }
0x234: {  	s25 =	rddreg [dreg:$0x10]  }
0x235: {  	[spmem:s2] =	stream.indirect.scatter.add.f32 [tilespmem:s18], [sflag:$0x1], $0x80, s25, s17, $0xb8;
	[tilespmem:$0x1E800] =	vst v63  }
0x236: {  	s4 =	rddreg [dreg:$0x11]  }
0x237: {  	[spmem:s2] =	stream.indirect.scatter.add.f32 [tilespmem:s18], [sflag:$0x1], $0x80, s4, s17, $0xb8;
	[tilespmem:$0x1E800] =	vst v63  }
0x238: {  	s25 =	rddreg [dreg:$0x12]  }
0x239: {  	[spmem:s2] =	stream.indirect.scatter.add.f32 [tilespmem:s18], [sflag:$0x1], $0x80, s25, s17, $0xb8;
	[tilespmem:$0x1E800] =	vst v63  }
0x23a: {  	s4 =	rddreg [dreg:$0x13]  }
0x23b: {  	[spmem:s2] =	stream.indirect.scatter.add.f32 [tilespmem:s18], [sflag:$0x1], $0x80, s4, s17, $0xb8;
	[tilespmem:$0x1E800] =	vst v63  }
0x23c: {  	s25 =	rddreg [dreg:$0x14]  }
0x23d: {  	[spmem:s2] =	stream.indirect.scatter.add.f32 [tilespmem:s18], [sflag:$0x1], $0x80, s25, s17, $0xb8;
	[tilespmem:$0x1E800] =	vst v63  }
0x23e: {  	s4 =	rddreg [dreg:$0x15]  }
0x23f: {  	[spmem:s2] =	stream.indirect.scatter.add.f32 [tilespmem:s18], [sflag:$0x1], $0x80, s4, s17, $0xb8;
	[tilespmem:$0x1E800] =	vst v63  }
0x240: {  	s25 =	rddreg [dreg:$0x16]  }
0x241: {  	[spmem:s2] =	stream.indirect.scatter.add.f32 [tilespmem:s18], [sflag:$0x1], $0x80, s25, s17, $0xb8;
	[tilespmem:$0x1E800] =	vst v63  }
0x242: {  	_ = 	snop  }
0x243: {  	[spmem:s2] =	stream.indirect.scatter.add.f32 [tilespmem:s18], [sflag:$0x1], $0x80, s26, s17, $0xb8;
	[tilespmem:$0x1E800] =	vst v63  }
0x244: {  	_ = 	snop  }
0x245: {  	[spmem:s2] =	stream.indirect.scatter.add.f32 [tilespmem:s18], [sflag:$0x1], $0x80, s29, s17, $0xb8;
	[tilespmem:$0x1E800] =	vst v63  }
0x246: {  	_ = 	snop  }
0x247: {  	[spmem:s2] =	stream.indirect.scatter.add.f32 [tilespmem:s18], [sflag:$0x1], $0x80, s30, s17, $0xb8;
	[tilespmem:$0x1E800] =	vst v63  }
0x248: {  	_ = 	snop  }
0x249: {  	[spmem:s2] =	stream.indirect.scatter.add.f32 [tilespmem:s18], [sflag:$0x1], $0x80, s31, s17, $0xb8;
	[tilespmem:$0x1E800] =	vst v63  }
0x24a: {  	_ = 	snop  }
0x24b: {  	[spmem:s2] =	stream.indirect.scatter.add.f32 [tilespmem:s18], [sflag:$0x1], $0x80, s0, s17, $0xb8;
	[tilespmem:$0x1E800] =	vst v63  }
0x24c: {  	_ = 	snop  }
0x24d: {  	[spmem:s2] =	stream.indirect.scatter.add.f32 [tilespmem:s18], [sflag:$0x1], $0x80, s3, s17, $0xb8;
	[tilespmem:$0x1E800] =	vst v63  }
0x24e: {  	_ = 	snop  }
0x24f: {  	[spmem:s2] =	stream.indirect.scatter.add.f32 [tilespmem:s18], [sflag:$0x1], $0x80, s8, s17, $0xb8;
	[tilespmem:$0x1E800] =	vst v63  }
0x250: {  	_ = 	snop  }
0x251: {  	[spmem:s2] =	stream.indirect.scatter.add.f32 [tilespmem:s18], [sflag:$0x1], $0x80, s11, s17, $0xb8;
	[tilespmem:$0x1E800] =	vst v63  }
0x252: {  	_ = 	snop  }
0x253: {  	[spmem:s2] =	stream.indirect.scatter.add.f32 [tilespmem:s18], [sflag:$0x1], $0x80, s12, s17, $0xb8;
	[tilespmem:$0x1E800] =	vst v63  }
0x254: {  	_ = 	snop  }
0x255: {  	[spmem:s2] =	stream.indirect.scatter.add.f32 [tilespmem:s18], [sflag:$0x1], $0x80, s13, s17, $0xb8;
	[tilespmem:$0x1E800] =	vst v63  }
0x256: {  	_ = 	snop  }
0x257: {  	[spmem:s2] =	stream.indirect.scatter.add.f32 [tilespmem:s18], [sflag:$0x1], $0x80, s7, s17, $0xb8;
	[tilespmem:$0x1E800] =	vst v63  }
0x258: {  	_ = 	snop  }
0x259: {  	[spmem:s2] =	stream.indirect.scatter.add.f32 [tilespmem:s18], [sflag:$0x1], $0x80, s9, s17, $0xb8;
	[tilespmem:$0x1E800] =	vst v63  }
0x25a: {  	_ = 	snop  }
0x25b: {  	[spmem:s2] =	stream.indirect.scatter.add.f32 [tilespmem:s18], [sflag:$0x1], $0x80, s14, s17, $0xb8;
	[tilespmem:$0x1E800] =	vst v63  }
0x25c: {  	_ = 	snop  }
0x25d: {  	[spmem:s2] =	stream.indirect.scatter.add.f32 [tilespmem:s18], [sflag:$0x1], $0x80, s1, s17, $0xb8;
	[tilespmem:$0x1E800] =	vst v63  }
0x25e: {  	_ = 	snop  }
0x25f: {  	[spmem:s2] =	stream.indirect.scatter.add.f32 [tilespmem:s18], [sflag:$0x1], $0x80, s6, s17, $0xb8;
	[tilespmem:$0x1E800] =	vst v63  }
0x260: {  	_ = 	snop  }
0x261: {  	[spmem:s2] =	stream.indirect.scatter.add.f32 [tilespmem:s18], [sflag:$0x1], $0x80, s10, s17, $0xb8;
	[tilespmem:$0x1E800] =	vst v63  }
0x262: {  	_ = 	snop  }
0x263: {  	[spmem:s2] =	stream.indirect.scatter.add.f32 [tilespmem:s18], [sflag:$0x1], $0x80, s22, s17, $0xb8;
	[tilespmem:$0x1E800] =	vst v63  }
0x264: {  	_ = 	snop  }
0x265: {  	[spmem:s2] =	stream.indirect.scatter.add.f32 [tilespmem:s18], [sflag:$0x1], $0x80, s23, s17, $0xb8;
	[tilespmem:$0x1E800] =	vst v63  }
0x266: {  	s25 =	simm.s32 $0x2680  }
0x267: {  	[spmem:s2] =	stream.indirect.scatter.add.f32 [tilespmem:s18], [sflag:$0x1], $0x80, s25, s17, $0xb8;
	[tilespmem:$0x1E800] =	vst v63  }
0x268: {  	s26 =	simm.s32 $0x2700  }
0x269: {  	[spmem:s2] =	stream.indirect.scatter.add.f32 [tilespmem:s18], [sflag:$0x1], $0x80, s26, s17, $0xb8;
	[tilespmem:$0x1E800] =	vst v63  }
0x26a: {  	s1 =	simm.s32 $0x2780  }
0x26b: {  	[spmem:s2] =	stream.indirect.scatter.add.f32 [tilespmem:s18], [sflag:$0x1], $0x80, s1, s17, $0xb8;
	[tilespmem:$0x1E800] =	vst v63  }
0x26c: {  	_ =	swait.ge [sflag:s20], $0x4000  }
0x26d: {  	[sflag:s20] =	ssyncset.done $0x0  }
0x26e: {  	[sflag:s20] =	ssyncadd.s32 $0xFFFFC000  }
0x26f: {  	_ =	swait.ge [sflag:s20], $0x4000  }
0x270: {  	[sflag:s20] =	ssyncset.done $0x0  }
0x271: {  	[sflag:s20] =	ssyncadd.s32 $0xFFFFC000  }
0x272: {  	_ =	swait.ge [sflag:s20], $0x4000  }
0x273: {  	[sflag:s20] =	ssyncset.done $0x0  }
0x274: {  	[sflag:s20] =	ssyncadd.s32 $0xFFFFC000  }
0x275: {  	_ =	swait.ge [sflag:s20], $0x4000  }
0x276: {  	[sflag:s20] =	ssyncset.done $0x0  }
0x277: {  	[sflag:s20] =	ssyncadd.s32 $0xFFFFC000  }
0x278: {  	_ =	swait.ge [sflag:s20], $0x4000  }
0x279: {  	[sflag:s20] =	ssyncset.done $0x0  }
0x27a: {  	[sflag:s20] =	ssyncadd.s32 $0xFFFFC000  }
0x27b: {  	_ =	swait.ge [sflag:s20], $0x4000  }
0x27c: {  	[sflag:s20] =	ssyncset.done $0x0  }
0x27d: {  	[sflag:s20] =	ssyncadd.s32 $0xFFFFC000  }
0x27e: {  	_ =	swait.ge [sflag:s20], $0x4000  }
0x27f: {  	[sflag:s20] =	ssyncset.done $0x0  }
0x280: {  	[sflag:s20] =	ssyncadd.s32 $0xFFFFC000  }
0x281: {  	_ =	swait.ge [sflag:s20], $0x4000  }
0x282: {  	[sflag:s20] =	ssyncset.done $0x0  }
0x283: {  	[sflag:s20] =	ssyncadd.s32 $0xFFFFC000  }
0x284: {  	_ =	swait.ge [sflag:s20], $0x4000  }
0x285: {  	[sflag:s20] =	ssyncset.done $0x0  }
0x286: {  	[sflag:s20] =	ssyncadd.s32 $0xFFFFC000  }
0x287: {  	_ =	swait.ge [sflag:s20], $0x4000  }
0x288: {  	[sflag:s20] =	ssyncset.done $0x0  }
0x289: {  	[sflag:s20] =	ssyncadd.s32 $0xFFFFC000  }
0x28a: {  	_ =	swait.ge [sflag:s20], $0x4000  }
0x28b: {  	[sflag:s20] =	ssyncset.done $0x0  }
0x28c: {  	[sflag:s20] =	ssyncadd.s32 $0xFFFFC000  }
0x28d: {  	_ =	swait.ge [sflag:s20], $0x4000  }
0x28e: {  	[sflag:s20] =	ssyncset.done $0x0  }
0x28f: {  	[sflag:s20] =	ssyncadd.s32 $0xFFFFC000  }
0x290: {  	_ =	swait.ge [sflag:s20], $0x4000  }
0x291: {  	[sflag:s20] =	ssyncset.done $0x0  }
0x292: {  	[sflag:s20] =	ssyncadd.s32 $0xFFFFC000  }
0x293: {  	_ =	swait.ge [sflag:s20], $0x4000  }
0x294: {  	[sflag:s20] =	ssyncset.done $0x0  }
0x295: {  	[sflag:s20] =	ssyncadd.s32 $0xFFFFC000  }
0x296: {  	_ =	swait.ge [sflag:s20], $0x4000  }
0x297: {  	[sflag:s20] =	ssyncset.done $0x0  }
0x298: {  	[sflag:s20] =	ssyncadd.s32 $0xFFFFC000  }
0x299: {  	_ =	swait.ge [sflag:s20], $0x4000  }
0x29a: {  	[sflag:s20] =	ssyncset.done $0x0  }
0x29b: {  	[sflag:s20] =	ssyncadd.s32 $0xFFFFC000  }
0x29c: {  	_ =	swait.ge [sflag:s20], $0x4000  }
0x29d: {  	[sflag:s20] =	ssyncset.done $0x0  }
0x29e: {  	[sflag:s20] =	ssyncadd.s32 $0xFFFFC000  }
0x29f: {  	_ =	swait.ge [sflag:s20], $0x4000  }
0x2a0: {  	[sflag:s20] =	ssyncset.done $0x0  }
0x2a1: {  	[sflag:s20] =	ssyncadd.s32 $0xFFFFC000  }
0x2a2: {  	_ =	swait.ge [sflag:s20], $0x4000  }
0x2a3: {  	[sflag:s20] =	ssyncset.done $0x0  }
0x2a4: {  	[sflag:s20] =	ssyncadd.s32 $0xFFFFC000  }
0x2a5: {  	_ =	swait.ge [sflag:s20], $0x4000  }
0x2a6: {  	[sflag:s20] =	ssyncset.done $0x0  }
0x2a7: {  	[sflag:s20] =	ssyncadd.s32 $0xFFFFC000  }
0x2a8: {  	_ =	swait.ge [sflag:s20], $0x4000  }
0x2a9: {  	[sflag:s20] =	ssyncset.done $0x0  }
0x2aa: {  	[sflag:s20] =	ssyncadd.s32 $0xFFFFC000  }
0x2ab: {  	_ =	swait.ge [sflag:s20], $0x4000  }
0x2ac: {  	[sflag:s20] =	ssyncset.done $0x0  }
0x2ad: {  	[sflag:s20] =	ssyncadd.s32 $0xFFFFC000  }
0x2ae: {  	_ =	swait.ge [sflag:s20], $0x4000  }
0x2af: {  	[sflag:s20] =	ssyncset.done $0x0  }
0x2b0: {  	[sflag:s20] =	ssyncadd.s32 $0xFFFFC000  }
0x2b1: {  	_ =	swait.ge [sflag:s20], $0x4000  }
0x2b2: {  	[sflag:s20] =	ssyncset.done $0x0  }
0x2b3: {  	[sflag:s20] =	ssyncadd.s32 $0xFFFFC000  }
0x2b4: {  	_ =	swait.ge [sflag:s20], $0x4000  }
0x2b5: {  	[sflag:s20] =	ssyncset.done $0x0  }
0x2b6: {  	[sflag:s20] =	ssyncadd.s32 $0xFFFFC000  }
0x2b7: {  	_ =	swait.ge [sflag:s20], $0x4000  }
0x2b8: {  	[sflag:s20] =	ssyncset.done $0x0  }
0x2b9: {  	[sflag:s20] =	ssyncadd.s32 $0xFFFFC000  }
0x2ba: {  	_ =	swait.ge [sflag:s20], $0x4000  }
0x2bb: {  	[sflag:s20] =	ssyncset.done $0x0  }
0x2bc: {  	[sflag:s20] =	ssyncadd.s32 $0xFFFFC000  }
0x2bd: {  	_ =	swait.ge [sflag:s20], $0x4000  }
0x2be: {  	[sflag:s20] =	ssyncset.done $0x0  }
0x2bf: {  	[sflag:s20] =	ssyncadd.s32 $0xFFFFC000  }
0x2c0: {  	_ =	swait.ge [sflag:s20], $0x4000  }
0x2c1: {  	[sflag:s20] =	ssyncset.done $0x0  }
0x2c2: {  	[sflag:s20] =	ssyncadd.s32 $0xFFFFC000  }
0x2c3: {  	_ =	swait.ge [sflag:s20], $0x4000  }
0x2c4: {  	[sflag:s20] =	ssyncset.done $0x0  }
0x2c5: {  	[sflag:s20] =	ssyncadd.s32 $0xFFFFC000  }
0x2c6: {  	_ =	swait.ge [sflag:s20], $0x4000  }
0x2c7: {  	[sflag:s20] =	ssyncset.done $0x0  }
0x2c8: {  	[sflag:s20] =	ssyncadd.s32 $0xFFFFC000  }
0x2c9: {  	_ =	swait.ge [sflag:s20], $0x4000  }
0x2ca: {  	[sflag:s20] =	ssyncset.done $0x0  }
0x2cb: {  	[sflag:s20] =	ssyncadd.s32 $0xFFFFC000  }
0x2cc: {  	_ =	swait.ge [sflag:s20], $0x4000  }
0x2cd: {  	[sflag:s20] =	ssyncset.done $0x0  }
0x2ce: {  	[sflag:s20] =	ssyncadd.s32 $0xFFFFC000  }
0x2cf: {  	_ =	swait.ge [sflag:s20], $0x4000  }
0x2d0: {  	[sflag:s20] =	ssyncset.done $0x0  }
0x2d1: {  	[sflag:s20] =	ssyncadd.s32 $0xFFFFC000  }
0x2d2: {  	_ =	swait.ge [sflag:s20], $0x4000  }
0x2d3: {  	[sflag:s20] =	ssyncset.done $0x0  }
0x2d4: {  	[sflag:s20] =	ssyncadd.s32 $0xFFFFC000  }
0x2d5: {  	_ =	swait.ge [sflag:s20], $0x4000  }
0x2d6: {  	[sflag:s20] =	ssyncset.done $0x0  }
0x2d7: {  	[sflag:s20] =	ssyncadd.s32 $0xFFFFC000  }
0x2d8: {  	_ =	swait.ge [sflag:s20], $0x4000  }
0x2d9: {  	[sflag:s20] =	ssyncset.done $0x0  }
0x2da: {  	[sflag:s20] =	ssyncadd.s32 $0xFFFFC000  }
0x2db: {  	_ =	swait.ge [sflag:s20], $0x4000  }
0x2dc: {  	[sflag:s20] =	ssyncset.done $0x0  }
0x2dd: {  	[sflag:s20] =	ssyncadd.s32 $0xFFFFC000  }
0x2de: {  	_ =	swait.ge [sflag:s20], $0x4000  }
0x2df: {  	[sflag:s20] =	ssyncset.done $0x0  }
0x2e0: {  	[sflag:s20] =	ssyncadd.s32 $0xFFFFC000  }
0x2e1: {  	_ =	swait.ge [sflag:s20], $0x4000  }
0x2e2: {  	[sflag:s20] =	ssyncset.done $0x0  }
0x2e3: {  	[sflag:s20] =	ssyncadd.s32 $0xFFFFC000  }
0x2e4: {  	[bflag:$0x0] =	sbarrier.arrive $0xFFFF  }
0x2e5: {  	s24 =	rddreg [dreg:$0x1a]  }
0x2e6: {  	s3 =	rddreg [dreg:$0x1d]  }
0x2e7: {  	s25 =	rddreg [dreg:$0x1f]  }
0x2e8: {  	[hbm:s3], [sflag:s24] =	dma.local [spmem:s25], $0x2800  }
0x2e9: {  	_ =	swait.ge [sflag:s15], $0x2800  }
0x2ea: {  	s4 =	sld [smem:$0x7FD];
	_ =	sdelay $0x2  }
0x2eb: {  	s26 =	rddreg [dreg:$0x1e];
	s0 =	sadd.s32 $0x1, s4  }
0x2ec: {  	p0 =	sne.s32 s0, s26  }
.Ltmp3:
0x2ed: {  	_ = 	snop;
	(pc) =	sbr.rel @p0 .LBB2_1-.Ltmp3, $4  }
0x2ee: {  	[sflag:s15] =	ssyncset.done $0x0  }
0x2ef: {  	[sflag:s15] =	ssyncadd.s32 $0xFFFFD800  }
0x2f0: {  	[bflag:$0x0] =	sbarrier.arrive $0xFFFF  }
0x2f1: {  	s1 =	simm.s32 $0x2700;
	s3 =	simm.s32 $0x2780;
	s28 =	rddreg [dreg:$0x17]  }
0x2f2: {  	_ =	sfence.sel $0x180000  }
0x2f3: {  	[bflag:$0x0] =	sbarrier.arrive $0xFFFF  }
0x2f4: {  	_ =	strace $0x90000047  }
0x2f5: {  	s0 =	stileid.u32;
	[bflag:$0x2] =	sbarrier.arrive $0xFFFF  }
0x2f6: {  	p0 =	sne.s32 s0, $0x0;
	s0 =	rddreg [dreg:$0x3]  }
0x2f7: {  	s0 =	sadd.s32 @!p0 $0x100000, s0  }
0x2f8: {  	[sflag:s0] =	ssyncadd.tile.s32 @!p0 $0x1;
	_ =	shalt  }
.Lfunc_end2:
_tile_overlayer_lowered:
.L_overlay_start_2:
0x2f9: {  	(tag) =	ssettag $0x2  }
0x2fa: {  	s0 =	rddreg [dreg:$0x0];
	s2 =	stileid.u32  }
0x2fb: {  	s1 =	rddreg [dreg:$0x1];
	p0 =	sne.s32 s2, $0x0  }
0x2fc: {  	s3 =	rddreg [dreg:$0x2];
	[bflag:$0x3] =	sbarrier.arrive $0xFFFF;
	s2 =	simm.s32 @!p0 $0x1C03  }
0x2fd: {  	[timem:s3], [sflag:s2] =	dma.local @!p0 [hbm:s0], s1  }
0x2fe: {  	s0 =	simm.s32 @!p0 $0x3  }
0x2ff: {  	_ =	swait.ge @!p0 [sflag:s0], s1  }
0x300: {  	s1 =	ssub.s32 @!p0 $0x0, s1;
	[sflag:s0] =	ssyncset.done @!p0 $0x0  }
0x301: {  	[sflag:s0] =	ssyncadd.s32 @!p0 s1  }
0x302: {  	[bflag:$0x3] =	sbarrier.arrive $0xFFFF  }
0x303: {  	_ =	shalt  }

// kernel: kernel.9.cloned.1.call-start
scs
__scs_entry_jumppad:
0x0: {  	(pc) =	sbr.rel $0x88, $3  }
0x1: {  	(tag) =	ssettag $0x0;
	lr =	simm.s32 $0x1  }
0x2: {  	[smem:$0x3F96] =	sst lr;
	_ =	strace $0xD0000000  }
0x3: {  	_ = 	snop  }
0x4: {  	_ = 	snop  }
0x5: {  	_ = 	snop  }
0x6: {  	_ = 	snop  }
0x7: {  	_ = 	snop  }
__scs_overlays_trampoline_lowered:
0x8: {  	[smem:$0x3FA5] =	sst s0  }
0x9: {  	[smem:$0x3FA6] =	sst s1  }
0xa: {  	[smem:$0x3FA7] =	sst s2  }
0xb: {  	[smem:$0x3FA8] =	sst s3  }
0xc: {  	[smem:$0x3FA9] =	sst s4  }
0xd: {  	[smem:$0x3FAA] =	sst s5  }
0xe: {  	[smem:$0x3FAB] =	sst s6  }
0xf: {  	[smem:$0x3FAC] =	sst s7  }
0x10: {  	[smem:$0x3FAD] =	sst s8  }
0x11: {  	[smem:$0x3FAE] =	sst s9;
	s0 =	simm.s32 @!p0 $0x0  }
0x12: {  	s1 =	sld [smem:$0x3F94];
	s0 =	simm.s32 @p0 $0x1  }
0x13: {  	[smem:$0x3FAF] =	sst s0;
	s0 =	simm.s32 @!p1 $0x0  }
0x14: {  	s2 =	sld [smem:$0x3F93];
	s0 =	simm.s32 @p1 $0x1  }
0x15: {  	[smem:$0x3FB0] =	sst s0;
	s0 =	simm.s32 @!p2 $0x0  }
0x16: {  	s3 =	sld [smem:$0x3FDB];
	s0 =	simm.s32 @p2 $0x1  }
0x17: {  	s4 =	simm.s32 $0x1BF5;
	[smem:$0x3FB2] =	sst s0  }
0x18: {  	s0 =	sld [smem:$0x3F95];
	_ =	swait.ge [sflag:s4], $0x0  }
0x19: {  	s7 =	sld [smem:$0x3F96]  }
0x1a: {  	s8 =	sadd.s32 $0xFFFFE003, lr  }
0x1b: {  	s9 =	sadd.s32 $0xFFFFFEF7, lr;
	s5 =	simm.s32 $0xFFFFFFFF;
	p2 =	slt.u32 s8, $0xFFFFF086  }
0x1c: {  	p1 =	slt.u32 s9, $0xF7A;
	s5 =	simm.s32 @!p2 $0x0  }
0x1d: {  	s5 =	simm.s32 @p1 $0x1;
	p0 =	seq.s32 s7, s2  }
0x1e: {  	s7 =	smul.u32 @!p0 $0xF7A, s2;
	p2 =	seq.s32 @!p0 s5, $0x0  }
0x1f: {  	s9 =	smul.u32 $0xF7A, s1;
	s8 =	simm.s32 @!p0 $0x1BF5;
	p2 =	por !p2, p0  }
0x20: {  	[sflag:s8] =	ssyncset.s32 @!p0 $0xFFFFF086;
	s6 =	sadd.s32 @!p0 s3, s7;
	s7 =	simm.s32 @!p0 $0x108  }
0x21: {  	s3 =	sadd.s32 s3, s9;
	s6 =	sadd.s32 @!p0 $0x88, s6;
	s7 =	simm.s32 @p2 $0x1082  }
0x22: {  	[simem:s7], [sflag:s8] =	dma.local @!p0 [hbm:s6], $0xF7A  }
0x23: {  	s9 =	sor.u32 $0xD0000000, s2;
	s6 =	simm.s32 $0x108;
	_ =	swait.ge @!p0 [sflag:s8], $0x0  }
0x24: {  	s3 =	sadd.s32 $0x88, s3;
	s6 =	simm.s32 @!p1 $0x1082;
	[sflag:s4] =	ssyncset.s32 $0xFFFFF086  }
0x25: {  	[simem:s6], [sflag:s4] =	dma.local [hbm:s3], $0xF7A  }
0x26: {  	[smem:$0x3F96] =	sst s1;
	(tag) =	ssettag s2;
	_ =	strace s9  }
0x27: {  	s1 =	sld [smem:$0x3FA6]  }
0x28: {  	s2 =	sld [smem:$0x3FA7]  }
0x29: {  	s4 =	sld [smem:$0x3FA9]  }
0x2a: {  	p0 =	seq.s32 s5, $0x0;
	s5 =	sld [smem:$0x3FAA]  }
0x2b: {  	s6 =	sld [smem:$0x3FAB]  }
0x2c: {  	s7 =	sld [smem:$0x3FAC]  }
0x2d: {  	s3 =	simm.s32 $0x108;
	s8 =	sld [smem:$0x3FAD]  }
0x2e: {  	s3 =	simm.s32 @!p0 $0x1082;
	s9 =	sld [smem:$0x3FAE]  }
0x2f: {  	lr =	sadd.s32 s0, s3;
	s0 =	sld [smem:$0x3FA5]  }
0x30: {  	s3 =	sld [smem:$0x3FA8]  }
0x31: {  	[smem:$0x3FB1] =	sst s10  }
0x32: {  	s10 =	sld [smem:$0x3FAF];
	_ =	sdelay $0x3  }
0x33: {  	p0 =	seq.s32 s10, $0x1;
	s10 =	sld [smem:$0x3FB1];
	_ =	sdelay $0x3  }
0x34: {  	[smem:$0x3FB1] =	sst s10  }
0x35: {  	s10 =	sld [smem:$0x3FB0];
	_ =	sdelay $0x3  }
0x36: {  	p1 =	seq.s32 s10, $0x1;
	s10 =	sld [smem:$0x3FB1];
	_ =	sdelay $0x3  }
0x37: {  	[smem:$0x3FB1] =	sst s10  }
0x38: {  	s10 =	sld [smem:$0x3FB2]  }
0x39: {  	_ = 	snop;
	(pc) =	sbr.ind lr, $3  }
0x3a: {  	_ = 	snop  }
0x3b: {  	_ = 	snop  }
0x3c: {  	p2 =	seq.s32 s10, $0x1;
	s10 =	sld [smem:$0x3FB1]  }
0x3d: {  	_ =	shalt  }
0x3e: {  	_ =	shalt  }
0x3f: {  	_ =	shalt  }
0x40: {  	_ =	shalt  }
0x41: {  	_ =	shalt  }
0x42: {  	_ =	shalt  }
0x43: {  	_ =	shalt  }
0x44: {  	_ =	shalt  }
0x45: {  	_ =	shalt  }
0x46: {  	_ =	shalt  }
0x47: {  	_ =	shalt  }
0x48: {  	_ =	shalt  }
0x49: {  	_ =	shalt  }
0x4a: {  	_ =	shalt  }
0x4b: {  	_ =	shalt  }
0x4c: {  	_ =	shalt  }
0x4d: {  	_ =	shalt  }
0x4e: {  	_ =	shalt  }
0x4f: {  	_ =	shalt  }
0x50: {  	_ =	shalt  }
0x51: {  	_ =	shalt  }
0x52: {  	_ =	shalt  }
0x53: {  	_ =	shalt  }
0x54: {  	_ =	shalt  }
0x55: {  	_ =	shalt  }
0x56: {  	_ =	shalt  }
0x57: {  	_ =	shalt  }
0x58: {  	_ =	shalt  }
0x59: {  	_ =	shalt  }
0x5a: {  	_ =	shalt  }
0x5b: {  	_ =	shalt  }
0x5c: {  	_ =	shalt  }
0x5d: {  	_ =	shalt  }
0x5e: {  	_ =	shalt  }
0x5f: {  	_ =	shalt  }
0x60: {  	_ =	shalt  }
0x61: {  	_ =	shalt  }
0x62: {  	_ =	shalt  }
0x63: {  	_ =	shalt  }
0x64: {  	_ =	shalt  }
0x65: {  	_ =	shalt  }
0x66: {  	_ =	shalt  }
0x67: {  	_ =	shalt  }
0x68: {  	_ =	shalt  }
0x69: {  	_ =	shalt  }
0x6a: {  	_ =	shalt  }
0x6b: {  	_ =	shalt  }
0x6c: {  	_ =	shalt  }
0x6d: {  	_ =	shalt  }
0x6e: {  	_ =	shalt  }
0x6f: {  	_ =	shalt  }
0x70: {  	_ =	shalt  }
0x71: {  	_ =	shalt  }
0x72: {  	_ =	shalt  }
0x73: {  	_ =	shalt  }
0x74: {  	_ =	shalt  }
0x75: {  	_ =	shalt  }
0x76: {  	_ =	shalt  }
0x77: {  	_ =	shalt  }
0x78: {  	_ =	shalt  }
0x79: {  	_ =	shalt  }
0x7a: {  	_ =	shalt  }
0x7b: {  	_ =	shalt  }
0x7c: {  	_ =	shalt  }
0x7d: {  	_ =	shalt  }
0x7e: {  	_ =	shalt  }
0x7f: {  	_ =	shalt  }
0x80: {  	_ =	shalt  }
0x81: {  	_ =	shalt  }
0x82: {  	_ =	shalt  }
0x83: {  	_ =	shalt  }
0x84: {  	_ =	shalt  }
0x85: {  	_ =	shalt  }
0x86: {  	_ =	shalt  }
0x87: {  	_ =	shalt  }
.Lfunc_end0:
.L_simem_size_0:
called_computation.1_lowered:
.L_overlay_start_0:
0x88: {  	s2 =	sld [smem:$0x3FD9]  }
0x89: {  	s3 =	sld [smem:$0x3FFE];
	_ =	sdelay $0x1  }
0x8a: {  	s1 =	srdreg.scid  }
0x8b: {  	s0 =	sand.u32 $0x1, s1  }
0x8c: {  	s17 =	sshll.u32 s0, $0xA;
	s2 =	sadd.s32 s3, s2  }
0x8d: {  	s2 =	sadd.s32 s2, s17  }
0x8e: {  	[smem:$0x3FBD] =	sst s2  }
0x8f: {  	_ = 	snop  }
0x90: {  	s2 =	sld [smem:$0x3FD0];
	(tm) =	ssettm $0x1  }
0x91: {  	s18 =	sld [smem:$0x3FFB];
	_ =	sdelay $0x3  }
0x92: {  	_ =	strace s18  }
0x93: {  	s3 =	sld [smem:$0x3FFC];
	_ =	sdelay $0x3  }
0x94: {  	_ =	strace s3  }
0x95: {  	s3 =	sld [smem:$0x3FFD];
	_ =	sdelay $0x3  }
0x96: {  	_ =	strace s3  }
0x97: {  	_ =	strace $0x8FFFFFFF  }
0x98: {  	s19 =	sld [smem:$0x3FDB];
	_ =	sdelay $0x1  }
0x99: {  	s4 =	simm.s32 $_scs_section_size  }
0x9a: {  	s5 =	simm.s32 $_size__tile_overlayer_lowered;
	s6 =	simm.s32 $_tile_overlayer_lowered  }
0x9b: {  	s22 =	simm.s32 $0x1BFF;
	s21 =	sshll.u32 s6, $0x1;
	s3 =	sadd.s32 s4, s19  }
0x9c: {  	s7 =	simm.s32 $0x0;
	s20 =	sshll.u32 s5, $0x1;
	s5 =	sadd.s32 s21, s3  }
0x9d: {  	[timem:s7], [sflag:s22] =	dma.local [hbm:s5], s20  }
0x9e: {  	_ =	swait.ge [sflag:s22], s20  }
0x9f: {  	s4 =	ssub.s32 $0x0, s20;
	[sflag:s22] =	ssyncset.done $0x0  }
0xa0: {  	[sflag:s22] =	ssyncadd.s32 s4;
	_ =	sdelay $0x1  }
0xa1: {  	s23 =	simm.s32 $0x1B8B  }
0xa2: {  	_ =	swait.ge [sflag:s23], $0x1  }
0xa3: {  	[sflag:s23] =	ssyncset.done $0x0  }
0xa4: {  	s25 =	simm.s32 $0x1B8E;
	s24 =	sld [smem:$0x3FFE];
	[sflag:s23] =	ssyncadd.s32 $0xFFFFFFFF  }
0xa5: {  	s26 =	simm.s32 $execute0_lowered;
	[smem:$0x3FD2] =	sst s25  }
0xa6: {  	s5 =	sshll.u32 s26, $0x1;
	_ =	strace $0x80000049;
	[dreg:$0x1] =	wrdreg $0xFFFFFFFF  }
0xa7: {  	s28 =	simm.s32 $_size_execute0_lowered;
	s3 =	sadd.s32 s3, s5;
	[dreg:$0x0] =	wrdreg $0x0  }
0xa8: {  	s5 =	sshll.u32 s28, $0x1;
	[dreg:$0x2] =	wrdreg s3  }
0xa9: {  	[dreg:$0x3] =	wrdreg s5  }
0xaa: {  	[dreg:$0x4] =	wrdreg $0xC0  }
0xab: {  	_ =	task [dreg:s7], $0x5FFFF  }
0xac: {  	[dreg:$0x1] =	wrdreg $0xFFFFFFFF  }
0xad: {  	[dreg:$0x0] =	wrdreg $0x60  }
0xae: {  	[dreg:$0x2] =	wrdreg s24  }
0xaf: {  	[dreg:$0x3] =	wrdreg s2  }
0xb0: {  	[dreg:$0x4] =	wrdreg $0xA8000  }
0xb1: {  	[dreg:$0x5] =	wrdreg $0x9  }
0xb2: {  	_ =	task.clear_ibuf [dreg:s7], $0x6FFFF;
	_ =	strace $0x90000049  }
0xb3: {  	s29 =	simm.s32 $0x9;
	_ =	strace $0x8000004B  }
0xb4: {  	_ =	swait.ge [sflag:s29], $0x1  }
0xb5: {  	[sflag:s29] =	ssyncadd.s32 $0xFFFFFFFF  }
0xb6: {  	_ =	strace $0x9000004B  }
0xb7: {  	_ =	sfence  }
0xb8: {  	s30 =	sld [smem:$0x0];
	_ =	sdelay $0x2  }
0xb9: {  	s31 =	sshll.u32 s1, $0xD;
	s1 =	sshrl.u32 s1, $0x2  }
0xba: {  	s3 =	sand.u32 $0x4000, s31;
	s1 =	sadd.s32 s1, s30  }
0xbb: {  	s0 =	sor.u32 s3, s0;
	s1 =	sshll.u32 s1, $0x11  }
0xbc: {  	s0 =	sor.u32 s1, s0  }
0xbd: {  	s0 =	sadd.s32 $0x8F2B, s0  }
0xbe: {  	[sflag:s0] =	ssyncadd.remote.s32 $0x1  }
0xbf: {  	_ =	sfence.sel $0xFFFF  }
0xc0: {  	[dreg:$0x0] =	wrdreg $0xFFFFFFFF;
	(pc) =	sbr.abs _section_cstart, $3  }
0xc1: {  	[dreg:$0x1] =	wrdreg $0xFFFFFFFF  }
0xc2: {  	_ =	task.clear_ibuf [dreg:s7], $0x2FFFF;
	_ =	strace $0x9FFFFFFF  }
0xc3: {  	(tm) =	ssettm $0x7FFFFFFF  }
tec
execute0_lowered:
.L_overlay_start_1:
0x0: {  	(tag) =	ssettag $0x1  }
0x1: {  	s8 =	rddreg [dreg:$0x0]  }
0x2: {  	s1 =	rddreg [dreg:$0x1]  }
0x3: {  	s2 =	rddreg [dreg:$0x2]  }
0x4: {  	s0 =	rddreg [dreg:$0x3]  }
0x5: {  	s4 =	simm.s32 $0x0;
	s3 =	srdreg.scid;
	s14 =	simm.s32 $0x1400  }
0x6: {  	s15 =	simm.s32 $0x80;
	s16 =	simm.s32 $0x2800;
	s17 =	simm.s32 $0x6800  }
0x7: {  	s18 =	simm.s32 $0x1;
	s19 =	simm.s32 $0x2;
	s20 =	simm.s32 $0x2700  }
0x8: {  	s21 =	simm.s32 $0x2780;
	[smem:$0x7FF] =	sst s4;
	s9 =	sand.u32 $0x1, s3  }
0x9: {  	s3 =	stileid.u32;
	s5 =	sadd.s32 $0x2200, s8;
	s10 =	smul.u32 $0x28000, s9  }
0xa: {  	s6 =	sadd.s32 $0x2A200, s8;
	s7 =	sadd.s32 $0x3E200, s8;
	s11 =	smul.u32 $0x2800, s3  }
0xb: {  	_ =	strace $0x8000004A;
	s12 =	ssub.s32 $0x2, s9;
	s13 =	smul.u32 $0x50000, s3  }
0xc: {  	s29 =	sshll.u32 s9, $0x4;
	s31 =	sshll.u32 s3, $0x6;
	s28 =	sshrl.u32 s12, $0x1  }
0xd: {  	s9 =	sor.u32 s3, s29;
	s10 =	sadd.s32 s11, s10;
	s11 =	ssub.s32 s12, s28  }
0xe: {  	s30 =	sshrl.u32 s13, $0x2;
	s9 =	smul.u32 $0x5000, s9;
	s10 =	sadd.s32 s10, s8  }
0xf: {  	s13 =	sadd.s32 s30, s2;
	s8 =	sor.u32 $0x1C03, s31;
	s11 =	smax.u32 s11, $0x1  }
0x10: {  	s10 =	sadd.s32 $0x40A00, s10;
	s12 =	sshrl.u32 s13, $0x3;
	s13 =	simm.s32 $0x3  }
.LBB2_1:
0x11: {  	[spmem:s12], [sflag:s8] =	dma.local [hbm:s7], $0x2800  }
0x12: {  	_ =	swait.ge [sflag:s13], $0x2800  }
0x13: {  	[sflag:s13] =	ssyncset.done $0x0  }
0x14: {  	[sflag:s13] =	ssyncadd.s32 $0xFFFFD800  }
0x15: {  	s22 =	simm.s32 $0x0;
	[bflag:$0x0] =	sbarrier.arrive $0xFFFF  }
.LBB2_2:
0x16: {  	s23 =	smul.u32 $0x1400, s22;
	_ =	sdelay $0x1  }
0x17: {  	s23 =	sadd.s32 s9, s23  }
0x18: {  	s23 =	sshrl.u32 s23, $0x3  }
0x19: {  	s25 =	simm.s32 $0x0;
	s24 =	sadd.s32 s6, s23  }
0x1a: {  	[tilespmem:s25], [sflag:$0x3] =	stream.linear.gather [hbm4b:s24+s25], $0x1400, $0x38;
	[tilespmem:$0x1E800] =	vst v63  }
0x1b: {  	_ =	swait.ge [sflag:s13], $0x1400  }
0x1c: {  	[sflag:s13] =	ssyncset.done $0x0  }
0x1d: {  	s23 =	sadd.s32 s1, s23;
	[sflag:s13] =	ssyncadd.s32 $0xFFFFEC00  }
0x1e: {  	[tilespmem:s14], [sflag:$0x3] =	stream.linear.gather [hbm4b:s23+s25], $0x1400, $0x38;
	[tilespmem:$0x1E800] =	vst v63  }
0x1f: {  	_ =	swait.ge [sflag:s13], $0x1400  }
0x20: {  	[sflag:s13] =	ssyncset.done $0x0  }
0x21: {  	[sflag:s13] =	ssyncadd.s32 $0xFFFFEC00  }
0x22: {  	[tilespmem:s16], [sflag:$0x1] =	stream.indirect.gather [hbm4b:s5+s15], $0x80, s25, s15, $0xb8;
	[tilespmem:$0x1E800] =	vst v63  }
0x23: {  	_ = 	snop  }
0x24: {  	[tilespmem:s17], [sflag:$0x2] =	stream.indirect.gather [hbm4b:s5+s15], $0x80, s15, s15, $0xb8;
	[tilespmem:$0x1E800] =	vst v63  }
0x25: {  	_ =	swait.ge [sflag:s18], $0x4000  }
0x26: {  	[sflag:s18] =	ssyncset.done $0x0  }
0x27: {  	s29 =	simm.s32 $0x1400;
	[sflag:s18] =	ssyncadd.s32 $0xFFFFC000  }
0x28: {  	[spmem:s2] =	stream.indirect.scatter.add.f32 [tilespmem:s16], [sflag:$0x3], $0x80, s29, s15, $0xb8;
	[tilespmem:$0x1E800] =	vst v63  }
0x29: {  	_ =	swait.ge [sflag:s13], $0x4000  }
0x2a: {  	[sflag:s13] =	ssyncset.done $0x0  }
0x2b: {  	s30 =	simm.s32 $0x100;
	[sflag:s13] =	ssyncadd.s32 $0xFFFFC000  }
0x2c: {  	[tilespmem:s16], [sflag:$0x1] =	stream.indirect.gather [hbm4b:s5+s15], $0x80, s30, s15, $0xb8;
	[tilespmem:$0x1E800] =	vst v63  }
0x2d: {  	_ =	swait.ge [sflag:s19], $0x4000  }
0x2e: {  	[sflag:s19] =	ssyncset.done $0x0  }
0x2f: {  	s31 =	simm.s32 $0x1480;
	[sflag:s19] =	ssyncadd.s32 $0xFFFFC000  }
0x30: {  	[spmem:s2] =	stream.indirect.scatter.add.f32 [tilespmem:s17], [sflag:$0x3], $0x80, s31, s15, $0xb8;
	[tilespmem:$0x1E800] =	vst v63  }
0x31: {  	_ =	swait.ge [sflag:s13], $0x4000  }
0x32: {  	[sflag:s13] =	ssyncset.done $0x0  }
0x33: {  	s24 =	simm.s32 $0x180;
	s23 =	simm.s32 $0x400;
	[sflag:s13] =	ssyncadd.s32 $0xFFFFC000  }
.LBB2_3:
0x34: {  	[tilespmem:s17], [sflag:$0x2] =	stream.indirect.gather [hbm4b:s5+s15], $0x80, s24, s15, $0xb8;
	[tilespmem:$0x1E800] =	vst v63  }
0x35: {  	s24 =	smov.u32 s23  }
0x36: {  	p0 =	sne.s32 s23, $0x4800;
	s23 =	sadd.s32 $0x400, s23;
	_ =	swait.ge [sflag:s18], $0x4000  }
0x37: {  	s24 =	sshra.s32 s24, $0x2;
	[sflag:s18] =	ssyncset.done $0x0  }
0x38: {  	s25 =	sadd.s32 $0x1400, s24;
	[sflag:s18] =	ssyncadd.s32 $0xFFFFC000  }
0x39: {  	[spmem:s2] =	stream.indirect.scatter.add.f32 [tilespmem:s16], [sflag:$0x3], $0x80, s25, s15, $0xb8;
	[tilespmem:$0x1E800] =	vst v63  }
0x3a: {  	_ =	swait.ge [sflag:s13], $0x4000  }
0x3b: {  	[sflag:s13] =	ssyncset.done $0x0  }
0x3c: {  	s25 =	sadd.s32 $0x100, s24;
	[sflag:s13] =	ssyncadd.s32 $0xFFFFC000  }
0x3d: {  	[tilespmem:s16], [sflag:$0x1] =	stream.indirect.gather [hbm4b:s5+s15], $0x80, s25, s15, $0xb8;
	[tilespmem:$0x1E800] =	vst v63  }
0x3e: {  	_ =	swait.ge [sflag:s19], $0x4000  }
0x3f: {  	[sflag:s19] =	ssyncset.done $0x0  }
.Ltmp0:
0x40: {  	s25 =	sadd.s32 $0x1480, s24;
	[sflag:s19] =	ssyncadd.s32 $0xFFFFC000;
	(pc) =	sbr.rel @p0 .LBB2_3-.Ltmp0, $4  }
0x41: {  	[spmem:s2] =	stream.indirect.scatter.add.f32 [tilespmem:s17], [sflag:$0x3], $0x80, s25, s15, $0xb8;
	[tilespmem:$0x1E800] =	vst v63  }
0x42: {  	_ =	swait.ge [sflag:s13], $0x4000  }
0x43: {  	[sflag:s13] =	ssyncset.done $0x0  }
0x44: {  	s24 =	sadd.s32 $0x180, s24;
	[sflag:s13] =	ssyncadd.s32 $0xFFFFC000  }
0x45: {  	[tilespmem:s17], [sflag:$0x2] =	stream.indirect.gather [hbm4b:s5+s15], $0x80, s24, s15, $0xb8;
	[tilespmem:$0x1E800] =	vst v63  }
0x46: {  	_ =	swait.ge [sflag:s18], $0x4000  }
0x47: {  	[sflag:s18] =	ssyncset.done $0x0  }
0x48: {  	[sflag:s18] =	ssyncadd.s32 $0xFFFFC000  }
0x49: {  	[spmem:s2] =	stream.indirect.scatter.add.f32 [tilespmem:s16], [sflag:$0x3], $0x80, s20, s15, $0xb8;
	[tilespmem:$0x1E800] =	vst v63  }
0x4a: {  	_ =	swait.ge [sflag:s13], $0x4000  }
0x4b: {  	[sflag:s13] =	ssyncset.done $0x0  }
0x4c: {  	[sflag:s13] =	ssyncadd.s32 $0xFFFFC000  }
0x4d: {  	s22 =	sadd.s32 $0x1, s22;
	_ =	swait.ge [sflag:s19], $0x4000  }
0x4e: {  	p0 =	sne.s32 s22, $0x4;
	[sflag:s19] =	ssyncset.done $0x0  }
.Ltmp1:
0x4f: {  	[sflag:s19] =	ssyncadd.s32 $0xFFFFC000;
	(pc) =	sbr.rel @p0 .LBB2_2-.Ltmp1, $4  }
0x50: {  	[spmem:s2] =	stream.indirect.scatter.add.f32 [tilespmem:s17], [sflag:$0x3], $0x80, s21, s15, $0xb8;
	[tilespmem:$0x1E800] =	vst v63  }
0x51: {  	_ =	swait.ge [sflag:s13], $0x4000  }
0x52: {  	[sflag:s13] =	ssyncset.done $0x0  }
0x53: {  	[sflag:s13] =	ssyncadd.s32 $0xFFFFC000  }
0x54: {  	[bflag:$0x0] =	sbarrier.arrive $0xFFFF;
	s4 =	sadd.s32 $0x1, s4  }
0x55: {  	[hbm:s10], [sflag:s8] =	dma.local [spmem:s12], $0x2800  }
0x56: {  	p0 =	sne.s32 s4, s11  }
.Ltmp2:
0x57: {  	_ =	swait.ge [sflag:s13], $0x2800;
	(pc) =	sbr.rel @p0 .LBB2_1-.Ltmp2, $3  }
0x58: {  	[sflag:s13] =	ssyncset.done $0x0  }
0x59: {  	[sflag:s13] =	ssyncadd.s32 $0xFFFFD800  }
0x5a: {  	[bflag:$0x0] =	sbarrier.arrive $0xFFFF;
	_ =	sdelay $0x1  }
0x5b: {  	_ =	sfence.sel $0x180000  }
0x5c: {  	[bflag:$0x0] =	sbarrier.arrive $0xFFFF  }
0x5d: {  	p0 =	sne.s32 s3, $0x0;
	_ =	strace $0x9000004A  }
0x5e: {  	s0 =	sadd.s32 @!p0 $0x100000, s0;
	[bflag:$0x2] =	sbarrier.arrive $0xFFFF  }
0x5f: {  	[sflag:s0] =	ssyncadd.tile.s32 @!p0 $0x1;
	_ =	shalt  }
.Lfunc_end2:
_tile_overlayer_lowered:
.L_overlay_start_2:
0x60: {  	(tag) =	ssettag $0x2  }
0x61: {  	s0 =	rddreg [dreg:$0x0];
	s2 =	stileid.u32  }
0x62: {  	s1 =	rddreg [dreg:$0x1];
	p0 =	sne.s32 s2, $0x0  }
0x63: {  	s3 =	rddreg [dreg:$0x2];
	[bflag:$0x3] =	sbarrier.arrive $0xFFFF;
	s2 =	simm.s32 @!p0 $0x1C03  }
0x64: {  	[timem:s3], [sflag:s2] =	dma.local @!p0 [hbm:s0], s1  }
0x65: {  	s0 =	simm.s32 @!p0 $0x3  }
0x66: {  	_ =	swait.ge @!p0 [sflag:s0], s1  }
0x67: {  	s1 =	ssub.s32 @!p0 $0x0, s1;
	[sflag:s0] =	ssyncset.done @!p0 $0x0  }
0x68: {  	[sflag:s0] =	ssyncadd.s32 @!p0 s1  }
0x69: {  	[bflag:$0x3] =	sbarrier.arrive $0xFFFF  }
0x6a: {  	_ =	shalt  }

</sc_bundles>
